<compile_context>
chip_gen: v7x
topology: tpu7x:2x2x1
jax: 0.10.2.dev20260603
libtpu: 0.0.44.dev20260713+nightly
codegen_flags: <defaults>
</compile_context>

<pallas_src>
import functools

import numpy as np
import jax
import jax.numpy as jnp
from jax import lax
from jax.experimental import pallas as pl
from jax.experimental.pallas import tpu as pltpu
from jax.experimental.pallas import tpu_sc as plsc

_NC = 2
_NS = 16
_NW = _NC * _NS
_CB = 256
_CE = _CB
_PAD = 8




def _make_degree_kernel(n, nch):
    npad = n + _PAD
    mesh = plsc.VectorSubcoreMesh(core_axis_name="c", subcore_axis_name="s")

    @functools.partial(
        pl.kernel,
        out_type=(
            jax.ShapeDtypeStruct((_NC, n), jnp.float32),
            jax.ShapeDtypeStruct((_NC, n), jnp.float32),
        ),
        mesh=mesh,
        compiler_params=pltpu.CompilerParams(use_tc_tiling_on_sc=False),
        scratch_types=[
            pltpu.VMEM((nch * _CB,), jnp.int32),
            pltpu.VMEM((nch * _CB,), jnp.int32),
            pltpu.VMEM((_CB,), jnp.float32),
            pltpu.VMEM_SHARED((npad,), jnp.float32),
            pltpu.VMEM_SHARED((npad,), jnp.float32),
            pltpu.SemaphoreType.DMA,
            pltpu.SemaphoreType.DMA,
        ],
    )
    def deg_kernel(row_h, col_h, zeros_h, outc_h, outr_h,
                   ridx, cidx, ones_v, acc_c, acc_r, ssem, rsem):
        cid = lax.axis_index("c")
        sid = lax.axis_index("s")
        wid = cid * _NS + sid

        def fill(i, c):
            ones_v[pl.ds(i * 16, 16)] = jnp.ones((16,), jnp.float32)
            return c
        lax.fori_loop(0, _CB // 16, fill, 0)

        per_w = row_h.shape[1]
        pltpu.sync_copy(row_h.at[wid], ridx.at[pl.ds(0, per_w)])
        pltpu.sync_copy(col_h.at[wid], cidx.at[pl.ds(0, per_w)])
        for k in range((nch * _CB - per_w) // 16):
            ridx[pl.ds(per_w + k * 16, 16)] = jnp.zeros((16,), jnp.int32)
            cidx[pl.ds(per_w + k * 16, 16)] = jnp.full((16,), n, jnp.int32)

        @pl.when(sid == 0)
        def _():
            pltpu.sync_copy(zeros_h, acc_c)
            pltpu.sync_copy(zeros_h, acc_r)
        plsc.subcore_barrier()

        def body(i, c):
            pltpu.async_copy(ones_v, acc_c.at[cidx.at[pl.ds(i * _CB, _CB)]],
                             ssem, add=True)
            pltpu.async_copy(ones_v, acc_r.at[ridx.at[pl.ds(i * _CB, _CB)]],
                             rsem, add=True)
            return c
        lax.fori_loop(0, nch, body, 0)

        def drain(i, c):
            pltpu.make_async_copy(ones_v, acc_c.at[cidx.at[pl.ds(0, _CB)]],
                                  ssem).wait()
            pltpu.make_async_copy(ones_v, acc_r.at[ridx.at[pl.ds(0, _CB)]],
                                  rsem).wait()
            return c
        lax.fori_loop(0, nch, drain, 0)
        plsc.subcore_barrier()

        @pl.when(sid == 0)
        def _():
            pltpu.sync_copy(acc_c.at[pl.ds(0, n)], outc_h.at[cid])
            pltpu.sync_copy(acc_r.at[pl.ds(0, n)], outr_h.at[cid])

    return deg_kernel


def _make_mp_kernel(n, nch, d):
    npad = n + _PAD
    mesh = plsc.VectorSubcoreMesh(core_axis_name="c", subcore_axis_name="s")
    assert nch % 2 == 0

    @functools.partial(
        pl.kernel,
        out_type=jax.ShapeDtypeStruct((_NC, n, d), jnp.float32),
        mesh=mesh,
        compiler_params=pltpu.CompilerParams(use_tc_tiling_on_sc=False),
        scratch_types=[
            pltpu.VMEM((nch * _CB,), jnp.int32),
            pltpu.VMEM((nch * _CB,), jnp.int32),
            [pltpu.VMEM((_CB, d), jnp.float32) for _ in range(4)],
            pltpu.VMEM_SHARED((npad, d), jnp.float32),
            [pltpu.SemaphoreType.DMA for _ in range(4)],
            [pltpu.SemaphoreType.DMA for _ in range(4)],
        ],
    )
    def mp_kernel(g_h, row_h, col_h, zeros_h, out_h,
                  ridx, cidx, msg, acc, gsem, ssem):
        cid = lax.axis_index("c")
        sid = lax.axis_index("s")
        wid = cid * _NS + sid

        per_w = row_h.shape[1]
        pltpu.sync_copy(row_h.at[wid], ridx.at[pl.ds(0, per_w)])
        pltpu.sync_copy(col_h.at[wid], cidx.at[pl.ds(0, per_w)])
        for k in range((nch * _CB - per_w) // 16):
            ridx[pl.ds(per_w + k * 16, 16)] = jnp.zeros((16,), jnp.int32)
            cidx[pl.ds(per_w + k * 16, 16)] = jnp.full((16,), n, jnp.int32)

        rpt = n // _NS
        pltpu.sync_copy(zeros_h.at[pl.ds(sid * rpt, rpt)],
                        acc.at[pl.ds(sid * rpt, rpt)])

        @pl.when(sid == 0)
        def _():
            pltpu.sync_copy(zeros_h.at[pl.ds(n, _PAD)], acc.at[pl.ds(n, _PAD)])
        plsc.subcore_barrier()

        def wait_gather(b):
            pltpu.make_async_copy(g_h.at[ridx.at[pl.ds(0, _CB)]], msg[b], gsem[b]).wait()

        def wait_scatter(b):
            pltpu.make_async_copy(msg[b], acc.at[cidx.at[pl.ds(0, _CB)]], ssem[b]).wait()

        pltpu.async_copy(g_h.at[ridx.at[pl.ds(0, _CB)]], msg[0], gsem[0])
        pltpu.async_copy(g_h.at[ridx.at[pl.ds(_CB, _CB)]], msg[1], gsem[1])

        assert nch % 4 == 0

        def body(p, c):
            for k in range(4):
                i = 4 * p + k
                b = k
                b2 = (k + 2) % 4
                wait_gather(b)
                pltpu.async_copy(msg[b], acc.at[cidx.at[pl.ds(i * _CB, _CB)]], ssem[b], add=True)

                @pl.when(jnp.logical_and(i >= 2, i + 2 < nch))
                def _():
                    wait_scatter(b2)

                @pl.when(i + 2 < nch)
                def _():
                    pltpu.async_copy(g_h.at[ridx.at[pl.ds((i + 2) * _CB, _CB)]], msg[b2], gsem[b2])
            return c
        lax.fori_loop(0, nch // 4, body, 0)
        for j in range(nch - 4, nch):
            wait_scatter(j % 4)
        plsc.subcore_barrier()

        @pl.when(sid == 0)
        def _():
            pltpu.sync_copy(acc.at[pl.ds(0, n)], out_h.at[cid])

    return mp_kernel




def _mm_body(x_ref, w1_ref, p_ref):
    p_ref[...] = jnp.dot(x_ref[...], w1_ref[...],
                         preferred_element_type=jnp.float32)


def _make_prep_body(pad_corr):
    def _prep_body(degc_ref, degr_ref, p_ref, dw1_ref, db1_ref,
                   dw2_ref, db2_ref, g1_ref, dinv_ref, demb_ref):
        degc = degc_ref[...]
        dinv = lax.rsqrt(degc[0] + degc[1] + 1.0)
        dinv_ref[...] = dinv
        g1_ref[...] = p_ref[...] * dinv[:, None]

        degr = degr_ref[...]
        outdeg = degr[0] + degr[1]
        n = outdeg.shape[0]
        lane = lax.broadcasted_iota(jnp.int32, (n,), 0)
        outdeg = outdeg - jnp.where(lane == 0, pad_corr, 0.0)
        demb = db2_ref[...][None, :]
        for j in range(8):
            sj = jnp.sum(jax.nn.relu(outdeg * dw1_ref[0, j] + db1_ref[j])) / n
            demb = demb + sj * dw2_ref[j:j + 1, :]
        demb_ref[...] = demb
    return _prep_body


def _mid_body(s_ref, g1_ref, dinv_ref, b1_ref, w2_ref, g2_ref):
    dinv = dinv_ref[...]
    h1 = jax.nn.relu((s_ref[0] + s_ref[1] + g1_ref[...]) * dinv[:, None]
                     + b1_ref[...][None, :])
    g2_ref[...] = jnp.dot(h1, w2_ref[...],
                          preferred_element_type=jnp.float32) * dinv[:, None]


def _fin_body(s_ref, g2_ref, dinv_ref, b2_ref, embw_ref, embb_ref, demb_ref,
              gsw1_ref, gsb1_ref, gsw2_ref, gsb2_ref, finw_ref, finb_ref,
              stats_ref, out_ref):
    dinv = dinv_ref[...]
    h2 = jax.nn.relu((s_ref[0] + s_ref[1] + g2_ref[...]) * dinv[:, None]
                     + b2_ref[...][None, :])
    hid = h2.shape[1]
    p_sum = jnp.sum(h2, axis=0, keepdims=True)
    p_mean = p_sum / h2.shape[0]
    p_max = jnp.max(h2, axis=0, keepdims=True)
    embw = embw_ref[...]
    dot = functools.partial(jnp.dot, preferred_element_type=jnp.float32)
    ge = jax.nn.relu(dot(p_mean, embw[0:hid])
                     + dot(p_sum, embw[hid:2 * hid])
                     + dot(p_max, embw[2 * hid:3 * hid])
                     + embb_ref[...][None, :])
    a1 = jax.nn.relu(dot(stats_ref[...], gsw1_ref[...]) + gsb1_ref[...][None, :])
    gse = dot(a1, gsw2_ref[...]) + gsb2_ref[...][None, :]
    finw = finw_ref[...]
    obs = (dot(ge, finw[0:64]) + dot(demb_ref[...], finw[64:72])
           + dot(gse, finw[72:88]) + finb_ref[...][None, :])
    out_ref[...] = obs


def _tc_call(body, out_shape, *args):
    return pl.pallas_call(body, out_shape=out_shape)(*args)




def kernel(x, edge_index, conv1_W, conv1_b, conv2_W, conv2_b, emb_W, emb_b,
           deg_W1, deg_b1, deg_W2, deg_b2, gs_W1, gs_b1, gs_W2, gs_b2,
           fin_W, fin_b):
    n, in_ch = x.shape
    e = edge_index.shape[1]
    hid = conv1_W.shape[1]

    per_w = e // _NW
    nch = -(-per_w // _CE)
    if nch % 2:
        nch += 1
    quota = nch * _CE
    pad = quota - per_w

    rowp = edge_index[0].reshape(_NW, per_w)
    colp = edge_index[1].reshape(_NW, per_w)

    zeros_n = jnp.zeros((n + _PAD,), jnp.float32)
    zeros_2d = jnp.zeros((n + _PAD, hid), jnp.float32)

    graph_size = n / 100.0
    edge_density = (e / 2.0) / (n * (n - 1) / 2.0)
    avg_path_length = 1.0 / (edge_density + 1e-06)
    stats = jnp.asarray(np.array(
        [[graph_size, edge_density, edge_density, avg_path_length, 1.0]],
        dtype=np.float32))

    deg_k = _make_degree_kernel(n, nch)
    mp_k = _make_mp_kernel(n, nch, hid)

    degc, degr = deg_k(rowp, colp, zeros_n)

    p1 = _tc_call(_mm_body, jax.ShapeDtypeStruct((n, hid), jnp.float32),
                  x, conv1_W)

    g1, dinv, demb = _tc_call(
        _make_prep_body(float(pad * _NW)),
        (jax.ShapeDtypeStruct((n, hid), jnp.float32),
         jax.ShapeDtypeStruct((n,), jnp.float32),
         jax.ShapeDtypeStruct((1, 8), jnp.float32)),
        degc, degr, p1, deg_W1, deg_b1, deg_W2, deg_b2)

    s1 = mp_k(g1, rowp, colp, zeros_2d)

    g2 = _tc_call(
        _mid_body,
        jax.ShapeDtypeStruct((n, hid), jnp.float32),
        s1, g1, dinv, conv1_b, conv2_W)

    s2 = mp_k(g2, rowp, colp, zeros_2d)

    obs = _tc_call(
        _fin_body,
        jax.ShapeDtypeStruct((1, 64), jnp.float32),
        s2, g2, dinv, conv2_b, emb_W, emb_b, demb,
        gs_W1, gs_b1, gs_W2, gs_b2, fin_W, fin_b, stats)

    return obs.reshape(-1)

# --- scband reference (transcript-rebuilt; emitter-appended) ---
"""Pipeline reference for scband-graph-observation-extractor-77223511982601 (READ-ONLY COPY).

The authoritative reference and input builder live on the scoring server;
editing this copy changes nothing except your own understanding.
"""

import jax, jax.numpy as jnp
import numpy as np

N = 10000
E = 320000
IN_CH = 128
HID = 64
EMB = 64


def _init(key, shape, scale=0.05):
    return scale * jax.random.normal(key, shape, dtype=jnp.float32)


def setup_inputs(seed: int = 0):
    key = jax.random.key(seed)
    ks = jax.random.split(key, 20)
    inp = {}
    inp["x"] = jax.random.normal(ks[0], (N, IN_CH), dtype=jnp.float32)
    inp["edge_index"] = jax.random.randint(ks[1], (2, E), 0, N, dtype=jnp.int32)
    inp["conv1_W"] = _init(ks[2], (IN_CH, HID))
    inp["conv1_b"] = jnp.zeros((HID,), jnp.float32)
    inp["conv2_W"] = _init(ks[3], (HID, HID))
    inp["conv2_b"] = jnp.zeros((HID,), jnp.float32)
    inp["emb_W"] = _init(ks[4], (3 * HID, EMB))
    inp["emb_b"] = jnp.zeros((EMB,), jnp.float32)
    inp["deg_W1"] = _init(ks[5], (1, 8))
    inp["deg_b1"] = jnp.zeros((8,), jnp.float32)
    inp["deg_W2"] = _init(ks[6], (8, 8))
    inp["deg_b2"] = jnp.zeros((8,), jnp.float32)
    inp["gs_W1"] = _init(ks[7], (5, 16))
    inp["gs_b1"] = jnp.zeros((16,), jnp.float32)
    inp["gs_W2"] = _init(ks[8], (16, 16))
    inp["gs_b2"] = jnp.zeros((16,), jnp.float32)
    inp["fin_W"] = _init(ks[9], (EMB + 8 + 16, EMB))
    inp["fin_b"] = jnp.zeros((EMB,), jnp.float32)
    return inp


def gcn_conv(x, edge_index, W, b):
    # Faithful GCNConv: add self loops, symmetric deg^{-1/2} normalization,
    # linear transform, scatter-add aggregation from src (row) to dst (col).
    n = x.shape[0]
    loop = jnp.arange(n, dtype=edge_index.dtype)
    row = jnp.concatenate([edge_index[0], loop])
    col = jnp.concatenate([edge_index[1], loop])
    deg = jnp.zeros((n,), jnp.float32).at[col].add(1.0)
    dinv = jnp.where(deg > 0, 1.0 / jnp.sqrt(deg), 0.0)
    norm = dinv[row] * dinv[col]
    h = x @ W
    msg = h[row] * norm[:, None]
    out = jnp.zeros((n, h.shape[1]), jnp.float32).at[col].add(msg)
    return out + b


def _forward(x, edge_index, conv1_W, conv1_b, conv2_W, conv2_b, emb_W, emb_b,
             deg_W1, deg_b1, deg_W2, deg_b2, gs_W1, gs_b1, gs_W2, gs_b2, fin_W, fin_b):
    n = x.shape[0]
    e = edge_index.shape[1]
    # degree(edge_index[0], num_nodes)
    node_deg = jnp.zeros((n,), jnp.float32).at[edge_index[0]].add(1.0)
    h = jax.nn.relu(gcn_conv(x, edge_index, conv1_W, conv1_b))
    h = jax.nn.relu(gcn_conv(h, edge_index, conv2_W, conv2_b))
    # batch is None -> single graph pooling
    pooled_mean = jnp.mean(h, axis=0, keepdims=True)
    pooled_sum = jnp.sum(h, axis=0, keepdims=True)
    pooled_max = jnp.max(h, axis=0, keepdims=True)
    pooled = jnp.concatenate([pooled_mean, pooled_sum, pooled_max], axis=1)
    graph_embedding = jax.nn.relu(pooled @ emb_W + emb_b)
    d = jax.nn.relu(node_deg[:, None] @ deg_W1 + deg_b1) @ deg_W2 + deg_b2
    degree_embedding = jnp.mean(d, axis=0, keepdims=True)
    graph_size = n / 100.0
    edge_count = e / 2.0
    max_edges = n * (n - 1) / 2.0
    edge_density = edge_count / max_edges
    avg_path_length = 1.0 / (edge_density + 1e-06)
    stats = jnp.array([[graph_size, edge_density, edge_density, avg_path_length, 1.0]], dtype=jnp.float32)
    gse = jax.nn.relu(stats @ gs_W1 + gs_b1) @ gs_W2 + gs_b2
    combined = jnp.concatenate([graph_embedding, degree_embedding, gse], axis=1)
    obs = combined @ fin_W + fin_b
    return obs.reshape(-1)


def reference(x, edge_index, conv1_W, conv1_b, conv2_W, conv2_b, emb_W, emb_b,
              deg_W1, deg_b1, deg_W2, deg_b2, gs_W1, gs_b1, gs_W2, gs_b2, fin_W, fin_b):
    return _forward(x, edge_index, conv1_W, conv1_b, conv2_W, conv2_b, emb_W, emb_b,
                    deg_W1, deg_b1, deg_W2, deg_b2, gs_W1, gs_b1, gs_W2, gs_b2, fin_W, fin_b)

if __name__ == "__main__":
    import jax
    _d = setup_inputs()
    print(jax.jit(kernel)(*tuple(_d.values())))

</pallas_src>

<mosaic_0001>
#map = affine_map<(d0, d1) -> (0, 0)>
#map1 = affine_map<(d0, d1) -> (0)>
module attributes {stable_mosaic.version = 14 : i64} {
  func.func @deg_kernel(%arg0: i32, %arg1: i32, %arg2: memref<32x10000xi32, #tpu.memory_space<hbm>>, %arg3: memref<32x10000xi32, #tpu.memory_space<hbm>>, %arg4: memref<10008xf32, #tpu.memory_space<hbm>>, %arg5: memref<2x10000xf32, #tpu.memory_space<hbm>>, %arg6: memref<2x10000xf32, #tpu.memory_space<hbm>>, %arg7: memref<10240xi32, #tpu.memory_space<vmem>>, %arg8: memref<10240xi32, #tpu.memory_space<vmem>>, %arg9: memref<256xf32, #tpu.memory_space<vmem>>, %arg10: memref<10008xf32, #tpu.memory_space<vmem_shared>>, %arg11: memref<10008xf32, #tpu.memory_space<vmem_shared>>, %arg12: memref<!tpu.dma_semaphore, #tpu.memory_space<semaphore_mem>>, %arg13: memref<!tpu.dma_semaphore, #tpu.memory_space<semaphore_mem>>) attributes {dimension_semantics = [#tpu.dimension_semantics<core_parallel>, #tpu.dimension_semantics<subcore_parallel>], iteration_bounds = array<i64: 2, 16>, scalar_prefetch = 0 : i64, scratch_operands = 7 : i64, tpu.core_type = #tpu.core_type<sc_vector_subcore>, window_params = [{transform_indices = #map}, {transform_indices = #map}, {transform_indices = #map1}, {transform_indices = #map}, {transform_indices = #map}]} {
    %mul3A = arith.constant 16 : i32
    %mul3A_0 = arith.muli %arg0, %mul3A : i32
    %add3A = arith.addi %mul3A_0, %arg1 : i32
    %scan3A = arith.constant 0 : i32
    %scan3A_1 = arith.constant 0 : i32
    %scan3A_2 = arith.constant 16 : i32
    %scan3A_3 = arith.addi %scan3A_1, %scan3A_2 : i32
    %scan3A_4 = arith.constant 1 : i32
    scf.for %scan3A_204 = %scan3A_1 to %scan3A_3 step %scan3A_4  : i32 {
      %broadcast_in_dim3A_205 = arith.constant 1.000000e+00 : f32
      %broadcast_in_dim3A_206 = vector.broadcast %broadcast_in_dim3A_205 : f32 to vector<16xf32>
      %mul3A_207 = arith.constant 16 : i32
      %mul3A_208 = arith.muli %scan3A_204, %mul3A_207 : i32
      %swap3A_209 = arith.index_cast %mul3A_208 : i32 to index
      %swap3A_210 = tpu.vector_load %arg9[%swap3A_209] {strides = array<i32>} : memref<256xf32, #tpu.memory_space<vmem>>, vector<16xf32>,
      %swap3A_211 = vector.shape_cast %swap3A_210 : vector<16xf32> to vector<16xf32>
      %swap3A_212 = vector.shape_cast %broadcast_in_dim3A_206 : vector<16xf32> to vector<16xf32>
      tpu.vector_store %arg9[%swap3A_209], %swap3A_212 {strides = array<i32>} : memref<256xf32, #tpu.memory_space<vmem>>, vector<16xf32>,
    }
    %scan3A_5 = arith.constant 16 : i32
    "tpu.region"() ({
      %run_scoped3A = tpu.sem_alloc : memref<!tpu.dma_semaphore, #tpu.memory_space<semaphore_mem>>
      %dma_start3A = arith.constant 0 : i32
      %dma_start3A_204 = tpu.memref_slice %arg7[%dma_start3A] : memref<10240xi32, #tpu.memory_space<vmem>> -> memref<10000xi32, #tpu.memory_space<vmem>>
      %dma_start3A_205 = arith.constant 0 : i32
      %dma_start3A_206 = tpu.memref_slice %arg2[%add3A, %dma_start3A_205] : memref<32x10000xi32, #tpu.memory_space<hbm>> -> memref<1x10000xi32, #tpu.memory_space<hbm>>
      %dma_start3A_207 = tpu.memref_squeeze %dma_start3A_206 : memref<1x10000xi32, #tpu.memory_space<hbm>> -> memref<10000xi32, #tpu.memory_space<hbm>>
      %dma_start3A_208 = arith.constant 0 : i32
      %dma_start3A_209 = tpu.memref_slice %arg7[%dma_start3A_208] : memref<10240xi32, #tpu.memory_space<vmem>> -> memref<10000xi32, #tpu.memory_space<vmem>>
      %dma_start3A_210 = arith.constant 0 : i32
      %dma_start3A_211 = tpu.memref_slice %arg2[%add3A, %dma_start3A_210] : memref<32x10000xi32, #tpu.memory_space<hbm>> -> memref<1x10000xi32, #tpu.memory_space<hbm>>
      %dma_start3A_212 = tpu.memref_squeeze %dma_start3A_211 : memref<1x10000xi32, #tpu.memory_space<hbm>> -> memref<10000xi32, #tpu.memory_space<hbm>>
      tpu.enqueue_dma source(%dma_start3A_212 : memref<10000xi32, #tpu.memory_space<hbm>>) target(%dma_start3A_209 : memref<10000xi32, #tpu.memory_space<vmem>>) target_semaphore(%run_scoped3A : memref<!tpu.dma_semaphore, #tpu.memory_space<semaphore_mem>>)
      %dma_wait3A = arith.constant 0 : i32
      %dma_wait3A_213 = tpu.memref_slice %arg7[%dma_wait3A] : memref<10240xi32, #tpu.memory_space<vmem>> -> memref<10000xi32, #tpu.memory_space<vmem>>
      %dma_wait3A_214 = arith.constant 0 : i32
      %dma_wait3A_215 = tpu.memref_slice %arg2[%add3A, %dma_wait3A_214] : memref<32x10000xi32, #tpu.memory_space<hbm>> -> memref<1x10000xi32, #tpu.memory_space<hbm>>
      %dma_wait3A_216 = tpu.memref_squeeze %dma_wait3A_215 : memref<1x10000xi32, #tpu.memory_space<hbm>> -> memref<10000xi32, #tpu.memory_space<hbm>>
      %dma_wait3A_217 = arith.constant 0 : i32
      %dma_wait3A_218 = tpu.memref_slice %arg7[%dma_wait3A_217] : memref<10240xi32, #tpu.memory_space<vmem>> -> memref<10000xi32, #tpu.memory_space<vmem>>
      %dma_wait3A_219 = arith.constant 0 : i32
      %dma_wait3A_220 = tpu.memref_slice %arg2[%add3A, %dma_wait3A_219] : memref<32x10000xi32, #tpu.memory_space<hbm>> -> memref<1x10000xi32, #tpu.memory_space<hbm>>
      %dma_wait3A_221 = tpu.memref_squeeze %dma_wait3A_220 : memref<1x10000xi32, #tpu.memory_space<hbm>> -> memref<10000xi32, #tpu.memory_space<hbm>>
      tpu.wait_dma2 semaphore(%run_scoped3A : memref<!tpu.dma_semaphore, #tpu.memory_space<semaphore_mem>>) src(%dma_wait3A_221 : memref<10000xi32, #tpu.memory_space<hbm>>) dst(%dma_wait3A_218 : memref<10000xi32, #tpu.memory_space<vmem>>)
      tpu.yield
    }) : () -> ()
    "tpu.region"() ({
      %run_scoped3A = tpu.sem_alloc : memref<!tpu.dma_semaphore, #tpu.memory_space<semaphore_mem>>
      %dma_start3A = arith.constant 0 : i32
      %dma_start3A_204 = tpu.memref_slice %arg8[%dma_start3A] : memref<10240xi32, #tpu.memory_space<vmem>> -> memref<10000xi32, #tpu.memory_space<vmem>>
      %dma_start3A_205 = arith.constant 0 : i32
      %dma_start3A_206 = tpu.memref_slice %arg3[%add3A, %dma_start3A_205] : memref<32x10000xi32, #tpu.memory_space<hbm>> -> memref<1x10000xi32, #tpu.memory_space<hbm>>
      %dma_start3A_207 = tpu.memref_squeeze %dma_start3A_206 : memref<1x10000xi32, #tpu.memory_space<hbm>> -> memref<10000xi32, #tpu.memory_space<hbm>>
      %dma_start3A_208 = arith.constant 0 : i32
      %dma_start3A_209 = tpu.memref_slice %arg8[%dma_start3A_208] : memref<10240xi32, #tpu.memory_space<vmem>> -> memref<10000xi32, #tpu.memory_space<vmem>>
      %dma_start3A_210 = arith.constant 0 : i32
      %dma_start3A_211 = tpu.memref_slice %arg3[%add3A, %dma_start3A_210] : memref<32x10000xi32, #tpu.memory_space<hbm>> -> memref<1x10000xi32, #tpu.memory_space<hbm>>
      %dma_start3A_212 = tpu.memref_squeeze %dma_start3A_211 : memref<1x10000xi32, #tpu.memory_space<hbm>> -> memref<10000xi32, #tpu.memory_space<hbm>>
      tpu.enqueue_dma source(%dma_start3A_212 : memref<10000xi32, #tpu.memory_space<hbm>>) target(%dma_start3A_209 : memref<10000xi32, #tpu.memory_space<vmem>>) target_semaphore(%run_scoped3A : memref<!tpu.dma_semaphore, #tpu.memory_space<semaphore_mem>>)
      %dma_wait3A = arith.constant 0 : i32
      %dma_wait3A_213 = tpu.memref_slice %arg8[%dma_wait3A] : memref<10240xi32, #tpu.memory_space<vmem>> -> memref<10000xi32, #tpu.memory_space<vmem>>
      %dma_wait3A_214 = arith.constant 0 : i32
      %dma_wait3A_215 = tpu.memref_slice %arg3[%add3A, %dma_wait3A_214] : memref<32x10000xi32, #tpu.memory_space<hbm>> -> memref<1x10000xi32, #tpu.memory_space<hbm>>
      %dma_wait3A_216 = tpu.memref_squeeze %dma_wait3A_215 : memref<1x10000xi32, #tpu.memory_space<hbm>> -> memref<10000xi32, #tpu.memory_space<hbm>>
      %dma_wait3A_217 = arith.constant 0 : i32
      %dma_wait3A_218 = tpu.memref_slice %arg8[%dma_wait3A_217] : memref<10240xi32, #tpu.memory_space<vmem>> -> memref<10000xi32, #tpu.memory_space<vmem>>
      %dma_wait3A_219 = arith.constant 0 : i32
      %dma_wait3A_220 = tpu.memref_slice %arg3[%add3A, %dma_wait3A_219] : memref<32x10000xi32, #tpu.memory_space<hbm>> -> memref<1x10000xi32, #tpu.memory_space<hbm>>
      %dma_wait3A_221 = tpu.memref_squeeze %dma_wait3A_220 : memref<1x10000xi32, #tpu.memory_space<hbm>> -> memref<10000xi32, #tpu.memory_space<hbm>>
      tpu.wait_dma2 semaphore(%run_scoped3A : memref<!tpu.dma_semaphore, #tpu.memory_space<semaphore_mem>>) src(%dma_wait3A_221 : memref<10000xi32, #tpu.memory_space<hbm>>) dst(%dma_wait3A_218 : memref<10000xi32, #tpu.memory_space<vmem>>)
      tpu.yield
    }) : () -> ()
    %broadcast_in_dim3A = arith.constant 0 : i32
    %broadcast_in_dim3A_6 = vector.broadcast %broadcast_in_dim3A : i32 to vector<16xi32>
    %swap3A = arith.constant 10000 : index
    %swap3A_7 = tpu.vector_load %arg7[%swap3A] {strides = array<i32>} : memref<10240xi32, #tpu.memory_space<vmem>>, vector<16xi32>,
    %swap3A_8 = vector.shape_cast %swap3A_7 : vector<16xi32> to vector<16xi32>
    %swap3A_9 = vector.shape_cast %broadcast_in_dim3A_6 : vector<16xi32> to vector<16xi32>
    tpu.vector_store %arg7[%swap3A], %swap3A_9 {strides = array<i32>} : memref<10240xi32, #tpu.memory_space<vmem>>, vector<16xi32>,
    %broadcast_in_dim3A_10 = arith.constant 10000 : i32
    %broadcast_in_dim3A_11 = vector.broadcast %broadcast_in_dim3A_10 : i32 to vector<16xi32>
    %swap3A_12 = arith.constant 10000 : index
    %swap3A_13 = tpu.vector_load %arg8[%swap3A_12] {strides = array<i32>} : memref<10240xi32, #tpu.memory_space<vmem>>, vector<16xi32>,
    %swap3A_14 = vector.shape_cast %swap3A_13 : vector<16xi32> to vector<16xi32>
    %swap3A_15 = vector.shape_cast %broadcast_in_dim3A_11 : vector<16xi32> to vector<16xi32>
    tpu.vector_store %arg8[%swap3A_12], %swap3A_15 {strides = array<i32>} : memref<10240xi32, #tpu.memory_space<vmem>>, vector<16xi32>,
    %broadcast_in_dim3A_16 = arith.constant 0 : i32
    %broadcast_in_dim3A_17 = vector.broadcast %broadcast_in_dim3A_16 : i32 to vector<16xi32>
    %swap3A_18 = arith.constant 10016 : index
    %swap3A_19 = tpu.vector_load %arg7[%swap3A_18] {strides = array<i32>} : memref<10240xi32, #tpu.memory_space<vmem>>, vector<16xi32>,
    %swap3A_20 = vector.shape_cast %swap3A_19 : vector<16xi32> to vector<16xi32>
    %swap3A_21 = vector.shape_cast %broadcast_in_dim3A_17 : vector<16xi32> to vector<16xi32>
    tpu.vector_store %arg7[%swap3A_18], %swap3A_21 {strides = array<i32>} : memref<10240xi32, #tpu.memory_space<vmem>>, vector<16xi32>,
    %broadcast_in_dim3A_22 = arith.constant 10000 : i32
    %broadcast_in_dim3A_23 = vector.broadcast %broadcast_in_dim3A_22 : i32 to vector<16xi32>
    %swap3A_24 = arith.constant 10016 : index
    %swap3A_25 = tpu.vector_load %arg8[%swap3A_24] {strides = array<i32>} : memref<10240xi32, #tpu.memory_space<vmem>>, vector<16xi32>,
    %swap3A_26 = vector.shape_cast %swap3A_25 : vector<16xi32> to vector<16xi32>
    %swap3A_27 = vector.shape_cast %broadcast_in_dim3A_23 : vector<16xi32> to vector<16xi32>
    tpu.vector_store %arg8[%swap3A_24], %swap3A_27 {strides = array<i32>} : memref<10240xi32, #tpu.memory_space<vmem>>, vector<16xi32>,
    %broadcast_in_dim3A_28 = arith.constant 0 : i32
    %broadcast_in_dim3A_29 = vector.broadcast %broadcast_in_dim3A_28 : i32 to vector<16xi32>
    %swap3A_30 = arith.constant 10032 : index
    %swap3A_31 = tpu.vector_load %arg7[%swap3A_30] {strides = array<i32>} : memref<10240xi32, #tpu.memory_space<vmem>>, vector<16xi32>,
    %swap3A_32 = vector.shape_cast %swap3A_31 : vector<16xi32> to vector<16xi32>
    %swap3A_33 = vector.shape_cast %broadcast_in_dim3A_29 : vector<16xi32> to vector<16xi32>
    tpu.vector_store %arg7[%swap3A_30], %swap3A_33 {strides = array<i32>} : memref<10240xi32, #tpu.memory_space<vmem>>, vector<16xi32>,
    %broadcast_in_dim3A_34 = arith.constant 10000 : i32
    %broadcast_in_dim3A_35 = vector.broadcast %broadcast_in_dim3A_34 : i32 to vector<16xi32>
    %swap3A_36 = arith.constant 10032 : index
    %swap3A_37 = tpu.vector_load %arg8[%swap3A_36] {strides = array<i32>} : memref<10240xi32, #tpu.memory_space<vmem>>, vector<16xi32>,
    %swap3A_38 = vector.shape_cast %swap3A_37 : vector<16xi32> to vector<16xi32>
    %swap3A_39 = vector.shape_cast %broadcast_in_dim3A_35 : vector<16xi32> to vector<16xi32>
    tpu.vector_store %arg8[%swap3A_36], %swap3A_39 {strides = array<i32>} : memref<10240xi32, #tpu.memory_space<vmem>>, vector<16xi32>,
    %broadcast_in_dim3A_40 = arith.constant 0 : i32
    %broadcast_in_dim3A_41 = vector.broadcast %broadcast_in_dim3A_40 : i32 to vector<16xi32>
    %swap3A_42 = arith.constant 10048 : index
    %swap3A_43 = tpu.vector_load %arg7[%swap3A_42] {strides = array<i32>} : memref<10240xi32, #tpu.memory_space<vmem>>, vector<16xi32>,
    %swap3A_44 = vector.shape_cast %swap3A_43 : vector<16xi32> to vector<16xi32>
    %swap3A_45 = vector.shape_cast %broadcast_in_dim3A_41 : vector<16xi32> to vector<16xi32>
    tpu.vector_store %arg7[%swap3A_42], %swap3A_45 {strides = array<i32>} : memref<10240xi32, #tpu.memory_space<vmem>>, vector<16xi32>,
    %broadcast_in_dim3A_46 = arith.constant 10000 : i32
    %broadcast_in_dim3A_47 = vector.broadcast %broadcast_in_dim3A_46 : i32 to vector<16xi32>
    %swap3A_48 = arith.constant 10048 : index
    %swap3A_49 = tpu.vector_load %arg8[%swap3A_48] {strides = array<i32>} : memref<10240xi32, #tpu.memory_space<vmem>>, vector<16xi32>,
    %swap3A_50 = vector.shape_cast %swap3A_49 : vector<16xi32> to vector<16xi32>
    %swap3A_51 = vector.shape_cast %broadcast_in_dim3A_47 : vector<16xi32> to vector<16xi32>
    tpu.vector_store %arg8[%swap3A_48], %swap3A_51 {strides = array<i32>} : memref<10240xi32, #tpu.memory_space<vmem>>, vector<16xi32>,
    %broadcast_in_dim3A_52 = arith.constant 0 : i32
    %broadcast_in_dim3A_53 = vector.broadcast %broadcast_in_dim3A_52 : i32 to vector<16xi32>
    %swap3A_54 = arith.constant 10064 : index
    %swap3A_55 = tpu.vector_load %arg7[%swap3A_54] {strides = array<i32>} : memref<10240xi32, #tpu.memory_space<vmem>>, vector<16xi32>,
    %swap3A_56 = vector.shape_cast %swap3A_55 : vector<16xi32> to vector<16xi32>
    %swap3A_57 = vector.shape_cast %broadcast_in_dim3A_53 : vector<16xi32> to vector<16xi32>
    tpu.vector_store %arg7[%swap3A_54], %swap3A_57 {strides = array<i32>} : memref<10240xi32, #tpu.memory_space<vmem>>, vector<16xi32>,
    %broadcast_in_dim3A_58 = arith.constant 10000 : i32
    %broadcast_in_dim3A_59 = vector.broadcast %broadcast_in_dim3A_58 : i32 to vector<16xi32>
    %swap3A_60 = arith.constant 10064 : index
    %swap3A_61 = tpu.vector_load %arg8[%swap3A_60] {strides = array<i32>} : memref<10240xi32, #tpu.memory_space<vmem>>, vector<16xi32>,
    %swap3A_62 = vector.shape_cast %swap3A_61 : vector<16xi32> to vector<16xi32>
    %swap3A_63 = vector.shape_cast %broadcast_in_dim3A_59 : vector<16xi32> to vector<16xi32>
    tpu.vector_store %arg8[%swap3A_60], %swap3A_63 {strides = array<i32>} : memref<10240xi32, #tpu.memory_space<vmem>>, vector<16xi32>,
    %broadcast_in_dim3A_64 = arith.constant 0 : i32
    %broadcast_in_dim3A_65 = vector.broadcast %broadcast_in_dim3A_64 : i32 to vector<16xi32>
    %swap3A_66 = arith.constant 10080 : index
    %swap3A_67 = tpu.vector_load %arg7[%swap3A_66] {strides = array<i32>} : memref<10240xi32, #tpu.memory_space<vmem>>, vector<16xi32>,
    %swap3A_68 = vector.shape_cast %swap3A_67 : vector<16xi32> to vector<16xi32>
    %swap3A_69 = vector.shape_cast %broadcast_in_dim3A_65 : vector<16xi32> to vector<16xi32>
    tpu.vector_store %arg7[%swap3A_66], %swap3A_69 {strides = array<i32>} : memref<10240xi32, #tpu.memory_space<vmem>>, vector<16xi32>,
    %broadcast_in_dim3A_70 = arith.constant 10000 : i32
    %broadcast_in_dim3A_71 = vector.broadcast %broadcast_in_dim3A_70 : i32 to vector<16xi32>
    %swap3A_72 = arith.constant 10080 : index
    %swap3A_73 = tpu.vector_load %arg8[%swap3A_72] {strides = array<i32>} : memref<10240xi32, #tpu.memory_space<vmem>>, vector<16xi32>,
    %swap3A_74 = vector.shape_cast %swap3A_73 : vector<16xi32> to vector<16xi32>
    %swap3A_75 = vector.shape_cast %broadcast_in_dim3A_71 : vector<16xi32> to vector<16xi32>
    tpu.vector_store %arg8[%swap3A_72], %swap3A_75 {strides = array<i32>} : memref<10240xi32, #tpu.memory_space<vmem>>, vector<16xi32>,
    %broadcast_in_dim3A_76 = arith.constant 0 : i32
    %broadcast_in_dim3A_77 = vector.broadcast %broadcast_in_dim3A_76 : i32 to vector<16xi32>
    %swap3A_78 = arith.constant 10096 : index
    %swap3A_79 = tpu.vector_load %arg7[%swap3A_78] {strides = array<i32>} : memref<10240xi32, #tpu.memory_space<vmem>>, vector<16xi32>,
    %swap3A_80 = vector.shape_cast %swap3A_79 : vector<16xi32> to vector<16xi32>
    %swap3A_81 = vector.shape_cast %broadcast_in_dim3A_77 : vector<16xi32> to vector<16xi32>
    tpu.vector_store %arg7[%swap3A_78], %swap3A_81 {strides = array<i32>} : memref<10240xi32, #tpu.memory_space<vmem>>, vector<16xi32>,
    %broadcast_in_dim3A_82 = arith.constant 10000 : i32
    %broadcast_in_dim3A_83 = vector.broadcast %broadcast_in_dim3A_82 : i32 to vector<16xi32>
    %swap3A_84 = arith.constant 10096 : index
    %swap3A_85 = tpu.vector_load %arg8[%swap3A_84] {strides = array<i32>} : memref<10240xi32, #tpu.memory_space<vmem>>, vector<16xi32>,
    %swap3A_86 = vector.shape_cast %swap3A_85 : vector<16xi32> to vector<16xi32>
    %swap3A_87 = vector.shape_cast %broadcast_in_dim3A_83 : vector<16xi32> to vector<16xi32>
    tpu.vector_store %arg8[%swap3A_84], %swap3A_87 {strides = array<i32>} : memref<10240xi32, #tpu.memory_space<vmem>>, vector<16xi32>,
    %broadcast_in_dim3A_88 = arith.constant 0 : i32
    %broadcast_in_dim3A_89 = vector.broadcast %broadcast_in_dim3A_88 : i32 to vector<16xi32>
    %swap3A_90 = arith.constant 10112 : index
    %swap3A_91 = tpu.vector_load %arg7[%swap3A_90] {strides = array<i32>} : memref<10240xi32, #tpu.memory_space<vmem>>, vector<16xi32>,
    %swap3A_92 = vector.shape_cast %swap3A_91 : vector<16xi32> to vector<16xi32>
    %swap3A_93 = vector.shape_cast %broadcast_in_dim3A_89 : vector<16xi32> to vector<16xi32>
    tpu.vector_store %arg7[%swap3A_90], %swap3A_93 {strides = array<i32>} : memref<10240xi32, #tpu.memory_space<vmem>>, vector<16xi32>,
    %broadcast_in_dim3A_94 = arith.constant 10000 : i32
    %broadcast_in_dim3A_95 = vector.broadcast %broadcast_in_dim3A_94 : i32 to vector<16xi32>
    %swap3A_96 = arith.constant 10112 : index
    %swap3A_97 = tpu.vector_load %arg8[%swap3A_96] {strides = array<i32>} : memref<10240xi32, #tpu.memory_space<vmem>>, vector<16xi32>,
    %swap3A_98 = vector.shape_cast %swap3A_97 : vector<16xi32> to vector<16xi32>
    %swap3A_99 = vector.shape_cast %broadcast_in_dim3A_95 : vector<16xi32> to vector<16xi32>
    tpu.vector_store %arg8[%swap3A_96], %swap3A_99 {strides = array<i32>} : memref<10240xi32, #tpu.memory_space<vmem>>, vector<16xi32>,
    %broadcast_in_dim3A_100 = arith.constant 0 : i32
    %broadcast_in_dim3A_101 = vector.broadcast %broadcast_in_dim3A_100 : i32 to vector<16xi32>
    %swap3A_102 = arith.constant 10128 : index
    %swap3A_103 = tpu.vector_load %arg7[%swap3A_102] {strides = array<i32>} : memref<10240xi32, #tpu.memory_space<vmem>>, vector<16xi32>,
    %swap3A_104 = vector.shape_cast %swap3A_103 : vector<16xi32> to vector<16xi32>
    %swap3A_105 = vector.shape_cast %broadcast_in_dim3A_101 : vector<16xi32> to vector<16xi32>
    tpu.vector_store %arg7[%swap3A_102], %swap3A_105 {strides = array<i32>} : memref<10240xi32, #tpu.memory_space<vmem>>, vector<16xi32>,
    %broadcast_in_dim3A_106 = arith.constant 10000 : i32
    %broadcast_in_dim3A_107 = vector.broadcast %broadcast_in_dim3A_106 : i32 to vector<16xi32>
    %swap3A_108 = arith.constant 10128 : index
    %swap3A_109 = tpu.vector_load %arg8[%swap3A_108] {strides = array<i32>} : memref<10240xi32, #tpu.memory_space<vmem>>, vector<16xi32>,
    %swap3A_110 = vector.shape_cast %swap3A_109 : vector<16xi32> to vector<16xi32>
    %swap3A_111 = vector.shape_cast %broadcast_in_dim3A_107 : vector<16xi32> to vector<16xi32>
    tpu.vector_store %arg8[%swap3A_108], %swap3A_111 {strides = array<i32>} : memref<10240xi32, #tpu.memory_space<vmem>>, vector<16xi32>,
    %broadcast_in_dim3A_112 = arith.constant 0 : i32
    %broadcast_in_dim3A_113 = vector.broadcast %broadcast_in_dim3A_112 : i32 to vector<16xi32>
    %swap3A_114 = arith.constant 10144 : index
    %swap3A_115 = tpu.vector_load %arg7[%swap3A_114] {strides = array<i32>} : memref<10240xi32, #tpu.memory_space<vmem>>, vector<16xi32>,
    %swap3A_116 = vector.shape_cast %swap3A_115 : vector<16xi32> to vector<16xi32>
    %swap3A_117 = vector.shape_cast %broadcast_in_dim3A_113 : vector<16xi32> to vector<16xi32>
    tpu.vector_store %arg7[%swap3A_114], %swap3A_117 {strides = array<i32>} : memref<10240xi32, #tpu.memory_space<vmem>>, vector<16xi32>,
    %broadcast_in_dim3A_118 = arith.constant 10000 : i32
    %broadcast_in_dim3A_119 = vector.broadcast %broadcast_in_dim3A_118 : i32 to vector<16xi32>
    %swap3A_120 = arith.constant 10144 : index
    %swap3A_121 = tpu.vector_load %arg8[%swap3A_120] {strides = array<i32>} : memref<10240xi32, #tpu.memory_space<vmem>>, vector<16xi32>,
    %swap3A_122 = vector.shape_cast %swap3A_121 : vector<16xi32> to vector<16xi32>
    %swap3A_123 = vector.shape_cast %broadcast_in_dim3A_119 : vector<16xi32> to vector<16xi32>
    tpu.vector_store %arg8[%swap3A_120], %swap3A_123 {strides = array<i32>} : memref<10240xi32, #tpu.memory_space<vmem>>, vector<16xi32>,
    %broadcast_in_dim3A_124 = arith.constant 0 : i32
    %broadcast_in_dim3A_125 = vector.broadcast %broadcast_in_dim3A_124 : i32 to vector<16xi32>
    %swap3A_126 = arith.constant 10160 : index
    %swap3A_127 = tpu.vector_load %arg7[%swap3A_126] {strides = array<i32>} : memref<10240xi32, #tpu.memory_space<vmem>>, vector<16xi32>,
    %swap3A_128 = vector.shape_cast %swap3A_127 : vector<16xi32> to vector<16xi32>
    %swap3A_129 = vector.shape_cast %broadcast_in_dim3A_125 : vector<16xi32> to vector<16xi32>
    tpu.vector_store %arg7[%swap3A_126], %swap3A_129 {strides = array<i32>} : memref<10240xi32, #tpu.memory_space<vmem>>, vector<16xi32>,
    %broadcast_in_dim3A_130 = arith.constant 10000 : i32
    %broadcast_in_dim3A_131 = vector.broadcast %broadcast_in_dim3A_130 : i32 to vector<16xi32>
    %swap3A_132 = arith.constant 10160 : index
    %swap3A_133 = tpu.vector_load %arg8[%swap3A_132] {strides = array<i32>} : memref<10240xi32, #tpu.memory_space<vmem>>, vector<16xi32>,
    %swap3A_134 = vector.shape_cast %swap3A_133 : vector<16xi32> to vector<16xi32>
    %swap3A_135 = vector.shape_cast %broadcast_in_dim3A_131 : vector<16xi32> to vector<16xi32>
    tpu.vector_store %arg8[%swap3A_132], %swap3A_135 {strides = array<i32>} : memref<10240xi32, #tpu.memory_space<vmem>>, vector<16xi32>,
    %broadcast_in_dim3A_136 = arith.constant 0 : i32
    %broadcast_in_dim3A_137 = vector.broadcast %broadcast_in_dim3A_136 : i32 to vector<16xi32>
    %swap3A_138 = arith.constant 10176 : index
    %swap3A_139 = tpu.vector_load %arg7[%swap3A_138] {strides = array<i32>} : memref<10240xi32, #tpu.memory_space<vmem>>, vector<16xi32>,
    %swap3A_140 = vector.shape_cast %swap3A_139 : vector<16xi32> to vector<16xi32>
    %swap3A_141 = vector.shape_cast %broadcast_in_dim3A_137 : vector<16xi32> to vector<16xi32>
    tpu.vector_store %arg7[%swap3A_138], %swap3A_141 {strides = array<i32>} : memref<10240xi32, #tpu.memory_space<vmem>>, vector<16xi32>,
    %broadcast_in_dim3A_142 = arith.constant 10000 : i32
    %broadcast_in_dim3A_143 = vector.broadcast %broadcast_in_dim3A_142 : i32 to vector<16xi32>
    %swap3A_144 = arith.constant 10176 : index
    %swap3A_145 = tpu.vector_load %arg8[%swap3A_144] {strides = array<i32>} : memref<10240xi32, #tpu.memory_space<vmem>>, vector<16xi32>,
    %swap3A_146 = vector.shape_cast %swap3A_145 : vector<16xi32> to vector<16xi32>
    %swap3A_147 = vector.shape_cast %broadcast_in_dim3A_143 : vector<16xi32> to vector<16xi32>
    tpu.vector_store %arg8[%swap3A_144], %swap3A_147 {strides = array<i32>} : memref<10240xi32, #tpu.memory_space<vmem>>, vector<16xi32>,
    %broadcast_in_dim3A_148 = arith.constant 0 : i32
    %broadcast_in_dim3A_149 = vector.broadcast %broadcast_in_dim3A_148 : i32 to vector<16xi32>
    %swap3A_150 = arith.constant 10192 : index
    %swap3A_151 = tpu.vector_load %arg7[%swap3A_150] {strides = array<i32>} : memref<10240xi32, #tpu.memory_space<vmem>>, vector<16xi32>,
    %swap3A_152 = vector.shape_cast %swap3A_151 : vector<16xi32> to vector<16xi32>
    %swap3A_153 = vector.shape_cast %broadcast_in_dim3A_149 : vector<16xi32> to vector<16xi32>
    tpu.vector_store %arg7[%swap3A_150], %swap3A_153 {strides = array<i32>} : memref<10240xi32, #tpu.memory_space<vmem>>, vector<16xi32>,
    %broadcast_in_dim3A_154 = arith.constant 10000 : i32
    %broadcast_in_dim3A_155 = vector.broadcast %broadcast_in_dim3A_154 : i32 to vector<16xi32>
    %swap3A_156 = arith.constant 10192 : index
    %swap3A_157 = tpu.vector_load %arg8[%swap3A_156] {strides = array<i32>} : memref<10240xi32, #tpu.memory_space<vmem>>, vector<16xi32>,
    %swap3A_158 = vector.shape_cast %swap3A_157 : vector<16xi32> to vector<16xi32>
    %swap3A_159 = vector.shape_cast %broadcast_in_dim3A_155 : vector<16xi32> to vector<16xi32>
    tpu.vector_store %arg8[%swap3A_156], %swap3A_159 {strides = array<i32>} : memref<10240xi32, #tpu.memory_space<vmem>>, vector<16xi32>,
    %broadcast_in_dim3A_160 = arith.constant 0 : i32
    %broadcast_in_dim3A_161 = vector.broadcast %broadcast_in_dim3A_160 : i32 to vector<16xi32>
    %swap3A_162 = arith.constant 10208 : index
    %swap3A_163 = tpu.vector_load %arg7[%swap3A_162] {strides = array<i32>} : memref<10240xi32, #tpu.memory_space<vmem>>, vector<16xi32>,
    %swap3A_164 = vector.shape_cast %swap3A_163 : vector<16xi32> to vector<16xi32>
    %swap3A_165 = vector.shape_cast %broadcast_in_dim3A_161 : vector<16xi32> to vector<16xi32>
    tpu.vector_store %arg7[%swap3A_162], %swap3A_165 {strides = array<i32>} : memref<10240xi32, #tpu.memory_space<vmem>>, vector<16xi32>,
    %broadcast_in_dim3A_166 = arith.constant 10000 : i32
    %broadcast_in_dim3A_167 = vector.broadcast %broadcast_in_dim3A_166 : i32 to vector<16xi32>
    %swap3A_168 = arith.constant 10208 : index
    %swap3A_169 = tpu.vector_load %arg8[%swap3A_168] {strides = array<i32>} : memref<10240xi32, #tpu.memory_space<vmem>>, vector<16xi32>,
    %swap3A_170 = vector.shape_cast %swap3A_169 : vector<16xi32> to vector<16xi32>
    %swap3A_171 = vector.shape_cast %broadcast_in_dim3A_167 : vector<16xi32> to vector<16xi32>
    tpu.vector_store %arg8[%swap3A_168], %swap3A_171 {strides = array<i32>} : memref<10240xi32, #tpu.memory_space<vmem>>, vector<16xi32>,
    %broadcast_in_dim3A_172 = arith.constant 0 : i32
    %broadcast_in_dim3A_173 = vector.broadcast %broadcast_in_dim3A_172 : i32 to vector<16xi32>
    %swap3A_174 = arith.constant 10224 : index
    %swap3A_175 = tpu.vector_load %arg7[%swap3A_174] {strides = array<i32>} : memref<10240xi32, #tpu.memory_space<vmem>>, vector<16xi32>,
    %swap3A_176 = vector.shape_cast %swap3A_175 : vector<16xi32> to vector<16xi32>
    %swap3A_177 = vector.shape_cast %broadcast_in_dim3A_173 : vector<16xi32> to vector<16xi32>
    tpu.vector_store %arg7[%swap3A_174], %swap3A_177 {strides = array<i32>} : memref<10240xi32, #tpu.memory_space<vmem>>, vector<16xi32>,
    %broadcast_in_dim3A_178 = arith.constant 10000 : i32
    %broadcast_in_dim3A_179 = vector.broadcast %broadcast_in_dim3A_178 : i32 to vector<16xi32>
    %swap3A_180 = arith.constant 10224 : index
    %swap3A_181 = tpu.vector_load %arg8[%swap3A_180] {strides = array<i32>} : memref<10240xi32, #tpu.memory_space<vmem>>, vector<16xi32>,
    %swap3A_182 = vector.shape_cast %swap3A_181 : vector<16xi32> to vector<16xi32>
    %swap3A_183 = vector.shape_cast %broadcast_in_dim3A_179 : vector<16xi32> to vector<16xi32>
    tpu.vector_store %arg8[%swap3A_180], %swap3A_183 {strides = array<i32>} : memref<10240xi32, #tpu.memory_space<vmem>>, vector<16xi32>,
    %eq3A = arith.constant 0 : i32
    %eq3A_184 = arith.cmpi eq, %arg1, %eq3A : i32
    %convert_element_type3A = arith.extui %eq3A_184 : i1 to i32
    %cond3A = arith.constant 0 : i32
    %cond3A_185 = arith.cmpi ne, %convert_element_type3A, %cond3A : i32
    scf.if %cond3A_185 {
      "tpu.region"() ({
        %run_scoped3A = tpu.sem_alloc : memref<!tpu.dma_semaphore, #tpu.memory_space<semaphore_mem>>
        tpu.enqueue_dma source(%arg4 : memref<10008xf32, #tpu.memory_space<hbm>>) target(%arg10 : memref<10008xf32, #tpu.memory_space<vmem_shared>>) target_semaphore(%run_scoped3A : memref<!tpu.dma_semaphore, #tpu.memory_space<semaphore_mem>>)
        tpu.wait_dma2 semaphore(%run_scoped3A : memref<!tpu.dma_semaphore, #tpu.memory_space<semaphore_mem>>) src(%arg4 : memref<10008xf32, #tpu.memory_space<hbm>>) dst(%arg10 : memref<10008xf32, #tpu.memory_space<vmem_shared>>)
        tpu.yield
      }) : () -> ()
      "tpu.region"() ({
        %run_scoped3A = tpu.sem_alloc : memref<!tpu.dma_semaphore, #tpu.memory_space<semaphore_mem>>
        tpu.enqueue_dma source(%arg4 : memref<10008xf32, #tpu.memory_space<hbm>>) target(%arg11 : memref<10008xf32, #tpu.memory_space<vmem_shared>>) target_semaphore(%run_scoped3A : memref<!tpu.dma_semaphore, #tpu.memory_space<semaphore_mem>>)
        tpu.wait_dma2 semaphore(%run_scoped3A : memref<!tpu.dma_semaphore, #tpu.memory_space<semaphore_mem>>) src(%arg4 : memref<10008xf32, #tpu.memory_space<hbm>>) dst(%arg11 : memref<10008xf32, #tpu.memory_space<vmem_shared>>)
        tpu.yield
      }) : () -> ()
    } else {
    }
    %barrier3A = arith.constant 0 : index
    tpu.barrier barrier_id(%barrier3A)
    %scan3A_186 = arith.constant 0 : i32
    %scan3A_187 = arith.constant 0 : i32
    %scan3A_188 = arith.constant 40 : i32
    %scan3A_189 = arith.addi %scan3A_187, %scan3A_188 : i32
    %scan3A_190 = arith.constant 1 : i32
    scf.for %scan3A_204 = %scan3A_187 to %scan3A_189 step %scan3A_190  : i32 {
      %mul3A_205 = arith.constant 256 : i32
      %mul3A_206 = arith.muli %scan3A_204, %mul3A_205 : i32
      %dma_start3A = tpu.memref_slice %arg8[%mul3A_206] : memref<10240xi32, #tpu.memory_space<vmem>> -> memref<256xi32, #tpu.memory_space<vmem>>
      %dma_start3A_207 = arith.constant 0 : i32
      %dma_start3A_208 = tpu.memref_slice %arg10[%dma_start3A_207] : memref<10008xf32, #tpu.memory_space<vmem_shared>> -> memref<10008xf32, #tpu.memory_space<vmem_shared>>
      tpu.enqueue_indirect_dma source(%arg9 : memref<256xf32, #tpu.memory_space<vmem>>) target(%dma_start3A_208 : memref<10008xf32, #tpu.memory_space<vmem_shared>>) offsets(%dma_start3A : memref<256xi32, #tpu.memory_space<vmem>>) semaphore(%arg12 : memref<!tpu.dma_semaphore, #tpu.memory_space<semaphore_mem>>) {add = true}
      %mul3A_209 = arith.constant 256 : i32
      %mul3A_210 = arith.muli %scan3A_204, %mul3A_209 : i32
      %dma_start3A_211 = tpu.memref_slice %arg7[%mul3A_210] : memref<10240xi32, #tpu.memory_space<vmem>> -> memref<256xi32, #tpu.memory_space<vmem>>
      %dma_start3A_212 = arith.constant 0 : i32
      %dma_start3A_213 = tpu.memref_slice %arg11[%dma_start3A_212] : memref<10008xf32, #tpu.memory_space<vmem_shared>> -> memref<10008xf32, #tpu.memory_space<vmem_shared>>
      tpu.enqueue_indirect_dma source(%arg9 : memref<256xf32, #tpu.memory_space<vmem>>) target(%dma_start3A_213 : memref<10008xf32, #tpu.memory_space<vmem_shared>>) offsets(%dma_start3A_211 : memref<256xi32, #tpu.memory_space<vmem>>) semaphore(%arg13 : memref<!tpu.dma_semaphore, #tpu.memory_space<semaphore_mem>>) {add = true}
    }
    %scan3A_191 = arith.constant 40 : i32
    %scan3A_192 = arith.constant 0 : i32
    %scan3A_193 = arith.constant 0 : i32
    %scan3A_194 = arith.constant 40 : i32
    %scan3A_195 = arith.addi %scan3A_193, %scan3A_194 : i32
    %scan3A_196 = arith.constant 1 : i32
    scf.for %scan3A_204 = %scan3A_193 to %scan3A_195 step %scan3A_196  : i32 {
      %dma_wait3A = arith.constant 0 : i32
      %dma_wait3A_205 = tpu.memref_slice %arg8[%dma_wait3A] : memref<10240xi32, #tpu.memory_space<vmem>> -> memref<256xi32, #tpu.memory_space<vmem>>
      %dma_wait3A_206 = arith.constant 0 : i32
      %dma_wait3A_207 = tpu.memref_slice %arg10[%dma_wait3A_206] : memref<10008xf32, #tpu.memory_space<vmem_shared>> -> memref<10008xf32, #tpu.memory_space<vmem_shared>>
      tpu.wait_indirect_dma semaphore(%arg12 : memref<!tpu.dma_semaphore, #tpu.memory_space<semaphore_mem>>) src(%arg9 : memref<256xf32, #tpu.memory_space<vmem>>) dst(%dma_wait3A_207 : memref<10008xf32, #tpu.memory_space<vmem_shared>>)
      %dma_wait3A_208 = arith.constant 0 : i32
      %dma_wait3A_209 = tpu.memref_slice %arg7[%dma_wait3A_208] : memref<10240xi32, #tpu.memory_space<vmem>> -> memref<256xi32, #tpu.memory_space<vmem>>
      %dma_wait3A_210 = arith.constant 0 : i32
      %dma_wait3A_211 = tpu.memref_slice %arg11[%dma_wait3A_210] : memref<10008xf32, #tpu.memory_space<vmem_shared>> -> memref<10008xf32, #tpu.memory_space<vmem_shared>>
      tpu.wait_indirect_dma semaphore(%arg13 : memref<!tpu.dma_semaphore, #tpu.memory_space<semaphore_mem>>) src(%arg9 : memref<256xf32, #tpu.memory_space<vmem>>) dst(%dma_wait3A_211 : memref<10008xf32, #tpu.memory_space<vmem_shared>>)
    }
    %scan3A_197 = arith.constant 40 : i32
    %barrier3A_198 = arith.constant 0 : index
    tpu.barrier barrier_id(%barrier3A_198)
    %eq3A_199 = arith.constant 0 : i32
    %eq3A_200 = arith.cmpi eq, %arg1, %eq3A_199 : i32
    %convert_element_type3A_201 = arith.extui %eq3A_200 : i1 to i32
    %cond3A_202 = arith.constant 0 : i32
    %cond3A_203 = arith.cmpi ne, %convert_element_type3A_201, %cond3A_202 : i32
    scf.if %cond3A_203 {
      "tpu.region"() ({
        %run_scoped3A = tpu.sem_alloc : memref<!tpu.dma_semaphore, #tpu.memory_space<semaphore_mem>>
        %dma_start3A = arith.constant 0 : i32
        %dma_start3A_204 = tpu.memref_slice %arg5[%arg0, %dma_start3A] : memref<2x10000xf32, #tpu.memory_space<hbm>> -> memref<1x10000xf32, #tpu.memory_space<hbm>>
        %dma_start3A_205 = tpu.memref_squeeze %dma_start3A_204 : memref<1x10000xf32, #tpu.memory_space<hbm>> -> memref<10000xf32, #tpu.memory_space<hbm>>
        %dma_start3A_206 = arith.constant 0 : i32
        %dma_start3A_207 = tpu.memref_slice %arg10[%dma_start3A_206] : memref<10008xf32, #tpu.memory_space<vmem_shared>> -> memref<10000xf32, #tpu.memory_space<vmem_shared>>
        tpu.enqueue_dma source(%dma_start3A_207 : memref<10000xf32, #tpu.memory_space<vmem_shared>>) target(%dma_start3A_205 : memref<10000xf32, #tpu.memory_space<hbm>>) target_semaphore(%run_scoped3A : memref<!tpu.dma_semaphore, #tpu.memory_space<semaphore_mem>>)
        %dma_wait3A = arith.constant 0 : i32
        %dma_wait3A_208 = tpu.memref_slice %arg5[%arg0, %dma_wait3A] : memref<2x10000xf32, #tpu.memory_space<hbm>> -> memref<1x10000xf32, #tpu.memory_space<hbm>>
        %dma_wait3A_209 = tpu.memref_squeeze %dma_wait3A_208 : memref<1x10000xf32, #tpu.memory_space<hbm>> -> memref<10000xf32, #tpu.memory_space<hbm>>
        %dma_wait3A_210 = arith.constant 0 : i32
        %dma_wait3A_211 = tpu.memref_slice %arg10[%dma_wait3A_210] : memref<10008xf32, #tpu.memory_space<vmem_shared>> -> memref<10000xf32, #tpu.memory_space<vmem_shared>>
        tpu.wait_dma2 semaphore(%run_scoped3A : memref<!tpu.dma_semaphore, #tpu.memory_space<semaphore_mem>>) src(%dma_wait3A_211 : memref<10000xf32, #tpu.memory_space<vmem_shared>>) dst(%dma_wait3A_209 : memref<10000xf32, #tpu.memory_space<hbm>>)
        tpu.yield
      }) : () -> ()
      "tpu.region"() ({
        %run_scoped3A = tpu.sem_alloc : memref<!tpu.dma_semaphore, #tpu.memory_space<semaphore_mem>>
        %dma_start3A = arith.constant 0 : i32
        %dma_start3A_204 = tpu.memref_slice %arg6[%arg0, %dma_start3A] : memref<2x10000xf32, #tpu.memory_space<hbm>> -> memref<1x10000xf32, #tpu.memory_space<hbm>>
        %dma_start3A_205 = tpu.memref_squeeze %dma_start3A_204 : memref<1x10000xf32, #tpu.memory_space<hbm>> -> memref<10000xf32, #tpu.memory_space<hbm>>
        %dma_start3A_206 = arith.constant 0 : i32
        %dma_start3A_207 = tpu.memref_slice %arg11[%dma_start3A_206] : memref<10008xf32, #tpu.memory_space<vmem_shared>> -> memref<10000xf32, #tpu.memory_space<vmem_shared>>
        tpu.enqueue_dma source(%dma_start3A_207 : memref<10000xf32, #tpu.memory_space<vmem_shared>>) target(%dma_start3A_205 : memref<10000xf32, #tpu.memory_space<hbm>>) target_semaphore(%run_scoped3A : memref<!tpu.dma_semaphore, #tpu.memory_space<semaphore_mem>>)
        %dma_wait3A = arith.constant 0 : i32
        %dma_wait3A_208 = tpu.memref_slice %arg6[%arg0, %dma_wait3A] : memref<2x10000xf32, #tpu.memory_space<hbm>> -> memref<1x10000xf32, #tpu.memory_space<hbm>>
        %dma_wait3A_209 = tpu.memref_squeeze %dma_wait3A_208 : memref<1x10000xf32, #tpu.memory_space<hbm>> -> memref<10000xf32, #tpu.memory_space<hbm>>
        %dma_wait3A_210 = arith.constant 0 : i32
        %dma_wait3A_211 = tpu.memref_slice %arg11[%dma_wait3A_210] : memref<10008xf32, #tpu.memory_space<vmem_shared>> -> memref<10000xf32, #tpu.memory_space<vmem_shared>>
        tpu.wait_dma2 semaphore(%run_scoped3A : memref<!tpu.dma_semaphore, #tpu.memory_space<semaphore_mem>>) src(%dma_wait3A_211 : memref<10000xf32, #tpu.memory_space<vmem_shared>>) dst(%dma_wait3A_209 : memref<10000xf32, #tpu.memory_space<hbm>>)
        tpu.yield
      }) : () -> ()
    } else {
    }
    return
  }
}

#map = affine_map<(d0, d1) -> (0, 0)>
#map1 = affine_map<(d0, d1) -> (0, 0, 0)>
module attributes {stable_mosaic.version = 14 : i64} {
  func.func @mp_kernel(%arg0: i32, %arg1: i32, %arg2: memref<10000x64xf32, #tpu.memory_space<hbm>>, %arg3: memref<32x10000xi32, #tpu.memory_space<hbm>>, %arg4: memref<32x10000xi32, #tpu.memory_space<hbm>>, %arg5: memref<10008x64xf32, #tpu.memory_space<hbm>>, %arg6: memref<2x10000x64xf32, #tpu.memory_space<hbm>>, %arg7: memref<10240xi32, #tpu.memory_space<vmem>>, %arg8: memref<10240xi32, #tpu.memory_space<vmem>>, %arg9: memref<256x64xf32, #tpu.memory_space<vmem>>, %arg10: memref<256x64xf32, #tpu.memory_space<vmem>>, %arg11: memref<256x64xf32, #tpu.memory_space<vmem>>, %arg12: memref<256x64xf32, #tpu.memory_space<vmem>>, %arg13: memref<10008x64xf32, #tpu.memory_space<vmem_shared>>, %arg14: memref<!tpu.dma_semaphore, #tpu.memory_space<semaphore_mem>>, %arg15: memref<!tpu.dma_semaphore, #tpu.memory_space<semaphore_mem>>, %arg16: memref<!tpu.dma_semaphore, #tpu.memory_space<semaphore_mem>>, %arg17: memref<!tpu.dma_semaphore, #tpu.memory_space<semaphore_mem>>, %arg18: memref<!tpu.dma_semaphore, #tpu.memory_space<semaphore_mem>>, %arg19: memref<!tpu.dma_semaphore, #tpu.memory_space<semaphore_mem>>, %arg20: memref<!tpu.dma_semaphore, #tpu.memory_space<semaphore_mem>>, %arg21: memref<!tpu.dma_semaphore, #tpu.memory_space<semaphore_mem>>) attributes {dimension_semantics = [#tpu.dimension_semantics<core_parallel>, #tpu.dimension_semantics<subcore_parallel>], iteration_bounds = array<i64: 2, 16>, scalar_prefetch = 0 : i64, scratch_operands = 15 : i64, tpu.core_type = #tpu.core_type<sc_vector_subcore>, window_params = [{transform_indices = #map}, {transform_indices = #map}, {transform_indices = #map}, {transform_indices = #map}, {transform_indices = #map1}]} {
    %mul3A = arith.constant 16 : i32
    %mul3A_0 = arith.muli %arg0, %mul3A : i32
    %add3A = arith.addi %mul3A_0, %arg1 : i32
    "tpu.region"() ({
      %run_scoped3A = tpu.sem_alloc : memref<!tpu.dma_semaphore, #tpu.memory_space<semaphore_mem>>
      %dma_start3A_224 = arith.constant 0 : i32
      %dma_start3A_225 = tpu.memref_slice %arg7[%dma_start3A_224] : memref<10240xi32, #tpu.memory_space<vmem>> -> memref<10000xi32, #tpu.memory_space<vmem>>
      %dma_start3A_226 = arith.constant 0 : i32
      %dma_start3A_227 = tpu.memref_slice %arg3[%add3A, %dma_start3A_226] : memref<32x10000xi32, #tpu.memory_space<hbm>> -> memref<1x10000xi32, #tpu.memory_space<hbm>>
      %dma_start3A_228 = tpu.memref_squeeze %dma_start3A_227 : memref<1x10000xi32, #tpu.memory_space<hbm>> -> memref<10000xi32, #tpu.memory_space<hbm>>
      %dma_start3A_229 = arith.constant 0 : i32
      %dma_start3A_230 = tpu.memref_slice %arg7[%dma_start3A_229] : memref<10240xi32, #tpu.memory_space<vmem>> -> memref<10000xi32, #tpu.memory_space<vmem>>
      %dma_start3A_231 = arith.constant 0 : i32
      %dma_start3A_232 = tpu.memref_slice %arg3[%add3A, %dma_start3A_231] : memref<32x10000xi32, #tpu.memory_space<hbm>> -> memref<1x10000xi32, #tpu.memory_space<hbm>>
      %dma_start3A_233 = tpu.memref_squeeze %dma_start3A_232 : memref<1x10000xi32, #tpu.memory_space<hbm>> -> memref<10000xi32, #tpu.memory_space<hbm>>
      tpu.enqueue_dma source(%dma_start3A_233 : memref<10000xi32, #tpu.memory_space<hbm>>) target(%dma_start3A_230 : memref<10000xi32, #tpu.memory_space<vmem>>) target_semaphore(%run_scoped3A : memref<!tpu.dma_semaphore, #tpu.memory_space<semaphore_mem>>)
      %dma_wait3A_234 = arith.constant 0 : i32
      %dma_wait3A_235 = tpu.memref_slice %arg7[%dma_wait3A_234] : memref<10240xi32, #tpu.memory_space<vmem>> -> memref<10000xi32, #tpu.memory_space<vmem>>
      %dma_wait3A_236 = arith.constant 0 : i32
      %dma_wait3A_237 = tpu.memref_slice %arg3[%add3A, %dma_wait3A_236] : memref<32x10000xi32, #tpu.memory_space<hbm>> -> memref<1x10000xi32, #tpu.memory_space<hbm>>
      %dma_wait3A_238 = tpu.memref_squeeze %dma_wait3A_237 : memref<1x10000xi32, #tpu.memory_space<hbm>> -> memref<10000xi32, #tpu.memory_space<hbm>>
      %dma_wait3A_239 = arith.constant 0 : i32
      %dma_wait3A_240 = tpu.memref_slice %arg7[%dma_wait3A_239] : memref<10240xi32, #tpu.memory_space<vmem>> -> memref<10000xi32, #tpu.memory_space<vmem>>
      %dma_wait3A_241 = arith.constant 0 : i32
      %dma_wait3A_242 = tpu.memref_slice %arg3[%add3A, %dma_wait3A_241] : memref<32x10000xi32, #tpu.memory_space<hbm>> -> memref<1x10000xi32, #tpu.memory_space<hbm>>
      %dma_wait3A_243 = tpu.memref_squeeze %dma_wait3A_242 : memref<1x10000xi32, #tpu.memory_space<hbm>> -> memref<10000xi32, #tpu.memory_space<hbm>>
      tpu.wait_dma2 semaphore(%run_scoped3A : memref<!tpu.dma_semaphore, #tpu.memory_space<semaphore_mem>>) src(%dma_wait3A_243 : memref<10000xi32, #tpu.memory_space<hbm>>) dst(%dma_wait3A_240 : memref<10000xi32, #tpu.memory_space<vmem>>)
      tpu.yield
    }) : () -> ()
    "tpu.region"() ({
      %run_scoped3A = tpu.sem_alloc : memref<!tpu.dma_semaphore, #tpu.memory_space<semaphore_mem>>
      %dma_start3A_224 = arith.constant 0 : i32
      %dma_start3A_225 = tpu.memref_slice %arg8[%dma_start3A_224] : memref<10240xi32, #tpu.memory_space<vmem>> -> memref<10000xi32, #tpu.memory_space<vmem>>
      %dma_start3A_226 = arith.constant 0 : i32
      %dma_start3A_227 = tpu.memref_slice %arg4[%add3A, %dma_start3A_226] : memref<32x10000xi32, #tpu.memory_space<hbm>> -> memref<1x10000xi32, #tpu.memory_space<hbm>>
      %dma_start3A_228 = tpu.memref_squeeze %dma_start3A_227 : memref<1x10000xi32, #tpu.memory_space<hbm>> -> memref<10000xi32, #tpu.memory_space<hbm>>
      %dma_start3A_229 = arith.constant 0 : i32
      %dma_start3A_230 = tpu.memref_slice %arg8[%dma_start3A_229] : memref<10240xi32, #tpu.memory_space<vmem>> -> memref<10000xi32, #tpu.memory_space<vmem>>
      %dma_start3A_231 = arith.constant 0 : i32
      %dma_start3A_232 = tpu.memref_slice %arg4[%add3A, %dma_start3A_231] : memref<32x10000xi32, #tpu.memory_space<hbm>> -> memref<1x10000xi32, #tpu.memory_space<hbm>>
      %dma_start3A_233 = tpu.memref_squeeze %dma_start3A_232 : memref<1x10000xi32, #tpu.memory_space<hbm>> -> memref<10000xi32, #tpu.memory_space<hbm>>
      tpu.enqueue_dma source(%dma_start3A_233 : memref<10000xi32, #tpu.memory_space<hbm>>) target(%dma_start3A_230 : memref<10000xi32, #tpu.memory_space<vmem>>) target_semaphore(%run_scoped3A : memref<!tpu.dma_semaphore, #tpu.memory_space<semaphore_mem>>)
      %dma_wait3A_234 = arith.constant 0 : i32
      %dma_wait3A_235 = tpu.memref_slice %arg8[%dma_wait3A_234] : memref<10240xi32, #tpu.memory_space<vmem>> -> memref<10000xi32, #tpu.memory_space<vmem>>
      %dma_wait3A_236 = arith.constant 0 : i32
      %dma_wait3A_237 = tpu.memref_slice %arg4[%add3A, %dma_wait3A_236] : memref<32x10000xi32, #tpu.memory_space<hbm>> -> memref<1x10000xi32, #tpu.memory_space<hbm>>
      %dma_wait3A_238 = tpu.memref_squeeze %dma_wait3A_237 : memref<1x10000xi32, #tpu.memory_space<hbm>> -> memref<10000xi32, #tpu.memory_space<hbm>>
      %dma_wait3A_239 = arith.constant 0 : i32
      %dma_wait3A_240 = tpu.memref_slice %arg8[%dma_wait3A_239] : memref<10240xi32, #tpu.memory_space<vmem>> -> memref<10000xi32, #tpu.memory_space<vmem>>
      %dma_wait3A_241 = arith.constant 0 : i32
      %dma_wait3A_242 = tpu.memref_slice %arg4[%add3A, %dma_wait3A_241] : memref<32x10000xi32, #tpu.memory_space<hbm>> -> memref<1x10000xi32, #tpu.memory_space<hbm>>
      %dma_wait3A_243 = tpu.memref_squeeze %dma_wait3A_242 : memref<1x10000xi32, #tpu.memory_space<hbm>> -> memref<10000xi32, #tpu.memory_space<hbm>>
      tpu.wait_dma2 semaphore(%run_scoped3A : memref<!tpu.dma_semaphore, #tpu.memory_space<semaphore_mem>>) src(%dma_wait3A_243 : memref<10000xi32, #tpu.memory_space<hbm>>) dst(%dma_wait3A_240 : memref<10000xi32, #tpu.memory_space<vmem>>)
      tpu.yield
    }) : () -> ()
    %broadcast_in_dim3A = arith.constant 0 : i32
    %broadcast_in_dim3A_1 = vector.broadcast %broadcast_in_dim3A : i32 to vector<16xi32>
    %swap3A = arith.constant 10000 : index
    %swap3A_2 = tpu.vector_load %arg7[%swap3A] {strides = array<i32>} : memref<10240xi32, #tpu.memory_space<vmem>>, vector<16xi32>,
    %swap3A_3 = vector.shape_cast %swap3A_2 : vector<16xi32> to vector<16xi32>
    %swap3A_4 = vector.shape_cast %broadcast_in_dim3A_1 : vector<16xi32> to vector<16xi32>
    tpu.vector_store %arg7[%swap3A], %swap3A_4 {strides = array<i32>} : memref<10240xi32, #tpu.memory_space<vmem>>, vector<16xi32>,
    %broadcast_in_dim3A_5 = arith.constant 10000 : i32
    %broadcast_in_dim3A_6 = vector.broadcast %broadcast_in_dim3A_5 : i32 to vector<16xi32>
    %swap3A_7 = arith.constant 10000 : index
    %swap3A_8 = tpu.vector_load %arg8[%swap3A_7] {strides = array<i32>} : memref<10240xi32, #tpu.memory_space<vmem>>, vector<16xi32>,
    %swap3A_9 = vector.shape_cast %swap3A_8 : vector<16xi32> to vector<16xi32>
    %swap3A_10 = vector.shape_cast %broadcast_in_dim3A_6 : vector<16xi32> to vector<16xi32>
    tpu.vector_store %arg8[%swap3A_7], %swap3A_10 {strides = array<i32>} : memref<10240xi32, #tpu.memory_space<vmem>>, vector<16xi32>,
    %broadcast_in_dim3A_11 = arith.constant 0 : i32
    %broadcast_in_dim3A_12 = vector.broadcast %broadcast_in_dim3A_11 : i32 to vector<16xi32>
    %swap3A_13 = arith.constant 10016 : index
    %swap3A_14 = tpu.vector_load %arg7[%swap3A_13] {strides = array<i32>} : memref<10240xi32, #tpu.memory_space<vmem>>, vector<16xi32>,
    %swap3A_15 = vector.shape_cast %swap3A_14 : vector<16xi32> to vector<16xi32>
    %swap3A_16 = vector.shape_cast %broadcast_in_dim3A_12 : vector<16xi32> to vector<16xi32>
    tpu.vector_store %arg7[%swap3A_13], %swap3A_16 {strides = array<i32>} : memref<10240xi32, #tpu.memory_space<vmem>>, vector<16xi32>,
    %broadcast_in_dim3A_17 = arith.constant 10000 : i32
    %broadcast_in_dim3A_18 = vector.broadcast %broadcast_in_dim3A_17 : i32 to vector<16xi32>
    %swap3A_19 = arith.constant 10016 : index
    %swap3A_20 = tpu.vector_load %arg8[%swap3A_19] {strides = array<i32>} : memref<10240xi32, #tpu.memory_space<vmem>>, vector<16xi32>,
    %swap3A_21 = vector.shape_cast %swap3A_20 : vector<16xi32> to vector<16xi32>
    %swap3A_22 = vector.shape_cast %broadcast_in_dim3A_18 : vector<16xi32> to vector<16xi32>
    tpu.vector_store %arg8[%swap3A_19], %swap3A_22 {strides = array<i32>} : memref<10240xi32, #tpu.memory_space<vmem>>, vector<16xi32>,
    %broadcast_in_dim3A_23 = arith.constant 0 : i32
    %broadcast_in_dim3A_24 = vector.broadcast %broadcast_in_dim3A_23 : i32 to vector<16xi32>
    %swap3A_25 = arith.constant 10032 : index
    %swap3A_26 = tpu.vector_load %arg7[%swap3A_25] {strides = array<i32>} : memref<10240xi32, #tpu.memory_space<vmem>>, vector<16xi32>,
    %swap3A_27 = vector.shape_cast %swap3A_26 : vector<16xi32> to vector<16xi32>
    %swap3A_28 = vector.shape_cast %broadcast_in_dim3A_24 : vector<16xi32> to vector<16xi32>
    tpu.vector_store %arg7[%swap3A_25], %swap3A_28 {strides = array<i32>} : memref<10240xi32, #tpu.memory_space<vmem>>, vector<16xi32>,
    %broadcast_in_dim3A_29 = arith.constant 10000 : i32
    %broadcast_in_dim3A_30 = vector.broadcast %broadcast_in_dim3A_29 : i32 to vector<16xi32>
    %swap3A_31 = arith.constant 10032 : index
    %swap3A_32 = tpu.vector_load %arg8[%swap3A_31] {strides = array<i32>} : memref<10240xi32, #tpu.memory_space<vmem>>, vector<16xi32>,
    %swap3A_33 = vector.shape_cast %swap3A_32 : vector<16xi32> to vector<16xi32>
    %swap3A_34 = vector.shape_cast %broadcast_in_dim3A_30 : vector<16xi32> to vector<16xi32>
    tpu.vector_store %arg8[%swap3A_31], %swap3A_34 {strides = array<i32>} : memref<10240xi32, #tpu.memory_space<vmem>>, vector<16xi32>,
    %broadcast_in_dim3A_35 = arith.constant 0 : i32
    %broadcast_in_dim3A_36 = vector.broadcast %broadcast_in_dim3A_35 : i32 to vector<16xi32>
    %swap3A_37 = arith.constant 10048 : index
    %swap3A_38 = tpu.vector_load %arg7[%swap3A_37] {strides = array<i32>} : memref<10240xi32, #tpu.memory_space<vmem>>, vector<16xi32>,
    %swap3A_39 = vector.shape_cast %swap3A_38 : vector<16xi32> to vector<16xi32>
    %swap3A_40 = vector.shape_cast %broadcast_in_dim3A_36 : vector<16xi32> to vector<16xi32>
    tpu.vector_store %arg7[%swap3A_37], %swap3A_40 {strides = array<i32>} : memref<10240xi32, #tpu.memory_space<vmem>>, vector<16xi32>,
    %broadcast_in_dim3A_41 = arith.constant 10000 : i32
    %broadcast_in_dim3A_42 = vector.broadcast %broadcast_in_dim3A_41 : i32 to vector<16xi32>
    %swap3A_43 = arith.constant 10048 : index
    %swap3A_44 = tpu.vector_load %arg8[%swap3A_43] {strides = array<i32>} : memref<10240xi32, #tpu.memory_space<vmem>>, vector<16xi32>,
    %swap3A_45 = vector.shape_cast %swap3A_44 : vector<16xi32> to vector<16xi32>
    %swap3A_46 = vector.shape_cast %broadcast_in_dim3A_42 : vector<16xi32> to vector<16xi32>
    tpu.vector_store %arg8[%swap3A_43], %swap3A_46 {strides = array<i32>} : memref<10240xi32, #tpu.memory_space<vmem>>, vector<16xi32>,
    %broadcast_in_dim3A_47 = arith.constant 0 : i32
    %broadcast_in_dim3A_48 = vector.broadcast %broadcast_in_dim3A_47 : i32 to vector<16xi32>
    %swap3A_49 = arith.constant 10064 : index
    %swap3A_50 = tpu.vector_load %arg7[%swap3A_49] {strides = array<i32>} : memref<10240xi32, #tpu.memory_space<vmem>>, vector<16xi32>,
    %swap3A_51 = vector.shape_cast %swap3A_50 : vector<16xi32> to vector<16xi32>
    %swap3A_52 = vector.shape_cast %broadcast_in_dim3A_48 : vector<16xi32> to vector<16xi32>
    tpu.vector_store %arg7[%swap3A_49], %swap3A_52 {strides = array<i32>} : memref<10240xi32, #tpu.memory_space<vmem>>, vector<16xi32>,
    %broadcast_in_dim3A_53 = arith.constant 10000 : i32
    %broadcast_in_dim3A_54 = vector.broadcast %broadcast_in_dim3A_53 : i32 to vector<16xi32>
    %swap3A_55 = arith.constant 10064 : index
    %swap3A_56 = tpu.vector_load %arg8[%swap3A_55] {strides = array<i32>} : memref<10240xi32, #tpu.memory_space<vmem>>, vector<16xi32>,
    %swap3A_57 = vector.shape_cast %swap3A_56 : vector<16xi32> to vector<16xi32>
    %swap3A_58 = vector.shape_cast %broadcast_in_dim3A_54 : vector<16xi32> to vector<16xi32>
    tpu.vector_store %arg8[%swap3A_55], %swap3A_58 {strides = array<i32>} : memref<10240xi32, #tpu.memory_space<vmem>>, vector<16xi32>,
    %broadcast_in_dim3A_59 = arith.constant 0 : i32
    %broadcast_in_dim3A_60 = vector.broadcast %broadcast_in_dim3A_59 : i32 to vector<16xi32>
    %swap3A_61 = arith.constant 10080 : index
    %swap3A_62 = tpu.vector_load %arg7[%swap3A_61] {strides = array<i32>} : memref<10240xi32, #tpu.memory_space<vmem>>, vector<16xi32>,
    %swap3A_63 = vector.shape_cast %swap3A_62 : vector<16xi32> to vector<16xi32>
    %swap3A_64 = vector.shape_cast %broadcast_in_dim3A_60 : vector<16xi32> to vector<16xi32>
    tpu.vector_store %arg7[%swap3A_61], %swap3A_64 {strides = array<i32>} : memref<10240xi32, #tpu.memory_space<vmem>>, vector<16xi32>,
    %broadcast_in_dim3A_65 = arith.constant 10000 : i32
    %broadcast_in_dim3A_66 = vector.broadcast %broadcast_in_dim3A_65 : i32 to vector<16xi32>
    %swap3A_67 = arith.constant 10080 : index
    %swap3A_68 = tpu.vector_load %arg8[%swap3A_67] {strides = array<i32>} : memref<10240xi32, #tpu.memory_space<vmem>>, vector<16xi32>,
    %swap3A_69 = vector.shape_cast %swap3A_68 : vector<16xi32> to vector<16xi32>
    %swap3A_70 = vector.shape_cast %broadcast_in_dim3A_66 : vector<16xi32> to vector<16xi32>
    tpu.vector_store %arg8[%swap3A_67], %swap3A_70 {strides = array<i32>} : memref<10240xi32, #tpu.memory_space<vmem>>, vector<16xi32>,
    %broadcast_in_dim3A_71 = arith.constant 0 : i32
    %broadcast_in_dim3A_72 = vector.broadcast %broadcast_in_dim3A_71 : i32 to vector<16xi32>
    %swap3A_73 = arith.constant 10096 : index
    %swap3A_74 = tpu.vector_load %arg7[%swap3A_73] {strides = array<i32>} : memref<10240xi32, #tpu.memory_space<vmem>>, vector<16xi32>,
    %swap3A_75 = vector.shape_cast %swap3A_74 : vector<16xi32> to vector<16xi32>
    %swap3A_76 = vector.shape_cast %broadcast_in_dim3A_72 : vector<16xi32> to vector<16xi32>
    tpu.vector_store %arg7[%swap3A_73], %swap3A_76 {strides = array<i32>} : memref<10240xi32, #tpu.memory_space<vmem>>, vector<16xi32>,
    %broadcast_in_dim3A_77 = arith.constant 10000 : i32
    %broadcast_in_dim3A_78 = vector.broadcast %broadcast_in_dim3A_77 : i32 to vector<16xi32>
    %swap3A_79 = arith.constant 10096 : index
    %swap3A_80 = tpu.vector_load %arg8[%swap3A_79] {strides = array<i32>} : memref<10240xi32, #tpu.memory_space<vmem>>, vector<16xi32>,
    %swap3A_81 = vector.shape_cast %swap3A_80 : vector<16xi32> to vector<16xi32>
    %swap3A_82 = vector.shape_cast %broadcast_in_dim3A_78 : vector<16xi32> to vector<16xi32>
    tpu.vector_store %arg8[%swap3A_79], %swap3A_82 {strides = array<i32>} : memref<10240xi32, #tpu.memory_space<vmem>>, vector<16xi32>,
    %broadcast_in_dim3A_83 = arith.constant 0 : i32
    %broadcast_in_dim3A_84 = vector.broadcast %broadcast_in_dim3A_83 : i32 to vector<16xi32>
    %swap3A_85 = arith.constant 10112 : index
    %swap3A_86 = tpu.vector_load %arg7[%swap3A_85] {strides = array<i32>} : memref<10240xi32, #tpu.memory_space<vmem>>, vector<16xi32>,
    %swap3A_87 = vector.shape_cast %swap3A_86 : vector<16xi32> to vector<16xi32>
    %swap3A_88 = vector.shape_cast %broadcast_in_dim3A_84 : vector<16xi32> to vector<16xi32>
    tpu.vector_store %arg7[%swap3A_85], %swap3A_88 {strides = array<i32>} : memref<10240xi32, #tpu.memory_space<vmem>>, vector<16xi32>,
    %broadcast_in_dim3A_89 = arith.constant 10000 : i32
    %broadcast_in_dim3A_90 = vector.broadcast %broadcast_in_dim3A_89 : i32 to vector<16xi32>
    %swap3A_91 = arith.constant 10112 : index
    %swap3A_92 = tpu.vector_load %arg8[%swap3A_91] {strides = array<i32>} : memref<10240xi32, #tpu.memory_space<vmem>>, vector<16xi32>,
    %swap3A_93 = vector.shape_cast %swap3A_92 : vector<16xi32> to vector<16xi32>
    %swap3A_94 = vector.shape_cast %broadcast_in_dim3A_90 : vector<16xi32> to vector<16xi32>
    tpu.vector_store %arg8[%swap3A_91], %swap3A_94 {strides = array<i32>} : memref<10240xi32, #tpu.memory_space<vmem>>, vector<16xi32>,
    %broadcast_in_dim3A_95 = arith.constant 0 : i32
    %broadcast_in_dim3A_96 = vector.broadcast %broadcast_in_dim3A_95 : i32 to vector<16xi32>
    %swap3A_97 = arith.constant 10128 : index
    %swap3A_98 = tpu.vector_load %arg7[%swap3A_97] {strides = array<i32>} : memref<10240xi32, #tpu.memory_space<vmem>>, vector<16xi32>,
    %swap3A_99 = vector.shape_cast %swap3A_98 : vector<16xi32> to vector<16xi32>
    %swap3A_100 = vector.shape_cast %broadcast_in_dim3A_96 : vector<16xi32> to vector<16xi32>
    tpu.vector_store %arg7[%swap3A_97], %swap3A_100 {strides = array<i32>} : memref<10240xi32, #tpu.memory_space<vmem>>, vector<16xi32>,
    %broadcast_in_dim3A_101 = arith.constant 10000 : i32
    %broadcast_in_dim3A_102 = vector.broadcast %broadcast_in_dim3A_101 : i32 to vector<16xi32>
    %swap3A_103 = arith.constant 10128 : index
    %swap3A_104 = tpu.vector_load %arg8[%swap3A_103] {strides = array<i32>} : memref<10240xi32, #tpu.memory_space<vmem>>, vector<16xi32>,
    %swap3A_105 = vector.shape_cast %swap3A_104 : vector<16xi32> to vector<16xi32>
    %swap3A_106 = vector.shape_cast %broadcast_in_dim3A_102 : vector<16xi32> to vector<16xi32>
    tpu.vector_store %arg8[%swap3A_103], %swap3A_106 {strides = array<i32>} : memref<10240xi32, #tpu.memory_space<vmem>>, vector<16xi32>,
    %broadcast_in_dim3A_107 = arith.constant 0 : i32
    %broadcast_in_dim3A_108 = vector.broadcast %broadcast_in_dim3A_107 : i32 to vector<16xi32>
    %swap3A_109 = arith.constant 10144 : index
    %swap3A_110 = tpu.vector_load %arg7[%swap3A_109] {strides = array<i32>} : memref<10240xi32, #tpu.memory_space<vmem>>, vector<16xi32>,
    %swap3A_111 = vector.shape_cast %swap3A_110 : vector<16xi32> to vector<16xi32>
    %swap3A_112 = vector.shape_cast %broadcast_in_dim3A_108 : vector<16xi32> to vector<16xi32>
    tpu.vector_store %arg7[%swap3A_109], %swap3A_112 {strides = array<i32>} : memref<10240xi32, #tpu.memory_space<vmem>>, vector<16xi32>,
    %broadcast_in_dim3A_113 = arith.constant 10000 : i32
    %broadcast_in_dim3A_114 = vector.broadcast %broadcast_in_dim3A_113 : i32 to vector<16xi32>
    %swap3A_115 = arith.constant 10144 : index
    %swap3A_116 = tpu.vector_load %arg8[%swap3A_115] {strides = array<i32>} : memref<10240xi32, #tpu.memory_space<vmem>>, vector<16xi32>,
    %swap3A_117 = vector.shape_cast %swap3A_116 : vector<16xi32> to vector<16xi32>
    %swap3A_118 = vector.shape_cast %broadcast_in_dim3A_114 : vector<16xi32> to vector<16xi32>
    tpu.vector_store %arg8[%swap3A_115], %swap3A_118 {strides = array<i32>} : memref<10240xi32, #tpu.memory_space<vmem>>, vector<16xi32>,
    %broadcast_in_dim3A_119 = arith.constant 0 : i32
    %broadcast_in_dim3A_120 = vector.broadcast %broadcast_in_dim3A_119 : i32 to vector<16xi32>
    %swap3A_121 = arith.constant 10160 : index
    %swap3A_122 = tpu.vector_load %arg7[%swap3A_121] {strides = array<i32>} : memref<10240xi32, #tpu.memory_space<vmem>>, vector<16xi32>,
    %swap3A_123 = vector.shape_cast %swap3A_122 : vector<16xi32> to vector<16xi32>
    %swap3A_124 = vector.shape_cast %broadcast_in_dim3A_120 : vector<16xi32> to vector<16xi32>
    tpu.vector_store %arg7[%swap3A_121], %swap3A_124 {strides = array<i32>} : memref<10240xi32, #tpu.memory_space<vmem>>, vector<16xi32>,
    %broadcast_in_dim3A_125 = arith.constant 10000 : i32
    %broadcast_in_dim3A_126 = vector.broadcast %broadcast_in_dim3A_125 : i32 to vector<16xi32>
    %swap3A_127 = arith.constant 10160 : index
    %swap3A_128 = tpu.vector_load %arg8[%swap3A_127] {strides = array<i32>} : memref<10240xi32, #tpu.memory_space<vmem>>, vector<16xi32>,
    %swap3A_129 = vector.shape_cast %swap3A_128 : vector<16xi32> to vector<16xi32>
    %swap3A_130 = vector.shape_cast %broadcast_in_dim3A_126 : vector<16xi32> to vector<16xi32>
    tpu.vector_store %arg8[%swap3A_127], %swap3A_130 {strides = array<i32>} : memref<10240xi32, #tpu.memory_space<vmem>>, vector<16xi32>,
    %broadcast_in_dim3A_131 = arith.constant 0 : i32
    %broadcast_in_dim3A_132 = vector.broadcast %broadcast_in_dim3A_131 : i32 to vector<16xi32>
    %swap3A_133 = arith.constant 10176 : index
    %swap3A_134 = tpu.vector_load %arg7[%swap3A_133] {strides = array<i32>} : memref<10240xi32, #tpu.memory_space<vmem>>, vector<16xi32>,
    %swap3A_135 = vector.shape_cast %swap3A_134 : vector<16xi32> to vector<16xi32>
    %swap3A_136 = vector.shape_cast %broadcast_in_dim3A_132 : vector<16xi32> to vector<16xi32>
    tpu.vector_store %arg7[%swap3A_133], %swap3A_136 {strides = array<i32>} : memref<10240xi32, #tpu.memory_space<vmem>>, vector<16xi32>,
    %broadcast_in_dim3A_137 = arith.constant 10000 : i32
    %broadcast_in_dim3A_138 = vector.broadcast %broadcast_in_dim3A_137 : i32 to vector<16xi32>
    %swap3A_139 = arith.constant 10176 : index
    %swap3A_140 = tpu.vector_load %arg8[%swap3A_139] {strides = array<i32>} : memref<10240xi32, #tpu.memory_space<vmem>>, vector<16xi32>,
    %swap3A_141 = vector.shape_cast %swap3A_140 : vector<16xi32> to vector<16xi32>
    %swap3A_142 = vector.shape_cast %broadcast_in_dim3A_138 : vector<16xi32> to vector<16xi32>
    tpu.vector_store %arg8[%swap3A_139], %swap3A_142 {strides = array<i32>} : memref<10240xi32, #tpu.memory_space<vmem>>, vector<16xi32>,
    %broadcast_in_dim3A_143 = arith.constant 0 : i32
    %broadcast_in_dim3A_144 = vector.broadcast %broadcast_in_dim3A_143 : i32 to vector<16xi32>
    %swap3A_145 = arith.constant 10192 : index
    %swap3A_146 = tpu.vector_load %arg7[%swap3A_145] {strides = array<i32>} : memref<10240xi32, #tpu.memory_space<vmem>>, vector<16xi32>,
    %swap3A_147 = vector.shape_cast %swap3A_146 : vector<16xi32> to vector<16xi32>
    %swap3A_148 = vector.shape_cast %broadcast_in_dim3A_144 : vector<16xi32> to vector<16xi32>
    tpu.vector_store %arg7[%swap3A_145], %swap3A_148 {strides = array<i32>} : memref<10240xi32, #tpu.memory_space<vmem>>, vector<16xi32>,
    %broadcast_in_dim3A_149 = arith.constant 10000 : i32
    %broadcast_in_dim3A_150 = vector.broadcast %broadcast_in_dim3A_149 : i32 to vector<16xi32>
    %swap3A_151 = arith.constant 10192 : index
    %swap3A_152 = tpu.vector_load %arg8[%swap3A_151] {strides = array<i32>} : memref<10240xi32, #tpu.memory_space<vmem>>, vector<16xi32>,
    %swap3A_153 = vector.shape_cast %swap3A_152 : vector<16xi32> to vector<16xi32>
    %swap3A_154 = vector.shape_cast %broadcast_in_dim3A_150 : vector<16xi32> to vector<16xi32>
    tpu.vector_store %arg8[%swap3A_151], %swap3A_154 {strides = array<i32>} : memref<10240xi32, #tpu.memory_space<vmem>>, vector<16xi32>,
    %broadcast_in_dim3A_155 = arith.constant 0 : i32
    %broadcast_in_dim3A_156 = vector.broadcast %broadcast_in_dim3A_155 : i32 to vector<16xi32>
    %swap3A_157 = arith.constant 10208 : index
    %swap3A_158 = tpu.vector_load %arg7[%swap3A_157] {strides = array<i32>} : memref<10240xi32, #tpu.memory_space<vmem>>, vector<16xi32>,
    %swap3A_159 = vector.shape_cast %swap3A_158 : vector<16xi32> to vector<16xi32>
    %swap3A_160 = vector.shape_cast %broadcast_in_dim3A_156 : vector<16xi32> to vector<16xi32>
    tpu.vector_store %arg7[%swap3A_157], %swap3A_160 {strides = array<i32>} : memref<10240xi32, #tpu.memory_space<vmem>>, vector<16xi32>,
    %broadcast_in_dim3A_161 = arith.constant 10000 : i32
    %broadcast_in_dim3A_162 = vector.broadcast %broadcast_in_dim3A_161 : i32 to vector<16xi32>
    %swap3A_163 = arith.constant 10208 : index
    %swap3A_164 = tpu.vector_load %arg8[%swap3A_163] {strides = array<i32>} : memref<10240xi32, #tpu.memory_space<vmem>>, vector<16xi32>,
    %swap3A_165 = vector.shape_cast %swap3A_164 : vector<16xi32> to vector<16xi32>
    %swap3A_166 = vector.shape_cast %broadcast_in_dim3A_162 : vector<16xi32> to vector<16xi32>
    tpu.vector_store %arg8[%swap3A_163], %swap3A_166 {strides = array<i32>} : memref<10240xi32, #tpu.memory_space<vmem>>, vector<16xi32>,
    %broadcast_in_dim3A_167 = arith.constant 0 : i32
    %broadcast_in_dim3A_168 = vector.broadcast %broadcast_in_dim3A_167 : i32 to vector<16xi32>
    %swap3A_169 = arith.constant 10224 : index
    %swap3A_170 = tpu.vector_load %arg7[%swap3A_169] {strides = array<i32>} : memref<10240xi32, #tpu.memory_space<vmem>>, vector<16xi32>,
    %swap3A_171 = vector.shape_cast %swap3A_170 : vector<16xi32> to vector<16xi32>
    %swap3A_172 = vector.shape_cast %broadcast_in_dim3A_168 : vector<16xi32> to vector<16xi32>
    tpu.vector_store %arg7[%swap3A_169], %swap3A_172 {strides = array<i32>} : memref<10240xi32, #tpu.memory_space<vmem>>, vector<16xi32>,
    %broadcast_in_dim3A_173 = arith.constant 10000 : i32
    %broadcast_in_dim3A_174 = vector.broadcast %broadcast_in_dim3A_173 : i32 to vector<16xi32>
    %swap3A_175 = arith.constant 10224 : index
    %swap3A_176 = tpu.vector_load %arg8[%swap3A_175] {strides = array<i32>} : memref<10240xi32, #tpu.memory_space<vmem>>, vector<16xi32>,
    %swap3A_177 = vector.shape_cast %swap3A_176 : vector<16xi32> to vector<16xi32>
    %swap3A_178 = vector.shape_cast %broadcast_in_dim3A_174 : vector<16xi32> to vector<16xi32>
    tpu.vector_store %arg8[%swap3A_175], %swap3A_178 {strides = array<i32>} : memref<10240xi32, #tpu.memory_space<vmem>>, vector<16xi32>,
    %mul3A_179 = arith.constant 625 : i32
    %mul3A_180 = arith.muli %arg1, %mul3A_179 : i32
    %mul3A_181 = arith.constant 625 : i32
    %mul3A_182 = arith.muli %arg1, %mul3A_181 : i32
    "tpu.region"() ({
      %run_scoped3A = tpu.sem_alloc : memref<!tpu.dma_semaphore, #tpu.memory_space<semaphore_mem>>
      %dma_start3A_224 = arith.constant 0 : i32
      %dma_start3A_225 = tpu.memref_slice %arg13[%mul3A_182, %dma_start3A_224] : memref<10008x64xf32, #tpu.memory_space<vmem_shared>> -> memref<625x64xf32, #tpu.memory_space<vmem_shared>>
      %dma_start3A_226 = arith.constant 0 : i32
      %dma_start3A_227 = tpu.memref_slice %arg5[%mul3A_180, %dma_start3A_226] : memref<10008x64xf32, #tpu.memory_space<hbm>> -> memref<625x64xf32, #tpu.memory_space<hbm>>
      tpu.enqueue_dma source(%dma_start3A_227 : memref<625x64xf32, #tpu.memory_space<hbm>>) target(%dma_start3A_225 : memref<625x64xf32, #tpu.memory_space<vmem_shared>>) target_semaphore(%run_scoped3A : memref<!tpu.dma_semaphore, #tpu.memory_space<semaphore_mem>>)
      %dma_wait3A_228 = arith.constant 0 : i32
      %dma_wait3A_229 = tpu.memref_slice %arg13[%mul3A_182, %dma_wait3A_228] : memref<10008x64xf32, #tpu.memory_space<vmem_shared>> -> memref<625x64xf32, #tpu.memory_space<vmem_shared>>
      %dma_wait3A_230 = arith.constant 0 : i32
      %dma_wait3A_231 = tpu.memref_slice %arg5[%mul3A_180, %dma_wait3A_230] : memref<10008x64xf32, #tpu.memory_space<hbm>> -> memref<625x64xf32, #tpu.memory_space<hbm>>
      tpu.wait_dma2 semaphore(%run_scoped3A : memref<!tpu.dma_semaphore, #tpu.memory_space<semaphore_mem>>) src(%dma_wait3A_231 : memref<625x64xf32, #tpu.memory_space<hbm>>) dst(%dma_wait3A_229 : memref<625x64xf32, #tpu.memory_space<vmem_shared>>)
      tpu.yield
    }) : () -> ()
    %eq3A = arith.constant 0 : i32
    %eq3A_183 = arith.cmpi eq, %arg1, %eq3A : i32
    %convert_element_type3A = arith.extui %eq3A_183 : i1 to i32
    %cond3A = arith.constant 0 : i32
    %cond3A_184 = arith.cmpi ne, %convert_element_type3A, %cond3A : i32
    scf.if %cond3A_184 {
      "tpu.region"() ({
        %run_scoped3A = tpu.sem_alloc : memref<!tpu.dma_semaphore, #tpu.memory_space<semaphore_mem>>
        %dma_start3A_224 = arith.constant 10000 : i32
        %dma_start3A_225 = arith.constant 0 : i32
        %dma_start3A_226 = tpu.memref_slice %arg13[%dma_start3A_224, %dma_start3A_225] : memref<10008x64xf32, #tpu.memory_space<vmem_shared>> -> memref<8x64xf32, #tpu.memory_space<vmem_shared>>
        %dma_start3A_227 = arith.constant 10000 : i32
        %dma_start3A_228 = arith.constant 0 : i32
        %dma_start3A_229 = tpu.memref_slice %arg5[%dma_start3A_227, %dma_start3A_228] : memref<10008x64xf32, #tpu.memory_space<hbm>> -> memref<8x64xf32, #tpu.memory_space<hbm>>
        tpu.enqueue_dma source(%dma_start3A_229 : memref<8x64xf32, #tpu.memory_space<hbm>>) target(%dma_start3A_226 : memref<8x64xf32, #tpu.memory_space<vmem_shared>>) target_semaphore(%run_scoped3A : memref<!tpu.dma_semaphore, #tpu.memory_space<semaphore_mem>>)
        %dma_wait3A_230 = arith.constant 10000 : i32
        %dma_wait3A_231 = arith.constant 0 : i32
        %dma_wait3A_232 = tpu.memref_slice %arg13[%dma_wait3A_230, %dma_wait3A_231] : memref<10008x64xf32, #tpu.memory_space<vmem_shared>> -> memref<8x64xf32, #tpu.memory_space<vmem_shared>>
        %dma_wait3A_233 = arith.constant 10000 : i32
        %dma_wait3A_234 = arith.constant 0 : i32
        %dma_wait3A_235 = tpu.memref_slice %arg5[%dma_wait3A_233, %dma_wait3A_234] : memref<10008x64xf32, #tpu.memory_space<hbm>> -> memref<8x64xf32, #tpu.memory_space<hbm>>
        tpu.wait_dma2 semaphore(%run_scoped3A : memref<!tpu.dma_semaphore, #tpu.memory_space<semaphore_mem>>) src(%dma_wait3A_235 : memref<8x64xf32, #tpu.memory_space<hbm>>) dst(%dma_wait3A_232 : memref<8x64xf32, #tpu.memory_space<vmem_shared>>)
        tpu.yield
      }) : () -> ()
    } else {
    }
    %barrier3A = arith.constant 0 : index
    tpu.barrier barrier_id(%barrier3A)
    %dma_start3A = arith.constant 0 : i32
    %dma_start3A_185 = tpu.memref_slice %arg7[%dma_start3A] : memref<10240xi32, #tpu.memory_space<vmem>> -> memref<256xi32, #tpu.memory_space<vmem>>
    %dma_start3A_186 = arith.constant 0 : i32
    %dma_start3A_187 = arith.constant 0 : i32
    %dma_start3A_188 = tpu.memref_slice %arg2[%dma_start3A_186, %dma_start3A_187] : memref<10000x64xf32, #tpu.memory_space<hbm>> -> memref<10000x64xf32, #tpu.memory_space<hbm>>
    tpu.enqueue_indirect_dma source(%dma_start3A_188 : memref<10000x64xf32, #tpu.memory_space<hbm>>) target(%arg9 : memref<256x64xf32, #tpu.memory_space<vmem>>) offsets(%dma_start3A_185 : memref<256xi32, #tpu.memory_space<vmem>>) semaphore(%arg14 : memref<!tpu.dma_semaphore, #tpu.memory_space<semaphore_mem>>)
    %dma_start3A_189 = arith.constant 256 : i32
    %dma_start3A_190 = tpu.memref_slice %arg7[%dma_start3A_189] : memref<10240xi32, #tpu.memory_space<vmem>> -> memref<256xi32, #tpu.memory_space<vmem>>
    %dma_start3A_191 = arith.constant 0 : i32
    %dma_start3A_192 = arith.constant 0 : i32
    %dma_start3A_193 = tpu.memref_slice %arg2[%dma_start3A_191, %dma_start3A_192] : memref<10000x64xf32, #tpu.memory_space<hbm>> -> memref<10000x64xf32, #tpu.memory_space<hbm>>
    tpu.enqueue_indirect_dma source(%dma_start3A_193 : memref<10000x64xf32, #tpu.memory_space<hbm>>) target(%arg10 : memref<256x64xf32, #tpu.memory_space<vmem>>) offsets(%dma_start3A_190 : memref<256xi32, #tpu.memory_space<vmem>>) semaphore(%arg15 : memref<!tpu.dma_semaphore, #tpu.memory_space<semaphore_mem>>)
    %scan3A = arith.constant 0 : i32
    %scan3A_194 = arith.constant 0 : i32
    %scan3A_195 = arith.constant 10 : i32
    %scan3A_196 = arith.addi %scan3A_194, %scan3A_195 : i32
    %scan3A_197 = arith.constant 1 : i32
    scf.for %scan3A_224 = %scan3A_194 to %scan3A_196 step %scan3A_197  : i32 {
      %mul3A_225 = arith.constant 4 : i32
      %mul3A_226 = arith.muli %mul3A_225, %scan3A_224 : i32
      %add3A_227 = arith.constant 0 : i32
      %add3A_228 = arith.addi %mul3A_226, %add3A_227 : i32
      %dma_wait3A_229 = arith.constant 0 : i32
      %dma_wait3A_230 = tpu.memref_slice %arg7[%dma_wait3A_229] : memref<10240xi32, #tpu.memory_space<vmem>> -> memref<256xi32, #tpu.memory_space<vmem>>
      %dma_wait3A_231 = arith.constant 0 : i32
      %dma_wait3A_232 = arith.constant 0 : i32
      %dma_wait3A_233 = tpu.memref_slice %arg2[%dma_wait3A_231, %dma_wait3A_232] : memref<10000x64xf32, #tpu.memory_space<hbm>> -> memref<10000x64xf32, #tpu.memory_space<hbm>>
      tpu.wait_indirect_dma semaphore(%arg14 : memref<!tpu.dma_semaphore, #tpu.memory_space<semaphore_mem>>) src(%dma_wait3A_233 : memref<10000x64xf32, #tpu.memory_space<hbm>>) dst(%arg9 : memref<256x64xf32, #tpu.memory_space<vmem>>)
      %mul3A_234 = arith.constant 256 : i32
      %mul3A_235 = arith.muli %add3A_228, %mul3A_234 : i32
      %dma_start3A_236 = tpu.memref_slice %arg8[%mul3A_235] : memref<10240xi32, #tpu.memory_space<vmem>> -> memref<256xi32, #tpu.memory_space<vmem>>
      %dma_start3A_237 = arith.constant 0 : i32
      %dma_start3A_238 = arith.constant 0 : i32
      %dma_start3A_239 = tpu.memref_slice %arg13[%dma_start3A_237, %dma_start3A_238] : memref<10008x64xf32, #tpu.memory_space<vmem_shared>> -> memref<10008x64xf32, #tpu.memory_space<vmem_shared>>
      tpu.enqueue_indirect_dma source(%arg9 : memref<256x64xf32, #tpu.memory_space<vmem>>) target(%dma_start3A_239 : memref<10008x64xf32, #tpu.memory_space<vmem_shared>>) offsets(%dma_start3A_236 : memref<256xi32, #tpu.memory_space<vmem>>) semaphore(%arg18 : memref<!tpu.dma_semaphore, #tpu.memory_space<semaphore_mem>>) {add = true}
      %ge3A = arith.constant 2 : i32
      %ge3A_240 = arith.cmpi sge, %add3A_228, %ge3A : i32
      %add3A_241 = arith.constant 2 : i32
      %add3A_242 = arith.addi %add3A_228, %add3A_241 : i32
      %lt3A = arith.constant 40 : i32
      %lt3A_243 = arith.cmpi slt, %add3A_242, %lt3A : i32
      %and3A = arith.andi %ge3A_240, %lt3A_243 : i1
      %convert_element_type3A_244 = arith.extui %and3A : i1 to i32
      %cond3A_245 = arith.constant 0 : i32
      %cond3A_246 = arith.cmpi ne, %convert_element_type3A_244, %cond3A_245 : i32
      scf.if %cond3A_246 {
        %dma_wait3A_350 = arith.constant 0 : i32
        %dma_wait3A_351 = tpu.memref_slice %arg8[%dma_wait3A_350] : memref<10240xi32, #tpu.memory_space<vmem>> -> memref<256xi32, #tpu.memory_space<vmem>>
        %dma_wait3A_352 = arith.constant 0 : i32
        %dma_wait3A_353 = arith.constant 0 : i32
        %dma_wait3A_354 = tpu.memref_slice %arg13[%dma_wait3A_352, %dma_wait3A_353] : memref<10008x64xf32, #tpu.memory_space<vmem_shared>> -> memref<10008x64xf32, #tpu.memory_space<vmem_shared>>
        tpu.wait_indirect_dma semaphore(%arg20 : memref<!tpu.dma_semaphore, #tpu.memory_space<semaphore_mem>>) src(%arg11 : memref<256x64xf32, #tpu.memory_space<vmem>>) dst(%dma_wait3A_354 : memref<10008x64xf32, #tpu.memory_space<vmem_shared>>)
      } else {
      }
      %add3A_247 = arith.constant 2 : i32
      %add3A_248 = arith.addi %add3A_228, %add3A_247 : i32
      %lt3A_249 = arith.constant 40 : i32
      %lt3A_250 = arith.cmpi slt, %add3A_248, %lt3A_249 : i32
      %convert_element_type3A_251 = arith.extui %lt3A_250 : i1 to i32
      %cond3A_252 = arith.constant 0 : i32
      %cond3A_253 = arith.cmpi ne, %convert_element_type3A_251, %cond3A_252 : i32
      scf.if %cond3A_253 {
        %add3A_350 = arith.constant 2 : i32
        %add3A_351 = arith.addi %add3A_228, %add3A_350 : i32
        %mul3A_352 = arith.constant 256 : i32
        %mul3A_353 = arith.muli %add3A_351, %mul3A_352 : i32
        %dma_start3A_354 = tpu.memref_slice %arg7[%mul3A_353] : memref<10240xi32, #tpu.memory_space<vmem>> -> memref<256xi32, #tpu.memory_space<vmem>>
        %dma_start3A_355 = arith.constant 0 : i32
        %dma_start3A_356 = arith.constant 0 : i32
        %dma_start3A_357 = tpu.memref_slice %arg2[%dma_start3A_355, %dma_start3A_356] : memref<10000x64xf32, #tpu.memory_space<hbm>> -> memref<10000x64xf32, #tpu.memory_space<hbm>>
        tpu.enqueue_indirect_dma source(%dma_start3A_357 : memref<10000x64xf32, #tpu.memory_space<hbm>>) target(%arg11 : memref<256x64xf32, #tpu.memory_space<vmem>>) offsets(%dma_start3A_354 : memref<256xi32, #tpu.memory_space<vmem>>) semaphore(%arg16 : memref<!tpu.dma_semaphore, #tpu.memory_space<semaphore_mem>>)
      } else {
      }
      %mul3A_254 = arith.constant 4 : i32
      %mul3A_255 = arith.muli %mul3A_254, %scan3A_224 : i32
      %add3A_256 = arith.constant 1 : i32
      %add3A_257 = arith.addi %mul3A_255, %add3A_256 : i32
      %dma_wait3A_258 = arith.constant 0 : i32
      %dma_wait3A_259 = tpu.memref_slice %arg7[%dma_wait3A_258] : memref<10240xi32, #tpu.memory_space<vmem>> -> memref<256xi32, #tpu.memory_space<vmem>>
      %dma_wait3A_260 = arith.constant 0 : i32
      %dma_wait3A_261 = arith.constant 0 : i32
      %dma_wait3A_262 = tpu.memref_slice %arg2[%dma_wait3A_260, %dma_wait3A_261] : memref<10000x64xf32, #tpu.memory_space<hbm>> -> memref<10000x64xf32, #tpu.memory_space<hbm>>
      tpu.wait_indirect_dma semaphore(%arg15 : memref<!tpu.dma_semaphore, #tpu.memory_space<semaphore_mem>>) src(%dma_wait3A_262 : memref<10000x64xf32, #tpu.memory_space<hbm>>) dst(%arg10 : memref<256x64xf32, #tpu.memory_space<vmem>>)
      %mul3A_263 = arith.constant 256 : i32
      %mul3A_264 = arith.muli %add3A_257, %mul3A_263 : i32
      %dma_start3A_265 = tpu.memref_slice %arg8[%mul3A_264] : memref<10240xi32, #tpu.memory_space<vmem>> -> memref<256xi32, #tpu.memory_space<vmem>>
      %dma_start3A_266 = arith.constant 0 : i32
      %dma_start3A_267 = arith.constant 0 : i32
      %dma_start3A_268 = tpu.memref_slice %arg13[%dma_start3A_266, %dma_start3A_267] : memref<10008x64xf32, #tpu.memory_space<vmem_shared>> -> memref<10008x64xf32, #tpu.memory_space<vmem_shared>>
      tpu.enqueue_indirect_dma source(%arg10 : memref<256x64xf32, #tpu.memory_space<vmem>>) target(%dma_start3A_268 : memref<10008x64xf32, #tpu.memory_space<vmem_shared>>) offsets(%dma_start3A_265 : memref<256xi32, #tpu.memory_space<vmem>>) semaphore(%arg19 : memref<!tpu.dma_semaphore, #tpu.memory_space<semaphore_mem>>) {add = true}
      %ge3A_269 = arith.constant 2 : i32
      %ge3A_270 = arith.cmpi sge, %add3A_257, %ge3A_269 : i32
      %add3A_271 = arith.constant 2 : i32
      %add3A_272 = arith.addi %add3A_257, %add3A_271 : i32
      %lt3A_273 = arith.constant 40 : i32
      %lt3A_274 = arith.cmpi slt, %add3A_272, %lt3A_273 : i32
      %and3A_275 = arith.andi %ge3A_270, %lt3A_274 : i1
      %convert_element_type3A_276 = arith.extui %and3A_275 : i1 to i32
      %cond3A_277 = arith.constant 0 : i32
      %cond3A_278 = arith.cmpi ne, %convert_element_type3A_276, %cond3A_277 : i32
      scf.if %cond3A_278 {
        %dma_wait3A_350 = arith.constant 0 : i32
        %dma_wait3A_351 = tpu.memref_slice %arg8[%dma_wait3A_350] : memref<10240xi32, #tpu.memory_space<vmem>> -> memref<256xi32, #tpu.memory_space<vmem>>
        %dma_wait3A_352 = arith.constant 0 : i32
        %dma_wait3A_353 = arith.constant 0 : i32
        %dma_wait3A_354 = tpu.memref_slice %arg13[%dma_wait3A_352, %dma_wait3A_353] : memref<10008x64xf32, #tpu.memory_space<vmem_shared>> -> memref<10008x64xf32, #tpu.memory_space<vmem_shared>>
        tpu.wait_indirect_dma semaphore(%arg21 : memref<!tpu.dma_semaphore, #tpu.memory_space<semaphore_mem>>) src(%arg12 : memref<256x64xf32, #tpu.memory_space<vmem>>) dst(%dma_wait3A_354 : memref<10008x64xf32, #tpu.memory_space<vmem_shared>>)
      } else {
      }
      %add3A_279 = arith.constant 2 : i32
      %add3A_280 = arith.addi %add3A_257, %add3A_279 : i32
      %lt3A_281 = arith.constant 40 : i32
      %lt3A_282 = arith.cmpi slt, %add3A_280, %lt3A_281 : i32
      %convert_element_type3A_283 = arith.extui %lt3A_282 : i1 to i32
      %cond3A_284 = arith.constant 0 : i32
      %cond3A_285 = arith.cmpi ne, %convert_element_type3A_283, %cond3A_284 : i32
      scf.if %cond3A_285 {
        %add3A_350 = arith.constant 2 : i32
        %add3A_351 = arith.addi %add3A_257, %add3A_350 : i32
        %mul3A_352 = arith.constant 256 : i32
        %mul3A_353 = arith.muli %add3A_351, %mul3A_352 : i32
        %dma_start3A_354 = tpu.memref_slice %arg7[%mul3A_353] : memref<10240xi32, #tpu.memory_space<vmem>> -> memref<256xi32, #tpu.memory_space<vmem>>
        %dma_start3A_355 = arith.constant 0 : i32
        %dma_start3A_356 = arith.constant 0 : i32
        %dma_start3A_357 = tpu.memref_slice %arg2[%dma_start3A_355, %dma_start3A_356] : memref<10000x64xf32, #tpu.memory_space<hbm>> -> memref<10000x64xf32, #tpu.memory_space<hbm>>
        tpu.enqueue_indirect_dma source(%dma_start3A_357 : memref<10000x64xf32, #tpu.memory_space<hbm>>) target(%arg12 : memref<256x64xf32, #tpu.memory_space<vmem>>) offsets(%dma_start3A_354 : memref<256xi32, #tpu.memory_space<vmem>>) semaphore(%arg17 : memref<!tpu.dma_semaphore, #tpu.memory_space<semaphore_mem>>)
      } else {
      }
      %mul3A_286 = arith.constant 4 : i32
      %mul3A_287 = arith.muli %mul3A_286, %scan3A_224 : i32
      %add3A_288 = arith.constant 2 : i32
      %add3A_289 = arith.addi %mul3A_287, %add3A_288 : i32
      %dma_wait3A_290 = arith.constant 0 : i32
      %dma_wait3A_291 = tpu.memref_slice %arg7[%dma_wait3A_290] : memref<10240xi32, #tpu.memory_space<vmem>> -> memref<256xi32, #tpu.memory_space<vmem>>
      %dma_wait3A_292 = arith.constant 0 : i32
      %dma_wait3A_293 = arith.constant 0 : i32
      %dma_wait3A_294 = tpu.memref_slice %arg2[%dma_wait3A_292, %dma_wait3A_293] : memref<10000x64xf32, #tpu.memory_space<hbm>> -> memref<10000x64xf32, #tpu.memory_space<hbm>>
      tpu.wait_indirect_dma semaphore(%arg16 : memref<!tpu.dma_semaphore, #tpu.memory_space<semaphore_mem>>) src(%dma_wait3A_294 : memref<10000x64xf32, #tpu.memory_space<hbm>>) dst(%arg11 : memref<256x64xf32, #tpu.memory_space<vmem>>)
      %mul3A_295 = arith.constant 256 : i32
      %mul3A_296 = arith.muli %add3A_289, %mul3A_295 : i32
      %dma_start3A_297 = tpu.memref_slice %arg8[%mul3A_296] : memref<10240xi32, #tpu.memory_space<vmem>> -> memref<256xi32, #tpu.memory_space<vmem>>
      %dma_start3A_298 = arith.constant 0 : i32
      %dma_start3A_299 = arith.constant 0 : i32
      %dma_start3A_300 = tpu.memref_slice %arg13[%dma_start3A_298, %dma_start3A_299] : memref<10008x64xf32, #tpu.memory_space<vmem_shared>> -> memref<10008x64xf32, #tpu.memory_space<vmem_shared>>
      tpu.enqueue_indirect_dma source(%arg11 : memref<256x64xf32, #tpu.memory_space<vmem>>) target(%dma_start3A_300 : memref<10008x64xf32, #tpu.memory_space<vmem_shared>>) offsets(%dma_start3A_297 : memref<256xi32, #tpu.memory_space<vmem>>) semaphore(%arg20 : memref<!tpu.dma_semaphore, #tpu.memory_space<semaphore_mem>>) {add = true}
      %ge3A_301 = arith.constant 2 : i32
      %ge3A_302 = arith.cmpi sge, %add3A_289, %ge3A_301 : i32
      %add3A_303 = arith.constant 2 : i32
      %add3A_304 = arith.addi %add3A_289, %add3A_303 : i32
      %lt3A_305 = arith.constant 40 : i32
      %lt3A_306 = arith.cmpi slt, %add3A_304, %lt3A_305 : i32
      %and3A_307 = arith.andi %ge3A_302, %lt3A_306 : i1
      %convert_element_type3A_308 = arith.extui %and3A_307 : i1 to i32
      %cond3A_309 = arith.constant 0 : i32
      %cond3A_310 = arith.cmpi ne, %convert_element_type3A_308, %cond3A_309 : i32
      scf.if %cond3A_310 {
        %dma_wait3A_350 = arith.constant 0 : i32
        %dma_wait3A_351 = tpu.memref_slice %arg8[%dma_wait3A_350] : memref<10240xi32, #tpu.memory_space<vmem>> -> memref<256xi32, #tpu.memory_space<vmem>>
        %dma_wait3A_352 = arith.constant 0 : i32
        %dma_wait3A_353 = arith.constant 0 : i32
        %dma_wait3A_354 = tpu.memref_slice %arg13[%dma_wait3A_352, %dma_wait3A_353] : memref<10008x64xf32, #tpu.memory_space<vmem_shared>> -> memref<10008x64xf32, #tpu.memory_space<vmem_shared>>
        tpu.wait_indirect_dma semaphore(%arg18 : memref<!tpu.dma_semaphore, #tpu.memory_space<semaphore_mem>>) src(%arg9 : memref<256x64xf32, #tpu.memory_space<vmem>>) dst(%dma_wait3A_354 : memref<10008x64xf32, #tpu.memory_space<vmem_shared>>)
      } else {
      }
      %add3A_311 = arith.constant 2 : i32
      %add3A_312 = arith.addi %add3A_289, %add3A_311 : i32
      %lt3A_313 = arith.constant 40 : i32
      %lt3A_314 = arith.cmpi slt, %add3A_312, %lt3A_313 : i32
      %convert_element_type3A_315 = arith.extui %lt3A_314 : i1 to i32
      %cond3A_316 = arith.constant 0 : i32
      %cond3A_317 = arith.cmpi ne, %convert_element_type3A_315, %cond3A_316 : i32
      scf.if %cond3A_317 {
        %add3A_350 = arith.constant 2 : i32
        %add3A_351 = arith.addi %add3A_289, %add3A_350 : i32
        %mul3A_352 = arith.constant 256 : i32
        %mul3A_353 = arith.muli %add3A_351, %mul3A_352 : i32
        %dma_start3A_354 = tpu.memref_slice %arg7[%mul3A_353] : memref<10240xi32, #tpu.memory_space<vmem>> -> memref<256xi32, #tpu.memory_space<vmem>>
        %dma_start3A_355 = arith.constant 0 : i32
        %dma_start3A_356 = arith.constant 0 : i32
        %dma_start3A_357 = tpu.memref_slice %arg2[%dma_start3A_355, %dma_start3A_356] : memref<10000x64xf32, #tpu.memory_space<hbm>> -> memref<10000x64xf32, #tpu.memory_space<hbm>>
        tpu.enqueue_indirect_dma source(%dma_start3A_357 : memref<10000x64xf32, #tpu.memory_space<hbm>>) target(%arg9 : memref<256x64xf32, #tpu.memory_space<vmem>>) offsets(%dma_start3A_354 : memref<256xi32, #tpu.memory_space<vmem>>) semaphore(%arg14 : memref<!tpu.dma_semaphore, #tpu.memory_space<semaphore_mem>>)
      } else {
      }
      %mul3A_318 = arith.constant 4 : i32
      %mul3A_319 = arith.muli %mul3A_318, %scan3A_224 : i32
      %add3A_320 = arith.constant 3 : i32
      %add3A_321 = arith.addi %mul3A_319, %add3A_320 : i32
      %dma_wait3A_322 = arith.constant 0 : i32
      %dma_wait3A_323 = tpu.memref_slice %arg7[%dma_wait3A_322] : memref<10240xi32, #tpu.memory_space<vmem>> -> memref<256xi32, #tpu.memory_space<vmem>>
      %dma_wait3A_324 = arith.constant 0 : i32
      %dma_wait3A_325 = arith.constant 0 : i32
      %dma_wait3A_326 = tpu.memref_slice %arg2[%dma_wait3A_324, %dma_wait3A_325] : memref<10000x64xf32, #tpu.memory_space<hbm>> -> memref<10000x64xf32, #tpu.memory_space<hbm>>
      tpu.wait_indirect_dma semaphore(%arg17 : memref<!tpu.dma_semaphore, #tpu.memory_space<semaphore_mem>>) src(%dma_wait3A_326 : memref<10000x64xf32, #tpu.memory_space<hbm>>) dst(%arg12 : memref<256x64xf32, #tpu.memory_space<vmem>>)
      %mul3A_327 = arith.constant 256 : i32
      %mul3A_328 = arith.muli %add3A_321, %mul3A_327 : i32
      %dma_start3A_329 = tpu.memref_slice %arg8[%mul3A_328] : memref<10240xi32, #tpu.memory_space<vmem>> -> memref<256xi32, #tpu.memory_space<vmem>>
      %dma_start3A_330 = arith.constant 0 : i32
      %dma_start3A_331 = arith.constant 0 : i32
      %dma_start3A_332 = tpu.memref_slice %arg13[%dma_start3A_330, %dma_start3A_331] : memref<10008x64xf32, #tpu.memory_space<vmem_shared>> -> memref<10008x64xf32, #tpu.memory_space<vmem_shared>>
      tpu.enqueue_indirect_dma source(%arg12 : memref<256x64xf32, #tpu.memory_space<vmem>>) target(%dma_start3A_332 : memref<10008x64xf32, #tpu.memory_space<vmem_shared>>) offsets(%dma_start3A_329 : memref<256xi32, #tpu.memory_space<vmem>>) semaphore(%arg21 : memref<!tpu.dma_semaphore, #tpu.memory_space<semaphore_mem>>) {add = true}
      %ge3A_333 = arith.constant 2 : i32
      %ge3A_334 = arith.cmpi sge, %add3A_321, %ge3A_333 : i32
      %add3A_335 = arith.constant 2 : i32
      %add3A_336 = arith.addi %add3A_321, %add3A_335 : i32
      %lt3A_337 = arith.constant 40 : i32
      %lt3A_338 = arith.cmpi slt, %add3A_336, %lt3A_337 : i32
      %and3A_339 = arith.andi %ge3A_334, %lt3A_338 : i1
      %convert_element_type3A_340 = arith.extui %and3A_339 : i1 to i32
      %cond3A_341 = arith.constant 0 : i32
      %cond3A_342 = arith.cmpi ne, %convert_element_type3A_340, %cond3A_341 : i32
      scf.if %cond3A_342 {
        %dma_wait3A_350 = arith.constant 0 : i32
        %dma_wait3A_351 = tpu.memref_slice %arg8[%dma_wait3A_350] : memref<10240xi32, #tpu.memory_space<vmem>> -> memref<256xi32, #tpu.memory_space<vmem>>
        %dma_wait3A_352 = arith.constant 0 : i32
        %dma_wait3A_353 = arith.constant 0 : i32
        %dma_wait3A_354 = tpu.memref_slice %arg13[%dma_wait3A_352, %dma_wait3A_353] : memref<10008x64xf32, #tpu.memory_space<vmem_shared>> -> memref<10008x64xf32, #tpu.memory_space<vmem_shared>>
        tpu.wait_indirect_dma semaphore(%arg19 : memref<!tpu.dma_semaphore, #tpu.memory_space<semaphore_mem>>) src(%arg10 : memref<256x64xf32, #tpu.memory_space<vmem>>) dst(%dma_wait3A_354 : memref<10008x64xf32, #tpu.memory_space<vmem_shared>>)
      } else {
      }
      %add3A_343 = arith.constant 2 : i32
      %add3A_344 = arith.addi %add3A_321, %add3A_343 : i32
      %lt3A_345 = arith.constant 40 : i32
      %lt3A_346 = arith.cmpi slt, %add3A_344, %lt3A_345 : i32
      %convert_element_type3A_347 = arith.extui %lt3A_346 : i1 to i32
      %cond3A_348 = arith.constant 0 : i32
      %cond3A_349 = arith.cmpi ne, %convert_element_type3A_347, %cond3A_348 : i32
      scf.if %cond3A_349 {
        %add3A_350 = arith.constant 2 : i32
        %add3A_351 = arith.addi %add3A_321, %add3A_350 : i32
        %mul3A_352 = arith.constant 256 : i32
        %mul3A_353 = arith.muli %add3A_351, %mul3A_352 : i32
        %dma_start3A_354 = tpu.memref_slice %arg7[%mul3A_353] : memref<10240xi32, #tpu.memory_space<vmem>> -> memref<256xi32, #tpu.memory_space<vmem>>
        %dma_start3A_355 = arith.constant 0 : i32
        %dma_start3A_356 = arith.constant 0 : i32
        %dma_start3A_357 = tpu.memref_slice %arg2[%dma_start3A_355, %dma_start3A_356] : memref<10000x64xf32, #tpu.memory_space<hbm>> -> memref<10000x64xf32, #tpu.memory_space<hbm>>
        tpu.enqueue_indirect_dma source(%dma_start3A_357 : memref<10000x64xf32, #tpu.memory_space<hbm>>) target(%arg10 : memref<256x64xf32, #tpu.memory_space<vmem>>) offsets(%dma_start3A_354 : memref<256xi32, #tpu.memory_space<vmem>>) semaphore(%arg15 : memref<!tpu.dma_semaphore, #tpu.memory_space<semaphore_mem>>)
      } else {
      }
    }
    %scan3A_198 = arith.constant 10 : i32
    %dma_wait3A = arith.constant 0 : i32
    %dma_wait3A_199 = tpu.memref_slice %arg8[%dma_wait3A] : memref<10240xi32, #tpu.memory_space<vmem>> -> memref<256xi32, #tpu.memory_space<vmem>>
    %dma_wait3A_200 = arith.constant 0 : i32
    %dma_wait3A_201 = arith.constant 0 : i32
    %dma_wait3A_202 = tpu.memref_slice %arg13[%dma_wait3A_200, %dma_wait3A_201] : memref<10008x64xf32, #tpu.memory_space<vmem_shared>> -> memref<10008x64xf32, #tpu.memory_space<vmem_shared>>
    tpu.wait_indirect_dma semaphore(%arg18 : memref<!tpu.dma_semaphore, #tpu.memory_space<semaphore_mem>>) src(%arg9 : memref<256x64xf32, #tpu.memory_space<vmem>>) dst(%dma_wait3A_202 : memref<10008x64xf32, #tpu.memory_space<vmem_shared>>)
    %dma_wait3A_203 = arith.constant 0 : i32
    %dma_wait3A_204 = tpu.memref_slice %arg8[%dma_wait3A_203] : memref<10240xi32, #tpu.memory_space<vmem>> -> memref<256xi32, #tpu.memory_space<vmem>>
    %dma_wait3A_205 = arith.constant 0 : i32
    %dma_wait3A_206 = arith.constant 0 : i32
    %dma_wait3A_207 = tpu.memref_slice %arg13[%dma_wait3A_205, %dma_wait3A_206] : memref<10008x64xf32, #tpu.memory_space<vmem_shared>> -> memref<10008x64xf32, #tpu.memory_space<vmem_shared>>
    tpu.wait_indirect_dma semaphore(%arg19 : memref<!tpu.dma_semaphore, #tpu.memory_space<semaphore_mem>>) src(%arg10 : memref<256x64xf32, #tpu.memory_space<vmem>>) dst(%dma_wait3A_207 : memref<10008x64xf32, #tpu.memory_space<vmem_shared>>)
    %dma_wait3A_208 = arith.constant 0 : i32
    %dma_wait3A_209 = tpu.memref_slice %arg8[%dma_wait3A_208] : memref<10240xi32, #tpu.memory_space<vmem>> -> memref<256xi32, #tpu.memory_space<vmem>>
    %dma_wait3A_210 = arith.constant 0 : i32
    %dma_wait3A_211 = arith.constant 0 : i32
    %dma_wait3A_212 = tpu.memref_slice %arg13[%dma_wait3A_210, %dma_wait3A_211] : memref<10008x64xf32, #tpu.memory_space<vmem_shared>> -> memref<10008x64xf32, #tpu.memory_space<vmem_shared>>
    tpu.wait_indirect_dma semaphore(%arg20 : memref<!tpu.dma_semaphore, #tpu.memory_space<semaphore_mem>>) src(%arg11 : memref<256x64xf32, #tpu.memory_space<vmem>>) dst(%dma_wait3A_212 : memref<10008x64xf32, #tpu.memory_space<vmem_shared>>)
    %dma_wait3A_213 = arith.constant 0 : i32
    %dma_wait3A_214 = tpu.memref_slice %arg8[%dma_wait3A_213] : memref<10240xi32, #tpu.memory_space<vmem>> -> memref<256xi32, #tpu.memory_space<vmem>>
    %dma_wait3A_215 = arith.constant 0 : i32
    %dma_wait3A_216 = arith.constant 0 : i32
    %dma_wait3A_217 = tpu.memref_slice %arg13[%dma_wait3A_215, %dma_wait3A_216] : memref<10008x64xf32, #tpu.memory_space<vmem_shared>> -> memref<10008x64xf32, #tpu.memory_space<vmem_shared>>
    tpu.wait_indirect_dma semaphore(%arg21 : memref<!tpu.dma_semaphore, #tpu.memory_space<semaphore_mem>>) src(%arg12 : memref<256x64xf32, #tpu.memory_space<vmem>>) dst(%dma_wait3A_217 : memref<10008x64xf32, #tpu.memory_space<vmem_shared>>)
    %barrier3A_218 = arith.constant 0 : index
    tpu.barrier barrier_id(%barrier3A_218)
    %eq3A_219 = arith.constant 0 : i32
    %eq3A_220 = arith.cmpi eq, %arg1, %eq3A_219 : i32
    %convert_element_type3A_221 = arith.extui %eq3A_220 : i1 to i32
    %cond3A_222 = arith.constant 0 : i32
    %cond3A_223 = arith.cmpi ne, %convert_element_type3A_221, %cond3A_222 : i32
    scf.if %cond3A_223 {
      "tpu.region"() ({
        %run_scoped3A = tpu.sem_alloc : memref<!tpu.dma_semaphore, #tpu.memory_space<semaphore_mem>>
        %dma_start3A_224 = arith.constant 0 : i32
        %dma_start3A_225 = arith.constant 0 : i32
        %dma_start3A_226 = tpu.memref_slice %arg6[%arg0, %dma_start3A_224, %dma_start3A_225] : memref<2x10000x64xf32, #tpu.memory_space<hbm>> -> memref<1x10000x64xf32, #tpu.memory_space<hbm>>
        %dma_start3A_227 = tpu.memref_squeeze %dma_start3A_226 : memref<1x10000x64xf32, #tpu.memory_space<hbm>> -> memref<10000x64xf32, #tpu.memory_space<hbm>>
        %dma_start3A_228 = arith.constant 0 : i32
        %dma_start3A_229 = arith.constant 0 : i32
        %dma_start3A_230 = tpu.memref_slice %arg13[%dma_start3A_228, %dma_start3A_229] : memref<10008x64xf32, #tpu.memory_space<vmem_shared>> -> memref<10000x64xf32, #tpu.memory_space<vmem_shared>>
        tpu.enqueue_dma source(%dma_start3A_230 : memref<10000x64xf32, #tpu.memory_space<vmem_shared>>) target(%dma_start3A_227 : memref<10000x64xf32, #tpu.memory_space<hbm>>) target_semaphore(%run_scoped3A : memref<!tpu.dma_semaphore, #tpu.memory_space<semaphore_mem>>)
        %dma_wait3A_231 = arith.constant 0 : i32
        %dma_wait3A_232 = arith.constant 0 : i32
        %dma_wait3A_233 = tpu.memref_slice %arg6[%arg0, %dma_wait3A_231, %dma_wait3A_232] : memref<2x10000x64xf32, #tpu.memory_space<hbm>> -> memref<1x10000x64xf32, #tpu.memory_space<hbm>>
        %dma_wait3A_234 = tpu.memref_squeeze %dma_wait3A_233 : memref<1x10000x64xf32, #tpu.memory_space<hbm>> -> memref<10000x64xf32, #tpu.memory_space<hbm>>
        %dma_wait3A_235 = arith.constant 0 : i32
        %dma_wait3A_236 = arith.constant 0 : i32
        %dma_wait3A_237 = tpu.memref_slice %arg13[%dma_wait3A_235, %dma_wait3A_236] : memref<10008x64xf32, #tpu.memory_space<vmem_shared>> -> memref<10000x64xf32, #tpu.memory_space<vmem_shared>>
        tpu.wait_dma2 semaphore(%run_scoped3A : memref<!tpu.dma_semaphore, #tpu.memory_space<semaphore_mem>>) src(%dma_wait3A_237 : memref<10000x64xf32, #tpu.memory_space<vmem_shared>>) dst(%dma_wait3A_234 : memref<10000x64xf32, #tpu.memory_space<hbm>>)
        tpu.yield
      }) : () -> ()
    } else {
    }
    return
  }
}

#map = affine_map<(d0, d1) -> (0, 0)>
#map1 = affine_map<(d0, d1) -> (0, 0, 0)>
module attributes {stable_mosaic.version = 14 : i64} {
  func.func @mp_kernel(%arg0: i32, %arg1: i32, %arg2: memref<10000x64xf32, #tpu.memory_space<hbm>>, %arg3: memref<32x10000xi32, #tpu.memory_space<hbm>>, %arg4: memref<32x10000xi32, #tpu.memory_space<hbm>>, %arg5: memref<10008x64xf32, #tpu.memory_space<hbm>>, %arg6: memref<2x10000x64xf32, #tpu.memory_space<hbm>>, %arg7: memref<10240xi32, #tpu.memory_space<vmem>>, %arg8: memref<10240xi32, #tpu.memory_space<vmem>>, %arg9: memref<256x64xf32, #tpu.memory_space<vmem>>, %arg10: memref<256x64xf32, #tpu.memory_space<vmem>>, %arg11: memref<256x64xf32, #tpu.memory_space<vmem>>, %arg12: memref<256x64xf32, #tpu.memory_space<vmem>>, %arg13: memref<10008x64xf32, #tpu.memory_space<vmem_shared>>, %arg14: memref<!tpu.dma_semaphore, #tpu.memory_space<semaphore_mem>>, %arg15: memref<!tpu.dma_semaphore, #tpu.memory_space<semaphore_mem>>, %arg16: memref<!tpu.dma_semaphore, #tpu.memory_space<semaphore_mem>>, %arg17: memref<!tpu.dma_semaphore, #tpu.memory_space<semaphore_mem>>, %arg18: memref<!tpu.dma_semaphore, #tpu.memory_space<semaphore_mem>>, %arg19: memref<!tpu.dma_semaphore, #tpu.memory_space<semaphore_mem>>, %arg20: memref<!tpu.dma_semaphore, #tpu.memory_space<semaphore_mem>>, %arg21: memref<!tpu.dma_semaphore, #tpu.memory_space<semaphore_mem>>) attributes {dimension_semantics = [#tpu.dimension_semantics<core_parallel>, #tpu.dimension_semantics<subcore_parallel>], iteration_bounds = array<i64: 2, 16>, scalar_prefetch = 0 : i64, scratch_operands = 15 : i64, tpu.core_type = #tpu.core_type<sc_vector_subcore>, window_params = [{transform_indices = #map}, {transform_indices = #map}, {transform_indices = #map}, {transform_indices = #map}, {transform_indices = #map1}]} {
    %mul3A = arith.constant 16 : i32
    %mul3A_0 = arith.muli %arg0, %mul3A : i32
    %add3A = arith.addi %mul3A_0, %arg1 : i32
    "tpu.region"() ({
      %run_scoped3A = tpu.sem_alloc : memref<!tpu.dma_semaphore, #tpu.memory_space<semaphore_mem>>
      %dma_start3A_224 = arith.constant 0 : i32
      %dma_start3A_225 = tpu.memref_slice %arg7[%dma_start3A_224] : memref<10240xi32, #tpu.memory_space<vmem>> -> memref<10000xi32, #tpu.memory_space<vmem>>
      %dma_start3A_226 = arith.constant 0 : i32
      %dma_start3A_227 = tpu.memref_slice %arg3[%add3A, %dma_start3A_226] : memref<32x10000xi32, #tpu.memory_space<hbm>> -> memref<1x10000xi32, #tpu.memory_space<hbm>>
      %dma_start3A_228 = tpu.memref_squeeze %dma_start3A_227 : memref<1x10000xi32, #tpu.memory_space<hbm>> -> memref<10000xi32, #tpu.memory_space<hbm>>
      %dma_start3A_229 = arith.constant 0 : i32
      %dma_start3A_230 = tpu.memref_slice %arg7[%dma_start3A_229] : memref<10240xi32, #tpu.memory_space<vmem>> -> memref<10000xi32, #tpu.memory_space<vmem>>
      %dma_start3A_231 = arith.constant 0 : i32
      %dma_start3A_232 = tpu.memref_slice %arg3[%add3A, %dma_start3A_231] : memref<32x10000xi32, #tpu.memory_space<hbm>> -> memref<1x10000xi32, #tpu.memory_space<hbm>>
      %dma_start3A_233 = tpu.memref_squeeze %dma_start3A_232 : memref<1x10000xi32, #tpu.memory_space<hbm>> -> memref<10000xi32, #tpu.memory_space<hbm>>
      tpu.enqueue_dma source(%dma_start3A_233 : memref<10000xi32, #tpu.memory_space<hbm>>) target(%dma_start3A_230 : memref<10000xi32, #tpu.memory_space<vmem>>) target_semaphore(%run_scoped3A : memref<!tpu.dma_semaphore, #tpu.memory_space<semaphore_mem>>)
      %dma_wait3A_234 = arith.constant 0 : i32
      %dma_wait3A_235 = tpu.memref_slice %arg7[%dma_wait3A_234] : memref<10240xi32, #tpu.memory_space<vmem>> -> memref<10000xi32, #tpu.memory_space<vmem>>
      %dma_wait3A_236 = arith.constant 0 : i32
      %dma_wait3A_237 = tpu.memref_slice %arg3[%add3A, %dma_wait3A_236] : memref<32x10000xi32, #tpu.memory_space<hbm>> -> memref<1x10000xi32, #tpu.memory_space<hbm>>
      %dma_wait3A_238 = tpu.memref_squeeze %dma_wait3A_237 : memref<1x10000xi32, #tpu.memory_space<hbm>> -> memref<10000xi32, #tpu.memory_space<hbm>>
      %dma_wait3A_239 = arith.constant 0 : i32
      %dma_wait3A_240 = tpu.memref_slice %arg7[%dma_wait3A_239] : memref<10240xi32, #tpu.memory_space<vmem>> -> memref<10000xi32, #tpu.memory_space<vmem>>
      %dma_wait3A_241 = arith.constant 0 : i32
      %dma_wait3A_242 = tpu.memref_slice %arg3[%add3A, %dma_wait3A_241] : memref<32x10000xi32, #tpu.memory_space<hbm>> -> memref<1x10000xi32, #tpu.memory_space<hbm>>
      %dma_wait3A_243 = tpu.memref_squeeze %dma_wait3A_242 : memref<1x10000xi32, #tpu.memory_space<hbm>> -> memref<10000xi32, #tpu.memory_space<hbm>>
      tpu.wait_dma2 semaphore(%run_scoped3A : memref<!tpu.dma_semaphore, #tpu.memory_space<semaphore_mem>>) src(%dma_wait3A_243 : memref<10000xi32, #tpu.memory_space<hbm>>) dst(%dma_wait3A_240 : memref<10000xi32, #tpu.memory_space<vmem>>)
      tpu.yield
    }) : () -> ()
    "tpu.region"() ({
      %run_scoped3A = tpu.sem_alloc : memref<!tpu.dma_semaphore, #tpu.memory_space<semaphore_mem>>
      %dma_start3A_224 = arith.constant 0 : i32
      %dma_start3A_225 = tpu.memref_slice %arg8[%dma_start3A_224] : memref<10240xi32, #tpu.memory_space<vmem>> -> memref<10000xi32, #tpu.memory_space<vmem>>
      %dma_start3A_226 = arith.constant 0 : i32
      %dma_start3A_227 = tpu.memref_slice %arg4[%add3A, %dma_start3A_226] : memref<32x10000xi32, #tpu.memory_space<hbm>> -> memref<1x10000xi32, #tpu.memory_space<hbm>>
      %dma_start3A_228 = tpu.memref_squeeze %dma_start3A_227 : memref<1x10000xi32, #tpu.memory_space<hbm>> -> memref<10000xi32, #tpu.memory_space<hbm>>
      %dma_start3A_229 = arith.constant 0 : i32
      %dma_start3A_230 = tpu.memref_slice %arg8[%dma_start3A_229] : memref<10240xi32, #tpu.memory_space<vmem>> -> memref<10000xi32, #tpu.memory_space<vmem>>
      %dma_start3A_231 = arith.constant 0 : i32
      %dma_start3A_232 = tpu.memref_slice %arg4[%add3A, %dma_start3A_231] : memref<32x10000xi32, #tpu.memory_space<hbm>> -> memref<1x10000xi32, #tpu.memory_space<hbm>>
      %dma_start3A_233 = tpu.memref_squeeze %dma_start3A_232 : memref<1x10000xi32, #tpu.memory_space<hbm>> -> memref<10000xi32, #tpu.memory_space<hbm>>
      tpu.enqueue_dma source(%dma_start3A_233 : memref<10000xi32, #tpu.memory_space<hbm>>) target(%dma_start3A_230 : memref<10000xi32, #tpu.memory_space<vmem>>) target_semaphore(%run_scoped3A : memref<!tpu.dma_semaphore, #tpu.memory_space<semaphore_mem>>)
      %dma_wait3A_234 = arith.constant 0 : i32
      %dma_wait3A_235 = tpu.memref_slice %arg8[%dma_wait3A_234] : memref<10240xi32, #tpu.memory_space<vmem>> -> memref<10000xi32, #tpu.memory_space<vmem>>
      %dma_wait3A_236 = arith.constant 0 : i32
      %dma_wait3A_237 = tpu.memref_slice %arg4[%add3A, %dma_wait3A_236] : memref<32x10000xi32, #tpu.memory_space<hbm>> -> memref<1x10000xi32, #tpu.memory_space<hbm>>
      %dma_wait3A_238 = tpu.memref_squeeze %dma_wait3A_237 : memref<1x10000xi32, #tpu.memory_space<hbm>> -> memref<10000xi32, #tpu.memory_space<hbm>>
      %dma_wait3A_239 = arith.constant 0 : i32
      %dma_wait3A_240 = tpu.memref_slice %arg8[%dma_wait3A_239] : memref<10240xi32, #tpu.memory_space<vmem>> -> memref<10000xi32, #tpu.memory_space<vmem>>
      %dma_wait3A_241 = arith.constant 0 : i32
      %dma_wait3A_242 = tpu.memref_slice %arg4[%add3A, %dma_wait3A_241] : memref<32x10000xi32, #tpu.memory_space<hbm>> -> memref<1x10000xi32, #tpu.memory_space<hbm>>
      %dma_wait3A_243 = tpu.memref_squeeze %dma_wait3A_242 : memref<1x10000xi32, #tpu.memory_space<hbm>> -> memref<10000xi32, #tpu.memory_space<hbm>>
      tpu.wait_dma2 semaphore(%run_scoped3A : memref<!tpu.dma_semaphore, #tpu.memory_space<semaphore_mem>>) src(%dma_wait3A_243 : memref<10000xi32, #tpu.memory_space<hbm>>) dst(%dma_wait3A_240 : memref<10000xi32, #tpu.memory_space<vmem>>)
      tpu.yield
    }) : () -> ()
    %broadcast_in_dim3A = arith.constant 0 : i32
    %broadcast_in_dim3A_1 = vector.broadcast %broadcast_in_dim3A : i32 to vector<16xi32>
    %swap3A = arith.constant 10000 : index
    %swap3A_2 = tpu.vector_load %arg7[%swap3A] {strides = array<i32>} : memref<10240xi32, #tpu.memory_space<vmem>>, vector<16xi32>,
    %swap3A_3 = vector.shape_cast %swap3A_2 : vector<16xi32> to vector<16xi32>
    %swap3A_4 = vector.shape_cast %broadcast_in_dim3A_1 : vector<16xi32> to vector<16xi32>
    tpu.vector_store %arg7[%swap3A], %swap3A_4 {strides = array<i32>} : memref<10240xi32, #tpu.memory_space<vmem>>, vector<16xi32>,
    %broadcast_in_dim3A_5 = arith.constant 10000 : i32
    %broadcast_in_dim3A_6 = vector.broadcast %broadcast_in_dim3A_5 : i32 to vector<16xi32>
    %swap3A_7 = arith.constant 10000 : index
    %swap3A_8 = tpu.vector_load %arg8[%swap3A_7] {strides = array<i32>} : memref<10240xi32, #tpu.memory_space<vmem>>, vector<16xi32>,
    %swap3A_9 = vector.shape_cast %swap3A_8 : vector<16xi32> to vector<16xi32>
    %swap3A_10 = vector.shape_cast %broadcast_in_dim3A_6 : vector<16xi32> to vector<16xi32>
    tpu.vector_store %arg8[%swap3A_7], %swap3A_10 {strides = array<i32>} : memref<10240xi32, #tpu.memory_space<vmem>>, vector<16xi32>,
    %broadcast_in_dim3A_11 = arith.constant 0 : i32
    %broadcast_in_dim3A_12 = vector.broadcast %broadcast_in_dim3A_11 : i32 to vector<16xi32>
    %swap3A_13 = arith.constant 10016 : index
    %swap3A_14 = tpu.vector_load %arg7[%swap3A_13] {strides = array<i32>} : memref<10240xi32, #tpu.memory_space<vmem>>, vector<16xi32>,
    %swap3A_15 = vector.shape_cast %swap3A_14 : vector<16xi32> to vector<16xi32>
    %swap3A_16 = vector.shape_cast %broadcast_in_dim3A_12 : vector<16xi32> to vector<16xi32>
    tpu.vector_store %arg7[%swap3A_13], %swap3A_16 {strides = array<i32>} : memref<10240xi32, #tpu.memory_space<vmem>>, vector<16xi32>,
    %broadcast_in_dim3A_17 = arith.constant 10000 : i32
    %broadcast_in_dim3A_18 = vector.broadcast %broadcast_in_dim3A_17 : i32 to vector<16xi32>
    %swap3A_19 = arith.constant 10016 : index
    %swap3A_20 = tpu.vector_load %arg8[%swap3A_19] {strides = array<i32>} : memref<10240xi32, #tpu.memory_space<vmem>>, vector<16xi32>,
    %swap3A_21 = vector.shape_cast %swap3A_20 : vector<16xi32> to vector<16xi32>
    %swap3A_22 = vector.shape_cast %broadcast_in_dim3A_18 : vector<16xi32> to vector<16xi32>
    tpu.vector_store %arg8[%swap3A_19], %swap3A_22 {strides = array<i32>} : memref<10240xi32, #tpu.memory_space<vmem>>, vector<16xi32>,
    %broadcast_in_dim3A_23 = arith.constant 0 : i32
    %broadcast_in_dim3A_24 = vector.broadcast %broadcast_in_dim3A_23 : i32 to vector<16xi32>
    %swap3A_25 = arith.constant 10032 : index
    %swap3A_26 = tpu.vector_load %arg7[%swap3A_25] {strides = array<i32>} : memref<10240xi32, #tpu.memory_space<vmem>>, vector<16xi32>,
    %swap3A_27 = vector.shape_cast %swap3A_26 : vector<16xi32> to vector<16xi32>
    %swap3A_28 = vector.shape_cast %broadcast_in_dim3A_24 : vector<16xi32> to vector<16xi32>
    tpu.vector_store %arg7[%swap3A_25], %swap3A_28 {strides = array<i32>} : memref<10240xi32, #tpu.memory_space<vmem>>, vector<16xi32>,
    %broadcast_in_dim3A_29 = arith.constant 10000 : i32
    %broadcast_in_dim3A_30 = vector.broadcast %broadcast_in_dim3A_29 : i32 to vector<16xi32>
    %swap3A_31 = arith.constant 10032 : index
    %swap3A_32 = tpu.vector_load %arg8[%swap3A_31] {strides = array<i32>} : memref<10240xi32, #tpu.memory_space<vmem>>, vector<16xi32>,
    %swap3A_33 = vector.shape_cast %swap3A_32 : vector<16xi32> to vector<16xi32>
    %swap3A_34 = vector.shape_cast %broadcast_in_dim3A_30 : vector<16xi32> to vector<16xi32>
    tpu.vector_store %arg8[%swap3A_31], %swap3A_34 {strides = array<i32>} : memref<10240xi32, #tpu.memory_space<vmem>>, vector<16xi32>,
    %broadcast_in_dim3A_35 = arith.constant 0 : i32
    %broadcast_in_dim3A_36 = vector.broadcast %broadcast_in_dim3A_35 : i32 to vector<16xi32>
    %swap3A_37 = arith.constant 10048 : index
    %swap3A_38 = tpu.vector_load %arg7[%swap3A_37] {strides = array<i32>} : memref<10240xi32, #tpu.memory_space<vmem>>, vector<16xi32>,
    %swap3A_39 = vector.shape_cast %swap3A_38 : vector<16xi32> to vector<16xi32>
    %swap3A_40 = vector.shape_cast %broadcast_in_dim3A_36 : vector<16xi32> to vector<16xi32>
    tpu.vector_store %arg7[%swap3A_37], %swap3A_40 {strides = array<i32>} : memref<10240xi32, #tpu.memory_space<vmem>>, vector<16xi32>,
    %broadcast_in_dim3A_41 = arith.constant 10000 : i32
    %broadcast_in_dim3A_42 = vector.broadcast %broadcast_in_dim3A_41 : i32 to vector<16xi32>
    %swap3A_43 = arith.constant 10048 : index
    %swap3A_44 = tpu.vector_load %arg8[%swap3A_43] {strides = array<i32>} : memref<10240xi32, #tpu.memory_space<vmem>>, vector<16xi32>,
    %swap3A_45 = vector.shape_cast %swap3A_44 : vector<16xi32> to vector<16xi32>
    %swap3A_46 = vector.shape_cast %broadcast_in_dim3A_42 : vector<16xi32> to vector<16xi32>
    tpu.vector_store %arg8[%swap3A_43], %swap3A_46 {strides = array<i32>} : memref<10240xi32, #tpu.memory_space<vmem>>, vector<16xi32>,
    %broadcast_in_dim3A_47 = arith.constant 0 : i32
    %broadcast_in_dim3A_48 = vector.broadcast %broadcast_in_dim3A_47 : i32 to vector<16xi32>
    %swap3A_49 = arith.constant 10064 : index
    %swap3A_50 = tpu.vector_load %arg7[%swap3A_49] {strides = array<i32>} : memref<10240xi32, #tpu.memory_space<vmem>>, vector<16xi32>,
    %swap3A_51 = vector.shape_cast %swap3A_50 : vector<16xi32> to vector<16xi32>
    %swap3A_52 = vector.shape_cast %broadcast_in_dim3A_48 : vector<16xi32> to vector<16xi32>
    tpu.vector_store %arg7[%swap3A_49], %swap3A_52 {strides = array<i32>} : memref<10240xi32, #tpu.memory_space<vmem>>, vector<16xi32>,
    %broadcast_in_dim3A_53 = arith.constant 10000 : i32
    %broadcast_in_dim3A_54 = vector.broadcast %broadcast_in_dim3A_53 : i32 to vector<16xi32>
    %swap3A_55 = arith.constant 10064 : index
    %swap3A_56 = tpu.vector_load %arg8[%swap3A_55] {strides = array<i32>} : memref<10240xi32, #tpu.memory_space<vmem>>, vector<16xi32>,
    %swap3A_57 = vector.shape_cast %swap3A_56 : vector<16xi32> to vector<16xi32>
    %swap3A_58 = vector.shape_cast %broadcast_in_dim3A_54 : vector<16xi32> to vector<16xi32>
    tpu.vector_store %arg8[%swap3A_55], %swap3A_58 {strides = array<i32>} : memref<10240xi32, #tpu.memory_space<vmem>>, vector<16xi32>,
    %broadcast_in_dim3A_59 = arith.constant 0 : i32
    %broadcast_in_dim3A_60 = vector.broadcast %broadcast_in_dim3A_59 : i32 to vector<16xi32>
    %swap3A_61 = arith.constant 10080 : index
    %swap3A_62 = tpu.vector_load %arg7[%swap3A_61] {strides = array<i32>} : memref<10240xi32, #tpu.memory_space<vmem>>, vector<16xi32>,
    %swap3A_63 = vector.shape_cast %swap3A_62 : vector<16xi32> to vector<16xi32>
    %swap3A_64 = vector.shape_cast %broadcast_in_dim3A_60 : vector<16xi32> to vector<16xi32>
    tpu.vector_store %arg7[%swap3A_61], %swap3A_64 {strides = array<i32>} : memref<10240xi32, #tpu.memory_space<vmem>>, vector<16xi32>,
    %broadcast_in_dim3A_65 = arith.constant 10000 : i32
    %broadcast_in_dim3A_66 = vector.broadcast %broadcast_in_dim3A_65 : i32 to vector<16xi32>
    %swap3A_67 = arith.constant 10080 : index
    %swap3A_68 = tpu.vector_load %arg8[%swap3A_67] {strides = array<i32>} : memref<10240xi32, #tpu.memory_space<vmem>>, vector<16xi32>,
    %swap3A_69 = vector.shape_cast %swap3A_68 : vector<16xi32> to vector<16xi32>
    %swap3A_70 = vector.shape_cast %broadcast_in_dim3A_66 : vector<16xi32> to vector<16xi32>
    tpu.vector_store %arg8[%swap3A_67], %swap3A_70 {strides = array<i32>} : memref<10240xi32, #tpu.memory_space<vmem>>, vector<16xi32>,
    %broadcast_in_dim3A_71 = arith.constant 0 : i32
    %broadcast_in_dim3A_72 = vector.broadcast %broadcast_in_dim3A_71 : i32 to vector<16xi32>
    %swap3A_73 = arith.constant 10096 : index
    %swap3A_74 = tpu.vector_load %arg7[%swap3A_73] {strides = array<i32>} : memref<10240xi32, #tpu.memory_space<vmem>>, vector<16xi32>,
    %swap3A_75 = vector.shape_cast %swap3A_74 : vector<16xi32> to vector<16xi32>
    %swap3A_76 = vector.shape_cast %broadcast_in_dim3A_72 : vector<16xi32> to vector<16xi32>
    tpu.vector_store %arg7[%swap3A_73], %swap3A_76 {strides = array<i32>} : memref<10240xi32, #tpu.memory_space<vmem>>, vector<16xi32>,
    %broadcast_in_dim3A_77 = arith.constant 10000 : i32
    %broadcast_in_dim3A_78 = vector.broadcast %broadcast_in_dim3A_77 : i32 to vector<16xi32>
    %swap3A_79 = arith.constant 10096 : index
    %swap3A_80 = tpu.vector_load %arg8[%swap3A_79] {strides = array<i32>} : memref<10240xi32, #tpu.memory_space<vmem>>, vector<16xi32>,
    %swap3A_81 = vector.shape_cast %swap3A_80 : vector<16xi32> to vector<16xi32>
    %swap3A_82 = vector.shape_cast %broadcast_in_dim3A_78 : vector<16xi32> to vector<16xi32>
    tpu.vector_store %arg8[%swap3A_79], %swap3A_82 {strides = array<i32>} : memref<10240xi32, #tpu.memory_space<vmem>>, vector<16xi32>,
    %broadcast_in_dim3A_83 = arith.constant 0 : i32
    %broadcast_in_dim3A_84 = vector.broadcast %broadcast_in_dim3A_83 : i32 to vector<16xi32>
    %swap3A_85 = arith.constant 10112 : index
    %swap3A_86 = tpu.vector_load %arg7[%swap3A_85] {strides = array<i32>} : memref<10240xi32, #tpu.memory_space<vmem>>, vector<16xi32>,
    %swap3A_87 = vector.shape_cast %swap3A_86 : vector<16xi32> to vector<16xi32>
    %swap3A_88 = vector.shape_cast %broadcast_in_dim3A_84 : vector<16xi32> to vector<16xi32>
    tpu.vector_store %arg7[%swap3A_85], %swap3A_88 {strides = array<i32>} : memref<10240xi32, #tpu.memory_space<vmem>>, vector<16xi32>,
    %broadcast_in_dim3A_89 = arith.constant 10000 : i32
    %broadcast_in_dim3A_90 = vector.broadcast %broadcast_in_dim3A_89 : i32 to vector<16xi32>
    %swap3A_91 = arith.constant 10112 : index
    %swap3A_92 = tpu.vector_load %arg8[%swap3A_91] {strides = array<i32>} : memref<10240xi32, #tpu.memory_space<vmem>>, vector<16xi32>,
    %swap3A_93 = vector.shape_cast %swap3A_92 : vector<16xi32> to vector<16xi32>
    %swap3A_94 = vector.shape_cast %broadcast_in_dim3A_90 : vector<16xi32> to vector<16xi32>
    tpu.vector_store %arg8[%swap3A_91], %swap3A_94 {strides = array<i32>} : memref<10240xi32, #tpu.memory_space<vmem>>, vector<16xi32>,
    %broadcast_in_dim3A_95 = arith.constant 0 : i32
    %broadcast_in_dim3A_96 = vector.broadcast %broadcast_in_dim3A_95 : i32 to vector<16xi32>
    %swap3A_97 = arith.constant 10128 : index
    %swap3A_98 = tpu.vector_load %arg7[%swap3A_97] {strides = array<i32>} : memref<10240xi32, #tpu.memory_space<vmem>>, vector<16xi32>,
    %swap3A_99 = vector.shape_cast %swap3A_98 : vector<16xi32> to vector<16xi32>
    %swap3A_100 = vector.shape_cast %broadcast_in_dim3A_96 : vector<16xi32> to vector<16xi32>
    tpu.vector_store %arg7[%swap3A_97], %swap3A_100 {strides = array<i32>} : memref<10240xi32, #tpu.memory_space<vmem>>, vector<16xi32>,
    %broadcast_in_dim3A_101 = arith.constant 10000 : i32
    %broadcast_in_dim3A_102 = vector.broadcast %broadcast_in_dim3A_101 : i32 to vector<16xi32>
    %swap3A_103 = arith.constant 10128 : index
    %swap3A_104 = tpu.vector_load %arg8[%swap3A_103] {strides = array<i32>} : memref<10240xi32, #tpu.memory_space<vmem>>, vector<16xi32>,
    %swap3A_105 = vector.shape_cast %swap3A_104 : vector<16xi32> to vector<16xi32>
    %swap3A_106 = vector.shape_cast %broadcast_in_dim3A_102 : vector<16xi32> to vector<16xi32>
    tpu.vector_store %arg8[%swap3A_103], %swap3A_106 {strides = array<i32>} : memref<10240xi32, #tpu.memory_space<vmem>>, vector<16xi32>,
    %broadcast_in_dim3A_107 = arith.constant 0 : i32
    %broadcast_in_dim3A_108 = vector.broadcast %broadcast_in_dim3A_107 : i32 to vector<16xi32>
    %swap3A_109 = arith.constant 10144 : index
    %swap3A_110 = tpu.vector_load %arg7[%swap3A_109] {strides = array<i32>} : memref<10240xi32, #tpu.memory_space<vmem>>, vector<16xi32>,
    %swap3A_111 = vector.shape_cast %swap3A_110 : vector<16xi32> to vector<16xi32>
    %swap3A_112 = vector.shape_cast %broadcast_in_dim3A_108 : vector<16xi32> to vector<16xi32>
    tpu.vector_store %arg7[%swap3A_109], %swap3A_112 {strides = array<i32>} : memref<10240xi32, #tpu.memory_space<vmem>>, vector<16xi32>,
    %broadcast_in_dim3A_113 = arith.constant 10000 : i32
    %broadcast_in_dim3A_114 = vector.broadcast %broadcast_in_dim3A_113 : i32 to vector<16xi32>
    %swap3A_115 = arith.constant 10144 : index
    %swap3A_116 = tpu.vector_load %arg8[%swap3A_115] {strides = array<i32>} : memref<10240xi32, #tpu.memory_space<vmem>>, vector<16xi32>,
    %swap3A_117 = vector.shape_cast %swap3A_116 : vector<16xi32> to vector<16xi32>
    %swap3A_118 = vector.shape_cast %broadcast_in_dim3A_114 : vector<16xi32> to vector<16xi32>
    tpu.vector_store %arg8[%swap3A_115], %swap3A_118 {strides = array<i32>} : memref<10240xi32, #tpu.memory_space<vmem>>, vector<16xi32>,
    %broadcast_in_dim3A_119 = arith.constant 0 : i32
    %broadcast_in_dim3A_120 = vector.broadcast %broadcast_in_dim3A_119 : i32 to vector<16xi32>
    %swap3A_121 = arith.constant 10160 : index
    %swap3A_122 = tpu.vector_load %arg7[%swap3A_121] {strides = array<i32>} : memref<10240xi32, #tpu.memory_space<vmem>>, vector<16xi32>,
    %swap3A_123 = vector.shape_cast %swap3A_122 : vector<16xi32> to vector<16xi32>
    %swap3A_124 = vector.shape_cast %broadcast_in_dim3A_120 : vector<16xi32> to vector<16xi32>
    tpu.vector_store %arg7[%swap3A_121], %swap3A_124 {strides = array<i32>} : memref<10240xi32, #tpu.memory_space<vmem>>, vector<16xi32>,
    %broadcast_in_dim3A_125 = arith.constant 10000 : i32
    %broadcast_in_dim3A_126 = vector.broadcast %broadcast_in_dim3A_125 : i32 to vector<16xi32>
    %swap3A_127 = arith.constant 10160 : index
    %swap3A_128 = tpu.vector_load %arg8[%swap3A_127] {strides = array<i32>} : memref<10240xi32, #tpu.memory_space<vmem>>, vector<16xi32>,
    %swap3A_129 = vector.shape_cast %swap3A_128 : vector<16xi32> to vector<16xi32>
    %swap3A_130 = vector.shape_cast %broadcast_in_dim3A_126 : vector<16xi32> to vector<16xi32>
    tpu.vector_store %arg8[%swap3A_127], %swap3A_130 {strides = array<i32>} : memref<10240xi32, #tpu.memory_space<vmem>>, vector<16xi32>,
    %broadcast_in_dim3A_131 = arith.constant 0 : i32
    %broadcast_in_dim3A_132 = vector.broadcast %broadcast_in_dim3A_131 : i32 to vector<16xi32>
    %swap3A_133 = arith.constant 10176 : index
    %swap3A_134 = tpu.vector_load %arg7[%swap3A_133] {strides = array<i32>} : memref<10240xi32, #tpu.memory_space<vmem>>, vector<16xi32>,
    %swap3A_135 = vector.shape_cast %swap3A_134 : vector<16xi32> to vector<16xi32>
    %swap3A_136 = vector.shape_cast %broadcast_in_dim3A_132 : vector<16xi32> to vector<16xi32>
    tpu.vector_store %arg7[%swap3A_133], %swap3A_136 {strides = array<i32>} : memref<10240xi32, #tpu.memory_space<vmem>>, vector<16xi32>,
    %broadcast_in_dim3A_137 = arith.constant 10000 : i32
    %broadcast_in_dim3A_138 = vector.broadcast %broadcast_in_dim3A_137 : i32 to vector<16xi32>
    %swap3A_139 = arith.constant 10176 : index
    %swap3A_140 = tpu.vector_load %arg8[%swap3A_139] {strides = array<i32>} : memref<10240xi32, #tpu.memory_space<vmem>>, vector<16xi32>,
    %swap3A_141 = vector.shape_cast %swap3A_140 : vector<16xi32> to vector<16xi32>
    %swap3A_142 = vector.shape_cast %broadcast_in_dim3A_138 : vector<16xi32> to vector<16xi32>
    tpu.vector_store %arg8[%swap3A_139], %swap3A_142 {strides = array<i32>} : memref<10240xi32, #tpu.memory_space<vmem>>, vector<16xi32>,
    %broadcast_in_dim3A_143 = arith.constant 0 : i32
    %broadcast_in_dim3A_144 = vector.broadcast %broadcast_in_dim3A_143 : i32 to vector<16xi32>
    %swap3A_145 = arith.constant 10192 : index
    %swap3A_146 = tpu.vector_load %arg7[%swap3A_145] {strides = array<i32>} : memref<10240xi32, #tpu.memory_space<vmem>>, vector<16xi32>,
    %swap3A_147 = vector.shape_cast %swap3A_146 : vector<16xi32> to vector<16xi32>
    %swap3A_148 = vector.shape_cast %broadcast_in_dim3A_144 : vector<16xi32> to vector<16xi32>
    tpu.vector_store %arg7[%swap3A_145], %swap3A_148 {strides = array<i32>} : memref<10240xi32, #tpu.memory_space<vmem>>, vector<16xi32>,
    %broadcast_in_dim3A_149 = arith.constant 10000 : i32
    %broadcast_in_dim3A_150 = vector.broadcast %broadcast_in_dim3A_149 : i32 to vector<16xi32>
    %swap3A_151 = arith.constant 10192 : index
    %swap3A_152 = tpu.vector_load %arg8[%swap3A_151] {strides = array<i32>} : memref<10240xi32, #tpu.memory_space<vmem>>, vector<16xi32>,
    %swap3A_153 = vector.shape_cast %swap3A_152 : vector<16xi32> to vector<16xi32>
    %swap3A_154 = vector.shape_cast %broadcast_in_dim3A_150 : vector<16xi32> to vector<16xi32>
    tpu.vector_store %arg8[%swap3A_151], %swap3A_154 {strides = array<i32>} : memref<10240xi32, #tpu.memory_space<vmem>>, vector<16xi32>,
    %broadcast_in_dim3A_155 = arith.constant 0 : i32
    %broadcast_in_dim3A_156 = vector.broadcast %broadcast_in_dim3A_155 : i32 to vector<16xi32>
    %swap3A_157 = arith.constant 10208 : index
    %swap3A_158 = tpu.vector_load %arg7[%swap3A_157] {strides = array<i32>} : memref<10240xi32, #tpu.memory_space<vmem>>, vector<16xi32>,
    %swap3A_159 = vector.shape_cast %swap3A_158 : vector<16xi32> to vector<16xi32>
    %swap3A_160 = vector.shape_cast %broadcast_in_dim3A_156 : vector<16xi32> to vector<16xi32>
    tpu.vector_store %arg7[%swap3A_157], %swap3A_160 {strides = array<i32>} : memref<10240xi32, #tpu.memory_space<vmem>>, vector<16xi32>,
    %broadcast_in_dim3A_161 = arith.constant 10000 : i32
    %broadcast_in_dim3A_162 = vector.broadcast %broadcast_in_dim3A_161 : i32 to vector<16xi32>
    %swap3A_163 = arith.constant 10208 : index
    %swap3A_164 = tpu.vector_load %arg8[%swap3A_163] {strides = array<i32>} : memref<10240xi32, #tpu.memory_space<vmem>>, vector<16xi32>,
    %swap3A_165 = vector.shape_cast %swap3A_164 : vector<16xi32> to vector<16xi32>
    %swap3A_166 = vector.shape_cast %broadcast_in_dim3A_162 : vector<16xi32> to vector<16xi32>
    tpu.vector_store %arg8[%swap3A_163], %swap3A_166 {strides = array<i32>} : memref<10240xi32, #tpu.memory_space<vmem>>, vector<16xi32>,
    %broadcast_in_dim3A_167 = arith.constant 0 : i32
    %broadcast_in_dim3A_168 = vector.broadcast %broadcast_in_dim3A_167 : i32 to vector<16xi32>
    %swap3A_169 = arith.constant 10224 : index
    %swap3A_170 = tpu.vector_load %arg7[%swap3A_169] {strides = array<i32>} : memref<10240xi32, #tpu.memory_space<vmem>>, vector<16xi32>,
    %swap3A_171 = vector.shape_cast %swap3A_170 : vector<16xi32> to vector<16xi32>
    %swap3A_172 = vector.shape_cast %broadcast_in_dim3A_168 : vector<16xi32> to vector<16xi32>
    tpu.vector_store %arg7[%swap3A_169], %swap3A_172 {strides = array<i32>} : memref<10240xi32, #tpu.memory_space<vmem>>, vector<16xi32>,
    %broadcast_in_dim3A_173 = arith.constant 10000 : i32
    %broadcast_in_dim3A_174 = vector.broadcast %broadcast_in_dim3A_173 : i32 to vector<16xi32>
    %swap3A_175 = arith.constant 10224 : index
    %swap3A_176 = tpu.vector_load %arg8[%swap3A_175] {strides = array<i32>} : memref<10240xi32, #tpu.memory_space<vmem>>, vector<16xi32>,
    %swap3A_177 = vector.shape_cast %swap3A_176 : vector<16xi32> to vector<16xi32>
    %swap3A_178 = vector.shape_cast %broadcast_in_dim3A_174 : vector<16xi32> to vector<16xi32>
    tpu.vector_store %arg8[%swap3A_175], %swap3A_178 {strides = array<i32>} : memref<10240xi32, #tpu.memory_space<vmem>>, vector<16xi32>,
    %mul3A_179 = arith.constant 625 : i32
    %mul3A_180 = arith.muli %arg1, %mul3A_179 : i32
    %mul3A_181 = arith.constant 625 : i32
    %mul3A_182 = arith.muli %arg1, %mul3A_181 : i32
    "tpu.region"() ({
      %run_scoped3A = tpu.sem_alloc : memref<!tpu.dma_semaphore, #tpu.memory_space<semaphore_mem>>
      %dma_start3A_224 = arith.constant 0 : i32
      %dma_start3A_225 = tpu.memref_slice %arg13[%mul3A_182, %dma_start3A_224] : memref<10008x64xf32, #tpu.memory_space<vmem_shared>> -> memref<625x64xf32, #tpu.memory_space<vmem_shared>>
      %dma_start3A_226 = arith.constant 0 : i32
      %dma_start3A_227 = tpu.memref_slice %arg5[%mul3A_180, %dma_start3A_226] : memref<10008x64xf32, #tpu.memory_space<hbm>> -> memref<625x64xf32, #tpu.memory_space<hbm>>
      tpu.enqueue_dma source(%dma_start3A_227 : memref<625x64xf32, #tpu.memory_space<hbm>>) target(%dma_start3A_225 : memref<625x64xf32, #tpu.memory_space<vmem_shared>>) target_semaphore(%run_scoped3A : memref<!tpu.dma_semaphore, #tpu.memory_space<semaphore_mem>>)
      %dma_wait3A_228 = arith.constant 0 : i32
      %dma_wait3A_229 = tpu.memref_slice %arg13[%mul3A_182, %dma_wait3A_228] : memref<10008x64xf32, #tpu.memory_space<vmem_shared>> -> memref<625x64xf32, #tpu.memory_space<vmem_shared>>
      %dma_wait3A_230 = arith.constant 0 : i32
      %dma_wait3A_231 = tpu.memref_slice %arg5[%mul3A_180, %dma_wait3A_230] : memref<10008x64xf32, #tpu.memory_space<hbm>> -> memref<625x64xf32, #tpu.memory_space<hbm>>
      tpu.wait_dma2 semaphore(%run_scoped3A : memref<!tpu.dma_semaphore, #tpu.memory_space<semaphore_mem>>) src(%dma_wait3A_231 : memref<625x64xf32, #tpu.memory_space<hbm>>) dst(%dma_wait3A_229 : memref<625x64xf32, #tpu.memory_space<vmem_shared>>)
      tpu.yield
    }) : () -> ()
    %eq3A = arith.constant 0 : i32
    %eq3A_183 = arith.cmpi eq, %arg1, %eq3A : i32
    %convert_element_type3A = arith.extui %eq3A_183 : i1 to i32
    %cond3A = arith.constant 0 : i32
    %cond3A_184 = arith.cmpi ne, %convert_element_type3A, %cond3A : i32
    scf.if %cond3A_184 {
      "tpu.region"() ({
        %run_scoped3A = tpu.sem_alloc : memref<!tpu.dma_semaphore, #tpu.memory_space<semaphore_mem>>
        %dma_start3A_224 = arith.constant 10000 : i32
        %dma_start3A_225 = arith.constant 0 : i32
        %dma_start3A_226 = tpu.memref_slice %arg13[%dma_start3A_224, %dma_start3A_225] : memref<10008x64xf32, #tpu.memory_space<vmem_shared>> -> memref<8x64xf32, #tpu.memory_space<vmem_shared>>
        %dma_start3A_227 = arith.constant 10000 : i32
        %dma_start3A_228 = arith.constant 0 : i32
        %dma_start3A_229 = tpu.memref_slice %arg5[%dma_start3A_227, %dma_start3A_228] : memref<10008x64xf32, #tpu.memory_space<hbm>> -> memref<8x64xf32, #tpu.memory_space<hbm>>
        tpu.enqueue_dma source(%dma_start3A_229 : memref<8x64xf32, #tpu.memory_space<hbm>>) target(%dma_start3A_226 : memref<8x64xf32, #tpu.memory_space<vmem_shared>>) target_semaphore(%run_scoped3A : memref<!tpu.dma_semaphore, #tpu.memory_space<semaphore_mem>>)
        %dma_wait3A_230 = arith.constant 10000 : i32
        %dma_wait3A_231 = arith.constant 0 : i32
        %dma_wait3A_232 = tpu.memref_slice %arg13[%dma_wait3A_230, %dma_wait3A_231] : memref<10008x64xf32, #tpu.memory_space<vmem_shared>> -> memref<8x64xf32, #tpu.memory_space<vmem_shared>>
        %dma_wait3A_233 = arith.constant 10000 : i32
        %dma_wait3A_234 = arith.constant 0 : i32
        %dma_wait3A_235 = tpu.memref_slice %arg5[%dma_wait3A_233, %dma_wait3A_234] : memref<10008x64xf32, #tpu.memory_space<hbm>> -> memref<8x64xf32, #tpu.memory_space<hbm>>
        tpu.wait_dma2 semaphore(%run_scoped3A : memref<!tpu.dma_semaphore, #tpu.memory_space<semaphore_mem>>) src(%dma_wait3A_235 : memref<8x64xf32, #tpu.memory_space<hbm>>) dst(%dma_wait3A_232 : memref<8x64xf32, #tpu.memory_space<vmem_shared>>)
        tpu.yield
      }) : () -> ()
    } else {
    }
    %barrier3A = arith.constant 0 : index
    tpu.barrier barrier_id(%barrier3A)
    %dma_start3A = arith.constant 0 : i32
    %dma_start3A_185 = tpu.memref_slice %arg7[%dma_start3A] : memref<10240xi32, #tpu.memory_space<vmem>> -> memref<256xi32, #tpu.memory_space<vmem>>
    %dma_start3A_186 = arith.constant 0 : i32
    %dma_start3A_187 = arith.constant 0 : i32
    %dma_start3A_188 = tpu.memref_slice %arg2[%dma_start3A_186, %dma_start3A_187] : memref<10000x64xf32, #tpu.memory_space<hbm>> -> memref<10000x64xf32, #tpu.memory_space<hbm>>
    tpu.enqueue_indirect_dma source(%dma_start3A_188 : memref<10000x64xf32, #tpu.memory_space<hbm>>) target(%arg9 : memref<256x64xf32, #tpu.memory_space<vmem>>) offsets(%dma_start3A_185 : memref<256xi32, #tpu.memory_space<vmem>>) semaphore(%arg14 : memref<!tpu.dma_semaphore, #tpu.memory_space<semaphore_mem>>)
    %dma_start3A_189 = arith.constant 256 : i32
    %dma_start3A_190 = tpu.memref_slice %arg7[%dma_start3A_189] : memref<10240xi32, #tpu.memory_space<vmem>> -> memref<256xi32, #tpu.memory_space<vmem>>
    %dma_start3A_191 = arith.constant 0 : i32
    %dma_start3A_192 = arith.constant 0 : i32
    %dma_start3A_193 = tpu.memref_slice %arg2[%dma_start3A_191, %dma_start3A_192] : memref<10000x64xf32, #tpu.memory_space<hbm>> -> memref<10000x64xf32, #tpu.memory_space<hbm>>
    tpu.enqueue_indirect_dma source(%dma_start3A_193 : memref<10000x64xf32, #tpu.memory_space<hbm>>) target(%arg10 : memref<256x64xf32, #tpu.memory_space<vmem>>) offsets(%dma_start3A_190 : memref<256xi32, #tpu.memory_space<vmem>>) semaphore(%arg15 : memref<!tpu.dma_semaphore, #tpu.memory_space<semaphore_mem>>)
    %scan3A = arith.constant 0 : i32
    %scan3A_194 = arith.constant 0 : i32
    %scan3A_195 = arith.constant 10 : i32
    %scan3A_196 = arith.addi %scan3A_194, %scan3A_195 : i32
    %scan3A_197 = arith.constant 1 : i32
    scf.for %scan3A_224 = %scan3A_194 to %scan3A_196 step %scan3A_197  : i32 {
      %mul3A_225 = arith.constant 4 : i32
      %mul3A_226 = arith.muli %mul3A_225, %scan3A_224 : i32
      %add3A_227 = arith.constant 0 : i32
      %add3A_228 = arith.addi %mul3A_226, %add3A_227 : i32
      %dma_wait3A_229 = arith.constant 0 : i32
      %dma_wait3A_230 = tpu.memref_slice %arg7[%dma_wait3A_229] : memref<10240xi32, #tpu.memory_space<vmem>> -> memref<256xi32, #tpu.memory_space<vmem>>
      %dma_wait3A_231 = arith.constant 0 : i32
      %dma_wait3A_232 = arith.constant 0 : i32
      %dma_wait3A_233 = tpu.memref_slice %arg2[%dma_wait3A_231, %dma_wait3A_232] : memref<10000x64xf32, #tpu.memory_space<hbm>> -> memref<10000x64xf32, #tpu.memory_space<hbm>>
      tpu.wait_indirect_dma semaphore(%arg14 : memref<!tpu.dma_semaphore, #tpu.memory_space<semaphore_mem>>) src(%dma_wait3A_233 : memref<10000x64xf32, #tpu.memory_space<hbm>>) dst(%arg9 : memref<256x64xf32, #tpu.memory_space<vmem>>)
      %mul3A_234 = arith.constant 256 : i32
      %mul3A_235 = arith.muli %add3A_228, %mul3A_234 : i32
      %dma_start3A_236 = tpu.memref_slice %arg8[%mul3A_235] : memref<10240xi32, #tpu.memory_space<vmem>> -> memref<256xi32, #tpu.memory_space<vmem>>
      %dma_start3A_237 = arith.constant 0 : i32
      %dma_start3A_238 = arith.constant 0 : i32
      %dma_start3A_239 = tpu.memref_slice %arg13[%dma_start3A_237, %dma_start3A_238] : memref<10008x64xf32, #tpu.memory_space<vmem_shared>> -> memref<10008x64xf32, #tpu.memory_space<vmem_shared>>
      tpu.enqueue_indirect_dma source(%arg9 : memref<256x64xf32, #tpu.memory_space<vmem>>) target(%dma_start3A_239 : memref<10008x64xf32, #tpu.memory_space<vmem_shared>>) offsets(%dma_start3A_236 : memref<256xi32, #tpu.memory_space<vmem>>) semaphore(%arg18 : memref<!tpu.dma_semaphore, #tpu.memory_space<semaphore_mem>>) {add = true}
      %ge3A = arith.constant 2 : i32
      %ge3A_240 = arith.cmpi sge, %add3A_228, %ge3A : i32
      %add3A_241 = arith.constant 2 : i32
      %add3A_242 = arith.addi %add3A_228, %add3A_241 : i32
      %lt3A = arith.constant 40 : i32
      %lt3A_243 = arith.cmpi slt, %add3A_242, %lt3A : i32
      %and3A = arith.andi %ge3A_240, %lt3A_243 : i1
      %convert_element_type3A_244 = arith.extui %and3A : i1 to i32
      %cond3A_245 = arith.constant 0 : i32
      %cond3A_246 = arith.cmpi ne, %convert_element_type3A_244, %cond3A_245 : i32
      scf.if %cond3A_246 {
        %dma_wait3A_350 = arith.constant 0 : i32
        %dma_wait3A_351 = tpu.memref_slice %arg8[%dma_wait3A_350] : memref<10240xi32, #tpu.memory_space<vmem>> -> memref<256xi32, #tpu.memory_space<vmem>>
        %dma_wait3A_352 = arith.constant 0 : i32
        %dma_wait3A_353 = arith.constant 0 : i32
        %dma_wait3A_354 = tpu.memref_slice %arg13[%dma_wait3A_352, %dma_wait3A_353] : memref<10008x64xf32, #tpu.memory_space<vmem_shared>> -> memref<10008x64xf32, #tpu.memory_space<vmem_shared>>
        tpu.wait_indirect_dma semaphore(%arg20 : memref<!tpu.dma_semaphore, #tpu.memory_space<semaphore_mem>>) src(%arg11 : memref<256x64xf32, #tpu.memory_space<vmem>>) dst(%dma_wait3A_354 : memref<10008x64xf32, #tpu.memory_space<vmem_shared>>)
      } else {
      }
      %add3A_247 = arith.constant 2 : i32
      %add3A_248 = arith.addi %add3A_228, %add3A_247 : i32
      %lt3A_249 = arith.constant 40 : i32
      %lt3A_250 = arith.cmpi slt, %add3A_248, %lt3A_249 : i32
      %convert_element_type3A_251 = arith.extui %lt3A_250 : i1 to i32
      %cond3A_252 = arith.constant 0 : i32
      %cond3A_253 = arith.cmpi ne, %convert_element_type3A_251, %cond3A_252 : i32
      scf.if %cond3A_253 {
        %add3A_350 = arith.constant 2 : i32
        %add3A_351 = arith.addi %add3A_228, %add3A_350 : i32
        %mul3A_352 = arith.constant 256 : i32
        %mul3A_353 = arith.muli %add3A_351, %mul3A_352 : i32
        %dma_start3A_354 = tpu.memref_slice %arg7[%mul3A_353] : memref<10240xi32, #tpu.memory_space<vmem>> -> memref<256xi32, #tpu.memory_space<vmem>>
        %dma_start3A_355 = arith.constant 0 : i32
        %dma_start3A_356 = arith.constant 0 : i32
        %dma_start3A_357 = tpu.memref_slice %arg2[%dma_start3A_355, %dma_start3A_356] : memref<10000x64xf32, #tpu.memory_space<hbm>> -> memref<10000x64xf32, #tpu.memory_space<hbm>>
        tpu.enqueue_indirect_dma source(%dma_start3A_357 : memref<10000x64xf32, #tpu.memory_space<hbm>>) target(%arg11 : memref<256x64xf32, #tpu.memory_space<vmem>>) offsets(%dma_start3A_354 : memref<256xi32, #tpu.memory_space<vmem>>) semaphore(%arg16 : memref<!tpu.dma_semaphore, #tpu.memory_space<semaphore_mem>>)
      } else {
      }
      %mul3A_254 = arith.constant 4 : i32
      %mul3A_255 = arith.muli %mul3A_254, %scan3A_224 : i32
      %add3A_256 = arith.constant 1 : i32
      %add3A_257 = arith.addi %mul3A_255, %add3A_256 : i32
      %dma_wait3A_258 = arith.constant 0 : i32
      %dma_wait3A_259 = tpu.memref_slice %arg7[%dma_wait3A_258] : memref<10240xi32, #tpu.memory_space<vmem>> -> memref<256xi32, #tpu.memory_space<vmem>>
      %dma_wait3A_260 = arith.constant 0 : i32
      %dma_wait3A_261 = arith.constant 0 : i32
      %dma_wait3A_262 = tpu.memref_slice %arg2[%dma_wait3A_260, %dma_wait3A_261] : memref<10000x64xf32, #tpu.memory_space<hbm>> -> memref<10000x64xf32, #tpu.memory_space<hbm>>
      tpu.wait_indirect_dma semaphore(%arg15 : memref<!tpu.dma_semaphore, #tpu.memory_space<semaphore_mem>>) src(%dma_wait3A_262 : memref<10000x64xf32, #tpu.memory_space<hbm>>) dst(%arg10 : memref<256x64xf32, #tpu.memory_space<vmem>>)
      %mul3A_263 = arith.constant 256 : i32
      %mul3A_264 = arith.muli %add3A_257, %mul3A_263 : i32
      %dma_start3A_265 = tpu.memref_slice %arg8[%mul3A_264] : memref<10240xi32, #tpu.memory_space<vmem>> -> memref<256xi32, #tpu.memory_space<vmem>>
      %dma_start3A_266 = arith.constant 0 : i32
      %dma_start3A_267 = arith.constant 0 : i32
      %dma_start3A_268 = tpu.memref_slice %arg13[%dma_start3A_266, %dma_start3A_267] : memref<10008x64xf32, #tpu.memory_space<vmem_shared>> -> memref<10008x64xf32, #tpu.memory_space<vmem_shared>>
      tpu.enqueue_indirect_dma source(%arg10 : memref<256x64xf32, #tpu.memory_space<vmem>>) target(%dma_start3A_268 : memref<10008x64xf32, #tpu.memory_space<vmem_shared>>) offsets(%dma_start3A_265 : memref<256xi32, #tpu.memory_space<vmem>>) semaphore(%arg19 : memref<!tpu.dma_semaphore, #tpu.memory_space<semaphore_mem>>) {add = true}
      %ge3A_269 = arith.constant 2 : i32
      %ge3A_270 = arith.cmpi sge, %add3A_257, %ge3A_269 : i32
      %add3A_271 = arith.constant 2 : i32
      %add3A_272 = arith.addi %add3A_257, %add3A_271 : i32
      %lt3A_273 = arith.constant 40 : i32
      %lt3A_274 = arith.cmpi slt, %add3A_272, %lt3A_273 : i32
      %and3A_275 = arith.andi %ge3A_270, %lt3A_274 : i1
      %convert_element_type3A_276 = arith.extui %and3A_275 : i1 to i32
      %cond3A_277 = arith.constant 0 : i32
      %cond3A_278 = arith.cmpi ne, %convert_element_type3A_276, %cond3A_277 : i32
      scf.if %cond3A_278 {
        %dma_wait3A_350 = arith.constant 0 : i32
        %dma_wait3A_351 = tpu.memref_slice %arg8[%dma_wait3A_350] : memref<10240xi32, #tpu.memory_space<vmem>> -> memref<256xi32, #tpu.memory_space<vmem>>
        %dma_wait3A_352 = arith.constant 0 : i32
        %dma_wait3A_353 = arith.constant 0 : i32
        %dma_wait3A_354 = tpu.memref_slice %arg13[%dma_wait3A_352, %dma_wait3A_353] : memref<10008x64xf32, #tpu.memory_space<vmem_shared>> -> memref<10008x64xf32, #tpu.memory_space<vmem_shared>>
        tpu.wait_indirect_dma semaphore(%arg21 : memref<!tpu.dma_semaphore, #tpu.memory_space<semaphore_mem>>) src(%arg12 : memref<256x64xf32, #tpu.memory_space<vmem>>) dst(%dma_wait3A_354 : memref<10008x64xf32, #tpu.memory_space<vmem_shared>>)
      } else {
      }
      %add3A_279 = arith.constant 2 : i32
      %add3A_280 = arith.addi %add3A_257, %add3A_279 : i32
      %lt3A_281 = arith.constant 40 : i32
      %lt3A_282 = arith.cmpi slt, %add3A_280, %lt3A_281 : i32
      %convert_element_type3A_283 = arith.extui %lt3A_282 : i1 to i32
      %cond3A_284 = arith.constant 0 : i32
      %cond3A_285 = arith.cmpi ne, %convert_element_type3A_283, %cond3A_284 : i32
      scf.if %cond3A_285 {
        %add3A_350 = arith.constant 2 : i32
        %add3A_351 = arith.addi %add3A_257, %add3A_350 : i32
        %mul3A_352 = arith.constant 256 : i32
        %mul3A_353 = arith.muli %add3A_351, %mul3A_352 : i32
        %dma_start3A_354 = tpu.memref_slice %arg7[%mul3A_353] : memref<10240xi32, #tpu.memory_space<vmem>> -> memref<256xi32, #tpu.memory_space<vmem>>
        %dma_start3A_355 = arith.constant 0 : i32
        %dma_start3A_356 = arith.constant 0 : i32
        %dma_start3A_357 = tpu.memref_slice %arg2[%dma_start3A_355, %dma_start3A_356] : memref<10000x64xf32, #tpu.memory_space<hbm>> -> memref<10000x64xf32, #tpu.memory_space<hbm>>
        tpu.enqueue_indirect_dma source(%dma_start3A_357 : memref<10000x64xf32, #tpu.memory_space<hbm>>) target(%arg12 : memref<256x64xf32, #tpu.memory_space<vmem>>) offsets(%dma_start3A_354 : memref<256xi32, #tpu.memory_space<vmem>>) semaphore(%arg17 : memref<!tpu.dma_semaphore, #tpu.memory_space<semaphore_mem>>)
      } else {
      }
      %mul3A_286 = arith.constant 4 : i32
      %mul3A_287 = arith.muli %mul3A_286, %scan3A_224 : i32
      %add3A_288 = arith.constant 2 : i32
      %add3A_289 = arith.addi %mul3A_287, %add3A_288 : i32
      %dma_wait3A_290 = arith.constant 0 : i32
      %dma_wait3A_291 = tpu.memref_slice %arg7[%dma_wait3A_290] : memref<10240xi32, #tpu.memory_space<vmem>> -> memref<256xi32, #tpu.memory_space<vmem>>
      %dma_wait3A_292 = arith.constant 0 : i32
      %dma_wait3A_293 = arith.constant 0 : i32
      %dma_wait3A_294 = tpu.memref_slice %arg2[%dma_wait3A_292, %dma_wait3A_293] : memref<10000x64xf32, #tpu.memory_space<hbm>> -> memref<10000x64xf32, #tpu.memory_space<hbm>>
      tpu.wait_indirect_dma semaphore(%arg16 : memref<!tpu.dma_semaphore, #tpu.memory_space<semaphore_mem>>) src(%dma_wait3A_294 : memref<10000x64xf32, #tpu.memory_space<hbm>>) dst(%arg11 : memref<256x64xf32, #tpu.memory_space<vmem>>)
      %mul3A_295 = arith.constant 256 : i32
      %mul3A_296 = arith.muli %add3A_289, %mul3A_295 : i32
      %dma_start3A_297 = tpu.memref_slice %arg8[%mul3A_296] : memref<10240xi32, #tpu.memory_space<vmem>> -> memref<256xi32, #tpu.memory_space<vmem>>
      %dma_start3A_298 = arith.constant 0 : i32
      %dma_start3A_299 = arith.constant 0 : i32
      %dma_start3A_300 = tpu.memref_slice %arg13[%dma_start3A_298, %dma_start3A_299] : memref<10008x64xf32, #tpu.memory_space<vmem_shared>> -> memref<10008x64xf32, #tpu.memory_space<vmem_shared>>
      tpu.enqueue_indirect_dma source(%arg11 : memref<256x64xf32, #tpu.memory_space<vmem>>) target(%dma_start3A_300 : memref<10008x64xf32, #tpu.memory_space<vmem_shared>>) offsets(%dma_start3A_297 : memref<256xi32, #tpu.memory_space<vmem>>) semaphore(%arg20 : memref<!tpu.dma_semaphore, #tpu.memory_space<semaphore_mem>>) {add = true}
      %ge3A_301 = arith.constant 2 : i32
      %ge3A_302 = arith.cmpi sge, %add3A_289, %ge3A_301 : i32
      %add3A_303 = arith.constant 2 : i32
      %add3A_304 = arith.addi %add3A_289, %add3A_303 : i32
      %lt3A_305 = arith.constant 40 : i32
      %lt3A_306 = arith.cmpi slt, %add3A_304, %lt3A_305 : i32
      %and3A_307 = arith.andi %ge3A_302, %lt3A_306 : i1
      %convert_element_type3A_308 = arith.extui %and3A_307 : i1 to i32
      %cond3A_309 = arith.constant 0 : i32
      %cond3A_310 = arith.cmpi ne, %convert_element_type3A_308, %cond3A_309 : i32
      scf.if %cond3A_310 {
        %dma_wait3A_350 = arith.constant 0 : i32
        %dma_wait3A_351 = tpu.memref_slice %arg8[%dma_wait3A_350] : memref<10240xi32, #tpu.memory_space<vmem>> -> memref<256xi32, #tpu.memory_space<vmem>>
        %dma_wait3A_352 = arith.constant 0 : i32
        %dma_wait3A_353 = arith.constant 0 : i32
        %dma_wait3A_354 = tpu.memref_slice %arg13[%dma_wait3A_352, %dma_wait3A_353] : memref<10008x64xf32, #tpu.memory_space<vmem_shared>> -> memref<10008x64xf32, #tpu.memory_space<vmem_shared>>
        tpu.wait_indirect_dma semaphore(%arg18 : memref<!tpu.dma_semaphore, #tpu.memory_space<semaphore_mem>>) src(%arg9 : memref<256x64xf32, #tpu.memory_space<vmem>>) dst(%dma_wait3A_354 : memref<10008x64xf32, #tpu.memory_space<vmem_shared>>)
      } else {
      }
      %add3A_311 = arith.constant 2 : i32
      %add3A_312 = arith.addi %add3A_289, %add3A_311 : i32
      %lt3A_313 = arith.constant 40 : i32
      %lt3A_314 = arith.cmpi slt, %add3A_312, %lt3A_313 : i32
      %convert_element_type3A_315 = arith.extui %lt3A_314 : i1 to i32
      %cond3A_316 = arith.constant 0 : i32
      %cond3A_317 = arith.cmpi ne, %convert_element_type3A_315, %cond3A_316 : i32
      scf.if %cond3A_317 {
        %add3A_350 = arith.constant 2 : i32
        %add3A_351 = arith.addi %add3A_289, %add3A_350 : i32
        %mul3A_352 = arith.constant 256 : i32
        %mul3A_353 = arith.muli %add3A_351, %mul3A_352 : i32
        %dma_start3A_354 = tpu.memref_slice %arg7[%mul3A_353] : memref<10240xi32, #tpu.memory_space<vmem>> -> memref<256xi32, #tpu.memory_space<vmem>>
        %dma_start3A_355 = arith.constant 0 : i32
        %dma_start3A_356 = arith.constant 0 : i32
        %dma_start3A_357 = tpu.memref_slice %arg2[%dma_start3A_355, %dma_start3A_356] : memref<10000x64xf32, #tpu.memory_space<hbm>> -> memref<10000x64xf32, #tpu.memory_space<hbm>>
        tpu.enqueue_indirect_dma source(%dma_start3A_357 : memref<10000x64xf32, #tpu.memory_space<hbm>>) target(%arg9 : memref<256x64xf32, #tpu.memory_space<vmem>>) offsets(%dma_start3A_354 : memref<256xi32, #tpu.memory_space<vmem>>) semaphore(%arg14 : memref<!tpu.dma_semaphore, #tpu.memory_space<semaphore_mem>>)
      } else {
      }
      %mul3A_318 = arith.constant 4 : i32
      %mul3A_319 = arith.muli %mul3A_318, %scan3A_224 : i32
      %add3A_320 = arith.constant 3 : i32
      %add3A_321 = arith.addi %mul3A_319, %add3A_320 : i32
      %dma_wait3A_322 = arith.constant 0 : i32
      %dma_wait3A_323 = tpu.memref_slice %arg7[%dma_wait3A_322] : memref<10240xi32, #tpu.memory_space<vmem>> -> memref<256xi32, #tpu.memory_space<vmem>>
      %dma_wait3A_324 = arith.constant 0 : i32
      %dma_wait3A_325 = arith.constant 0 : i32
      %dma_wait3A_326 = tpu.memref_slice %arg2[%dma_wait3A_324, %dma_wait3A_325] : memref<10000x64xf32, #tpu.memory_space<hbm>> -> memref<10000x64xf32, #tpu.memory_space<hbm>>
      tpu.wait_indirect_dma semaphore(%arg17 : memref<!tpu.dma_semaphore, #tpu.memory_space<semaphore_mem>>) src(%dma_wait3A_326 : memref<10000x64xf32, #tpu.memory_space<hbm>>) dst(%arg12 : memref<256x64xf32, #tpu.memory_space<vmem>>)
      %mul3A_327 = arith.constant 256 : i32
      %mul3A_328 = arith.muli %add3A_321, %mul3A_327 : i32
      %dma_start3A_329 = tpu.memref_slice %arg8[%mul3A_328] : memref<10240xi32, #tpu.memory_space<vmem>> -> memref<256xi32, #tpu.memory_space<vmem>>
      %dma_start3A_330 = arith.constant 0 : i32
      %dma_start3A_331 = arith.constant 0 : i32
      %dma_start3A_332 = tpu.memref_slice %arg13[%dma_start3A_330, %dma_start3A_331] : memref<10008x64xf32, #tpu.memory_space<vmem_shared>> -> memref<10008x64xf32, #tpu.memory_space<vmem_shared>>
      tpu.enqueue_indirect_dma source(%arg12 : memref<256x64xf32, #tpu.memory_space<vmem>>) target(%dma_start3A_332 : memref<10008x64xf32, #tpu.memory_space<vmem_shared>>) offsets(%dma_start3A_329 : memref<256xi32, #tpu.memory_space<vmem>>) semaphore(%arg21 : memref<!tpu.dma_semaphore, #tpu.memory_space<semaphore_mem>>) {add = true}
      %ge3A_333 = arith.constant 2 : i32
      %ge3A_334 = arith.cmpi sge, %add3A_321, %ge3A_333 : i32
      %add3A_335 = arith.constant 2 : i32
      %add3A_336 = arith.addi %add3A_321, %add3A_335 : i32
      %lt3A_337 = arith.constant 40 : i32
      %lt3A_338 = arith.cmpi slt, %add3A_336, %lt3A_337 : i32
      %and3A_339 = arith.andi %ge3A_334, %lt3A_338 : i1
      %convert_element_type3A_340 = arith.extui %and3A_339 : i1 to i32
      %cond3A_341 = arith.constant 0 : i32
      %cond3A_342 = arith.cmpi ne, %convert_element_type3A_340, %cond3A_341 : i32
      scf.if %cond3A_342 {
        %dma_wait3A_350 = arith.constant 0 : i32
        %dma_wait3A_351 = tpu.memref_slice %arg8[%dma_wait3A_350] : memref<10240xi32, #tpu.memory_space<vmem>> -> memref<256xi32, #tpu.memory_space<vmem>>
        %dma_wait3A_352 = arith.constant 0 : i32
        %dma_wait3A_353 = arith.constant 0 : i32
        %dma_wait3A_354 = tpu.memref_slice %arg13[%dma_wait3A_352, %dma_wait3A_353] : memref<10008x64xf32, #tpu.memory_space<vmem_shared>> -> memref<10008x64xf32, #tpu.memory_space<vmem_shared>>
        tpu.wait_indirect_dma semaphore(%arg19 : memref<!tpu.dma_semaphore, #tpu.memory_space<semaphore_mem>>) src(%arg10 : memref<256x64xf32, #tpu.memory_space<vmem>>) dst(%dma_wait3A_354 : memref<10008x64xf32, #tpu.memory_space<vmem_shared>>)
      } else {
      }
      %add3A_343 = arith.constant 2 : i32
      %add3A_344 = arith.addi %add3A_321, %add3A_343 : i32
      %lt3A_345 = arith.constant 40 : i32
      %lt3A_346 = arith.cmpi slt, %add3A_344, %lt3A_345 : i32
      %convert_element_type3A_347 = arith.extui %lt3A_346 : i1 to i32
      %cond3A_348 = arith.constant 0 : i32
      %cond3A_349 = arith.cmpi ne, %convert_element_type3A_347, %cond3A_348 : i32
      scf.if %cond3A_349 {
        %add3A_350 = arith.constant 2 : i32
        %add3A_351 = arith.addi %add3A_321, %add3A_350 : i32
        %mul3A_352 = arith.constant 256 : i32
        %mul3A_353 = arith.muli %add3A_351, %mul3A_352 : i32
        %dma_start3A_354 = tpu.memref_slice %arg7[%mul3A_353] : memref<10240xi32, #tpu.memory_space<vmem>> -> memref<256xi32, #tpu.memory_space<vmem>>
        %dma_start3A_355 = arith.constant 0 : i32
        %dma_start3A_356 = arith.constant 0 : i32
        %dma_start3A_357 = tpu.memref_slice %arg2[%dma_start3A_355, %dma_start3A_356] : memref<10000x64xf32, #tpu.memory_space<hbm>> -> memref<10000x64xf32, #tpu.memory_space<hbm>>
        tpu.enqueue_indirect_dma source(%dma_start3A_357 : memref<10000x64xf32, #tpu.memory_space<hbm>>) target(%arg10 : memref<256x64xf32, #tpu.memory_space<vmem>>) offsets(%dma_start3A_354 : memref<256xi32, #tpu.memory_space<vmem>>) semaphore(%arg15 : memref<!tpu.dma_semaphore, #tpu.memory_space<semaphore_mem>>)
      } else {
      }
    }
    %scan3A_198 = arith.constant 10 : i32
    %dma_wait3A = arith.constant 0 : i32
    %dma_wait3A_199 = tpu.memref_slice %arg8[%dma_wait3A] : memref<10240xi32, #tpu.memory_space<vmem>> -> memref<256xi32, #tpu.memory_space<vmem>>
    %dma_wait3A_200 = arith.constant 0 : i32
    %dma_wait3A_201 = arith.constant 0 : i32
    %dma_wait3A_202 = tpu.memref_slice %arg13[%dma_wait3A_200, %dma_wait3A_201] : memref<10008x64xf32, #tpu.memory_space<vmem_shared>> -> memref<10008x64xf32, #tpu.memory_space<vmem_shared>>
    tpu.wait_indirect_dma semaphore(%arg18 : memref<!tpu.dma_semaphore, #tpu.memory_space<semaphore_mem>>) src(%arg9 : memref<256x64xf32, #tpu.memory_space<vmem>>) dst(%dma_wait3A_202 : memref<10008x64xf32, #tpu.memory_space<vmem_shared>>)
    %dma_wait3A_203 = arith.constant 0 : i32
    %dma_wait3A_204 = tpu.memref_slice %arg8[%dma_wait3A_203] : memref<10240xi32, #tpu.memory_space<vmem>> -> memref<256xi32, #tpu.memory_space<vmem>>
    %dma_wait3A_205 = arith.constant 0 : i32
    %dma_wait3A_206 = arith.constant 0 : i32
    %dma_wait3A_207 = tpu.memref_slice %arg13[%dma_wait3A_205, %dma_wait3A_206] : memref<10008x64xf32, #tpu.memory_space<vmem_shared>> -> memref<10008x64xf32, #tpu.memory_space<vmem_shared>>
    tpu.wait_indirect_dma semaphore(%arg19 : memref<!tpu.dma_semaphore, #tpu.memory_space<semaphore_mem>>) src(%arg10 : memref<256x64xf32, #tpu.memory_space<vmem>>) dst(%dma_wait3A_207 : memref<10008x64xf32, #tpu.memory_space<vmem_shared>>)
    %dma_wait3A_208 = arith.constant 0 : i32
    %dma_wait3A_209 = tpu.memref_slice %arg8[%dma_wait3A_208] : memref<10240xi32, #tpu.memory_space<vmem>> -> memref<256xi32, #tpu.memory_space<vmem>>
    %dma_wait3A_210 = arith.constant 0 : i32
    %dma_wait3A_211 = arith.constant 0 : i32
    %dma_wait3A_212 = tpu.memref_slice %arg13[%dma_wait3A_210, %dma_wait3A_211] : memref<10008x64xf32, #tpu.memory_space<vmem_shared>> -> memref<10008x64xf32, #tpu.memory_space<vmem_shared>>
    tpu.wait_indirect_dma semaphore(%arg20 : memref<!tpu.dma_semaphore, #tpu.memory_space<semaphore_mem>>) src(%arg11 : memref<256x64xf32, #tpu.memory_space<vmem>>) dst(%dma_wait3A_212 : memref<10008x64xf32, #tpu.memory_space<vmem_shared>>)
    %dma_wait3A_213 = arith.constant 0 : i32
    %dma_wait3A_214 = tpu.memref_slice %arg8[%dma_wait3A_213] : memref<10240xi32, #tpu.memory_space<vmem>> -> memref<256xi32, #tpu.memory_space<vmem>>
    %dma_wait3A_215 = arith.constant 0 : i32
    %dma_wait3A_216 = arith.constant 0 : i32
    %dma_wait3A_217 = tpu.memref_slice %arg13[%dma_wait3A_215, %dma_wait3A_216] : memref<10008x64xf32, #tpu.memory_space<vmem_shared>> -> memref<10008x64xf32, #tpu.memory_space<vmem_shared>>
    tpu.wait_indirect_dma semaphore(%arg21 : memref<!tpu.dma_semaphore, #tpu.memory_space<semaphore_mem>>) src(%arg12 : memref<256x64xf32, #tpu.memory_space<vmem>>) dst(%dma_wait3A_217 : memref<10008x64xf32, #tpu.memory_space<vmem_shared>>)
    %barrier3A_218 = arith.constant 0 : index
    tpu.barrier barrier_id(%barrier3A_218)
    %eq3A_219 = arith.constant 0 : i32
    %eq3A_220 = arith.cmpi eq, %arg1, %eq3A_219 : i32
    %convert_element_type3A_221 = arith.extui %eq3A_220 : i1 to i32
    %cond3A_222 = arith.constant 0 : i32
    %cond3A_223 = arith.cmpi ne, %convert_element_type3A_221, %cond3A_222 : i32
    scf.if %cond3A_223 {
      "tpu.region"() ({
        %run_scoped3A = tpu.sem_alloc : memref<!tpu.dma_semaphore, #tpu.memory_space<semaphore_mem>>
        %dma_start3A_224 = arith.constant 0 : i32
        %dma_start3A_225 = arith.constant 0 : i32
        %dma_start3A_226 = tpu.memref_slice %arg6[%arg0, %dma_start3A_224, %dma_start3A_225] : memref<2x10000x64xf32, #tpu.memory_space<hbm>> -> memref<1x10000x64xf32, #tpu.memory_space<hbm>>
        %dma_start3A_227 = tpu.memref_squeeze %dma_start3A_226 : memref<1x10000x64xf32, #tpu.memory_space<hbm>> -> memref<10000x64xf32, #tpu.memory_space<hbm>>
        %dma_start3A_228 = arith.constant 0 : i32
        %dma_start3A_229 = arith.constant 0 : i32
        %dma_start3A_230 = tpu.memref_slice %arg13[%dma_start3A_228, %dma_start3A_229] : memref<10008x64xf32, #tpu.memory_space<vmem_shared>> -> memref<10000x64xf32, #tpu.memory_space<vmem_shared>>
        tpu.enqueue_dma source(%dma_start3A_230 : memref<10000x64xf32, #tpu.memory_space<vmem_shared>>) target(%dma_start3A_227 : memref<10000x64xf32, #tpu.memory_space<hbm>>) target_semaphore(%run_scoped3A : memref<!tpu.dma_semaphore, #tpu.memory_space<semaphore_mem>>)
        %dma_wait3A_231 = arith.constant 0 : i32
        %dma_wait3A_232 = arith.constant 0 : i32
        %dma_wait3A_233 = tpu.memref_slice %arg6[%arg0, %dma_wait3A_231, %dma_wait3A_232] : memref<2x10000x64xf32, #tpu.memory_space<hbm>> -> memref<1x10000x64xf32, #tpu.memory_space<hbm>>
        %dma_wait3A_234 = tpu.memref_squeeze %dma_wait3A_233 : memref<1x10000x64xf32, #tpu.memory_space<hbm>> -> memref<10000x64xf32, #tpu.memory_space<hbm>>
        %dma_wait3A_235 = arith.constant 0 : i32
        %dma_wait3A_236 = arith.constant 0 : i32
        %dma_wait3A_237 = tpu.memref_slice %arg13[%dma_wait3A_235, %dma_wait3A_236] : memref<10008x64xf32, #tpu.memory_space<vmem_shared>> -> memref<10000x64xf32, #tpu.memory_space<vmem_shared>>
        tpu.wait_dma2 semaphore(%run_scoped3A : memref<!tpu.dma_semaphore, #tpu.memory_space<semaphore_mem>>) src(%dma_wait3A_237 : memref<10000x64xf32, #tpu.memory_space<vmem_shared>>) dst(%dma_wait3A_234 : memref<10000x64xf32, #tpu.memory_space<hbm>>)
        tpu.yield
      }) : () -> ()
    } else {
    }
    return
  }
}

module attributes {stable_mosaic.version = 14 : i64} {
  func.func @_mm_body(%arg0: memref<10000x128xf32, #tpu.memory_space<vmem>>, %arg1: memref<128x64xf32, #tpu.memory_space<vmem>>, %arg2: memref<10000x64xf32, #tpu.memory_space<vmem>>) attributes {dimension_semantics = [], scalar_prefetch = 0 : i64, scratch_operands = 0 : i64, tpu.core_type = #tpu.core_type<tc>} {
    %get3A = arith.constant 0 : index
    %get3A_0 = arith.constant 0 : index
    %get3A_1 = vector.load %arg0[%get3A, %get3A_0] : memref<10000x128xf32, #tpu.memory_space<vmem>>, vector<10000x128xf32>
    %get3A_2 = arith.constant 0 : index
    %get3A_3 = arith.constant 0 : index
    %get3A_4 = vector.load %arg1[%get3A_2, %get3A_3] : memref<128x64xf32, #tpu.memory_space<vmem>>, vector<128x64xf32>
    %dot_general3A = arith.constant dense<0.000000e+00> : vector<10000x64xf32>
    %dot_general3A_5 = tpu.matmul %get3A_1, %get3A_4, %dot_general3A {dimension_numbers = #tpu.dot_dimension_numbers<[1], [0], [0], [1], [0, 0, 1, 1], [], []>, transpose_lhs_hint = false} : vector<10000x128xf32>, vector<128x64xf32>, vector<10000x64xf32> -> vector<10000x64xf32>
    %swap3A = arith.constant 0 : index
    %swap3A_6 = arith.constant 0 : index
    %swap3A_7 = vector.load %arg2[%swap3A, %swap3A_6] : memref<10000x64xf32, #tpu.memory_space<vmem>>, vector<10000x64xf32>
    tpu.vector_store %arg2[%swap3A, %swap3A_6], %dot_general3A_5 {strides = array<i32>} : memref<10000x64xf32, #tpu.memory_space<vmem>>, vector<10000x64xf32>,
    return
  }
}

module attributes {stable_mosaic.version = 14 : i64} {
  func.func @_prep_body(%arg0: memref<2x10000xf32, #tpu.memory_space<vmem>>, %arg1: memref<2x10000xf32, #tpu.memory_space<vmem>>, %arg2: memref<10000x64xf32, #tpu.memory_space<vmem>>, %arg3: memref<1x8xf32, #tpu.memory_space<vmem>>, %arg4: memref<8xf32, #tpu.memory_space<vmem>>, %arg5: memref<8x8xf32, #tpu.memory_space<vmem>>, %arg6: memref<8xf32, #tpu.memory_space<vmem>>, %arg7: memref<10000x64xf32, #tpu.memory_space<vmem>>, %arg8: memref<10000xf32, #tpu.memory_space<vmem>>, %arg9: memref<1x8xf32, #tpu.memory_space<vmem>>) attributes {dimension_semantics = [], scalar_prefetch = 0 : i64, scratch_operands = 0 : i64, tpu.core_type = #tpu.core_type<tc>} {
    %get3A = arith.constant 0 : index
    %get3A_0 = arith.constant 0 : index
    %get3A_1 = vector.load %arg0[%get3A, %get3A_0] : memref<2x10000xf32, #tpu.memory_space<vmem>>, vector<2x10000xf32>
    %slice3A = vector.extract_strided_slice %get3A_1 {offsets = [0, 0], sizes = [1, 10000], strides = [1, 1]} : vector<2x10000xf32> to vector<1x10000xf32>
    %squeeze3A = vector.shape_cast %slice3A : vector<1x10000xf32> to vector<10000xf32>
    %slice3A_2 = vector.extract_strided_slice %get3A_1 {offsets = [1, 0], sizes = [1, 10000], strides = [1, 1]} : vector<2x10000xf32> to vector<1x10000xf32>
    %squeeze3A_3 = vector.shape_cast %slice3A_2 : vector<1x10000xf32> to vector<10000xf32>
    %add3A = arith.addf %squeeze3A, %squeeze3A_3 : vector<10000xf32>
    %add3A_4 = arith.constant 1.000000e+00 : f32
    %add3A_5 = vector.broadcast %add3A_4 : f32 to vector<10000xf32>
    %add3A_6 = arith.addf %add3A, %add3A_5 : vector<10000xf32>
    %rsqrt3A = math.rsqrt %add3A_6 : vector<10000xf32>
    %swap3A = arith.constant 0 : index
    %swap3A_7 = vector.load %arg8[%swap3A] : memref<10000xf32, #tpu.memory_space<vmem>>, vector<10000xf32>
    tpu.vector_store %arg8[%swap3A], %rsqrt3A {strides = array<i32>} : memref<10000xf32, #tpu.memory_space<vmem>>, vector<10000xf32>,
    %get3A_8 = arith.constant 0 : index
    %get3A_9 = arith.constant 0 : index
    %get3A_10 = vector.load %arg2[%get3A_8, %get3A_9] : memref<10000x64xf32, #tpu.memory_space<vmem>>, vector<10000x64xf32>
    %broadcast_in_dim3A = vector.shape_cast %rsqrt3A : vector<10000xf32> to vector<10000x1xf32>
    %mul3A = vector.broadcast %broadcast_in_dim3A : vector<10000x1xf32> to vector<10000x64xf32>
    %mul3A_11 = arith.mulf %get3A_10, %mul3A : vector<10000x64xf32>
    %swap3A_12 = arith.constant 0 : index
    %swap3A_13 = arith.constant 0 : index
    %swap3A_14 = vector.load %arg7[%swap3A_12, %swap3A_13] : memref<10000x64xf32, #tpu.memory_space<vmem>>, vector<10000x64xf32>
    tpu.vector_store %arg7[%swap3A_12, %swap3A_13], %mul3A_11 {strides = array<i32>} : memref<10000x64xf32, #tpu.memory_space<vmem>>, vector<10000x64xf32>,
    %get3A_15 = arith.constant 0 : index
    %get3A_16 = arith.constant 0 : index
    %get3A_17 = vector.load %arg1[%get3A_15, %get3A_16] : memref<2x10000xf32, #tpu.memory_space<vmem>>, vector<2x10000xf32>
    %slice3A_18 = vector.extract_strided_slice %get3A_17 {offsets = [0, 0], sizes = [1, 10000], strides = [1, 1]} : vector<2x10000xf32> to vector<1x10000xf32>
    %squeeze3A_19 = vector.shape_cast %slice3A_18 : vector<1x10000xf32> to vector<10000xf32>
    %slice3A_20 = vector.extract_strided_slice %get3A_17 {offsets = [1, 0], sizes = [1, 10000], strides = [1, 1]} : vector<2x10000xf32> to vector<1x10000xf32>
    %squeeze3A_21 = vector.shape_cast %slice3A_20 : vector<1x10000xf32> to vector<10000xf32>
    %add3A_22 = arith.addf %squeeze3A_19, %squeeze3A_21 : vector<10000xf32>
    %iota3A = tpu.iota {dimensions = array<i32: 1>} : vector<1x10000xi32>
    %iota3A_23 = vector.shape_cast %iota3A : vector<1x10000xi32> to vector<10000xi32>
    %eq3A = arith.constant 0 : i32
    %eq3A_24 = vector.broadcast %eq3A : i32 to vector<10000xi32>
    %eq3A_25 = arith.cmpi eq, %iota3A_23, %eq3A_24 : vector<10000xi32>
    %jit3A = arith.constant 7.680000e+03 : f32
    %jit3A_26 = arith.constant 0.000000e+00 : f32
    %broadcast_in_dim3A_27 = vector.broadcast %jit3A : f32 to vector<10000xf32>
    %broadcast_in_dim3A_28 = vector.broadcast %jit3A_26 : f32 to vector<10000xf32>
    %select_n3A = arith.select %eq3A_25, %broadcast_in_dim3A_27, %broadcast_in_dim3A_28 : vector<10000xi1>, vector<10000xf32>
    %sub3A = arith.subf %add3A_22, %select_n3A : vector<10000xf32>
    %get3A_29 = arith.constant 0 : index
    %get3A_30 = vector.load %arg6[%get3A_29] : memref<8xf32, #tpu.memory_space<vmem>>, vector<8xf32>
    %broadcast_in_dim3A_31 = vector.shape_cast %get3A_30 : vector<8xf32> to vector<1x8xf32>
    %get3A_32 = arith.constant 0 : index
    %get3A_33 = arith.constant 0 : index
    %get3A_34 = vector.load %arg3[%get3A_32, %get3A_33] : memref<1x8xf32, #tpu.memory_space<vmem>>, vector<1x1xf32>
    %get3A_35 = vector.extract %get3A_34[0, 0] : f32 from vector<1x1xf32>
    %mul3A_36 = vector.broadcast %get3A_35 : f32 to vector<10000xf32>
    %mul3A_37 = arith.mulf %sub3A, %mul3A_36 : vector<10000xf32>
    %get3A_38 = arith.constant 0 : index
    %get3A_39 = vector.load %arg4[%get3A_38] : memref<8xf32, #tpu.memory_space<vmem>>, vector<1xf32>
    %get3A_40 = vector.extract %get3A_39[0] : f32 from vector<1xf32>
    %add3A_41 = vector.broadcast %get3A_40 : f32 to vector<10000xf32>
    %add3A_42 = arith.addf %mul3A_37, %add3A_41 : vector<10000xf32>
    %max3A = arith.constant 0.000000e+00 : f32
    %max3A_43 = vector.broadcast %max3A : f32 to vector<10000xf32>
    %max3A_44 = arith.maximumf %add3A_42, %max3A_43 : vector<10000xf32>
    %reduce_sum3A = vector.shape_cast %max3A_44 : vector<10000xf32> to vector<1x10000xf32>
    %reduce_sum3A_45 = arith.constant dense<0.000000e+00> : vector<1xf32>
    %reduce_sum3A_46 = vector.multi_reduction <add>, %reduce_sum3A, %reduce_sum3A_45 [1] : vector<1x10000xf32> to vector<1xf32>
    %reduce_sum3A_47 = vector.shape_cast %reduce_sum3A_46 : vector<1xf32> to vector<1x1xf32>
    %reduce_sum3A_48 = vector.extract %reduce_sum3A_47[0, 0] : f32 from vector<1x1xf32>
    %div3A = arith.constant 1.000000e+04 : f32
    %div3A_49 = arith.divf %reduce_sum3A_48, %div3A : f32
    %get3A_50 = arith.constant 0 : index
    %get3A_51 = arith.constant 0 : index
    %get3A_52 = vector.load %arg5[%get3A_50, %get3A_51] : memref<8x8xf32, #tpu.memory_space<vmem>>, vector<1x8xf32>
    %mul3A_53 = vector.broadcast %div3A_49 : f32 to vector<1x8xf32>
    %mul3A_54 = arith.mulf %mul3A_53, %get3A_52 : vector<1x8xf32>
    %add3A_55 = arith.addf %broadcast_in_dim3A_31, %mul3A_54 : vector<1x8xf32>
    %get3A_56 = arith.constant 0 : index
    %get3A_57 = arith.constant 1 : index
    %get3A_58 = vector.load %arg3[%get3A_56, %get3A_57] : memref<1x8xf32, #tpu.memory_space<vmem>>, vector<1x1xf32>
    %get3A_59 = vector.extract %get3A_58[0, 0] : f32 from vector<1x1xf32>
    %mul3A_60 = vector.broadcast %get3A_59 : f32 to vector<10000xf32>
    %mul3A_61 = arith.mulf %sub3A, %mul3A_60 : vector<10000xf32>
    %get3A_62 = arith.constant 1 : index
    %get3A_63 = vector.load %arg4[%get3A_62] : memref<8xf32, #tpu.memory_space<vmem>>, vector<1xf32>
    %get3A_64 = vector.extract %get3A_63[0] : f32 from vector<1xf32>
    %add3A_65 = vector.broadcast %get3A_64 : f32 to vector<10000xf32>
    %add3A_66 = arith.addf %mul3A_61, %add3A_65 : vector<10000xf32>
    %max3A_67 = arith.constant 0.000000e+00 : f32
    %max3A_68 = vector.broadcast %max3A_67 : f32 to vector<10000xf32>
    %max3A_69 = arith.maximumf %add3A_66, %max3A_68 : vector<10000xf32>
    %reduce_sum3A_70 = vector.shape_cast %max3A_69 : vector<10000xf32> to vector<1x10000xf32>
    %reduce_sum3A_71 = arith.constant dense<0.000000e+00> : vector<1xf32>
    %reduce_sum3A_72 = vector.multi_reduction <add>, %reduce_sum3A_70, %reduce_sum3A_71 [1] : vector<1x10000xf32> to vector<1xf32>
    %reduce_sum3A_73 = vector.shape_cast %reduce_sum3A_72 : vector<1xf32> to vector<1x1xf32>
    %reduce_sum3A_74 = vector.extract %reduce_sum3A_73[0, 0] : f32 from vector<1x1xf32>
    %div3A_75 = arith.constant 1.000000e+04 : f32
    %div3A_76 = arith.divf %reduce_sum3A_74, %div3A_75 : f32
    %get3A_77 = arith.constant 1 : index
    %get3A_78 = arith.constant 0 : index
    %get3A_79 = vector.load %arg5[%get3A_77, %get3A_78] : memref<8x8xf32, #tpu.memory_space<vmem>>, vector<1x8xf32>
    %mul3A_80 = vector.broadcast %div3A_76 : f32 to vector<1x8xf32>
    %mul3A_81 = arith.mulf %mul3A_80, %get3A_79 : vector<1x8xf32>
    %add3A_82 = arith.addf %add3A_55, %mul3A_81 : vector<1x8xf32>
    %get3A_83 = arith.constant 0 : index
    %get3A_84 = arith.constant 2 : index
    %get3A_85 = vector.load %arg3[%get3A_83, %get3A_84] : memref<1x8xf32, #tpu.memory_space<vmem>>, vector<1x1xf32>
    %get3A_86 = vector.extract %get3A_85[0, 0] : f32 from vector<1x1xf32>
    %mul3A_87 = vector.broadcast %get3A_86 : f32 to vector<10000xf32>
    %mul3A_88 = arith.mulf %sub3A, %mul3A_87 : vector<10000xf32>
    %get3A_89 = arith.constant 2 : index
    %get3A_90 = vector.load %arg4[%get3A_89] : memref<8xf32, #tpu.memory_space<vmem>>, vector<1xf32>
    %get3A_91 = vector.extract %get3A_90[0] : f32 from vector<1xf32>
    %add3A_92 = vector.broadcast %get3A_91 : f32 to vector<10000xf32>
    %add3A_93 = arith.addf %mul3A_88, %add3A_92 : vector<10000xf32>
    %max3A_94 = arith.constant 0.000000e+00 : f32
    %max3A_95 = vector.broadcast %max3A_94 : f32 to vector<10000xf32>
    %max3A_96 = arith.maximumf %add3A_93, %max3A_95 : vector<10000xf32>
    %reduce_sum3A_97 = vector.shape_cast %max3A_96 : vector<10000xf32> to vector<1x10000xf32>
    %reduce_sum3A_98 = arith.constant dense<0.000000e+00> : vector<1xf32>
    %reduce_sum3A_99 = vector.multi_reduction <add>, %reduce_sum3A_97, %reduce_sum3A_98 [1] : vector<1x10000xf32> to vector<1xf32>
    %reduce_sum3A_100 = vector.shape_cast %reduce_sum3A_99 : vector<1xf32> to vector<1x1xf32>
    %reduce_sum3A_101 = vector.extract %reduce_sum3A_100[0, 0] : f32 from vector<1x1xf32>
    %div3A_102 = arith.constant 1.000000e+04 : f32
    %div3A_103 = arith.divf %reduce_sum3A_101, %div3A_102 : f32
    %get3A_104 = arith.constant 2 : index
    %get3A_105 = arith.constant 0 : index
    %get3A_106 = vector.load %arg5[%get3A_104, %get3A_105] : memref<8x8xf32, #tpu.memory_space<vmem>>, vector<1x8xf32>
    %mul3A_107 = vector.broadcast %div3A_103 : f32 to vector<1x8xf32>
    %mul3A_108 = arith.mulf %mul3A_107, %get3A_106 : vector<1x8xf32>
    %add3A_109 = arith.addf %add3A_82, %mul3A_108 : vector<1x8xf32>
    %get3A_110 = arith.constant 0 : index
    %get3A_111 = arith.constant 3 : index
    %get3A_112 = vector.load %arg3[%get3A_110, %get3A_111] : memref<1x8xf32, #tpu.memory_space<vmem>>, vector<1x1xf32>
    %get3A_113 = vector.extract %get3A_112[0, 0] : f32 from vector<1x1xf32>
    %mul3A_114 = vector.broadcast %get3A_113 : f32 to vector<10000xf32>
    %mul3A_115 = arith.mulf %sub3A, %mul3A_114 : vector<10000xf32>
    %get3A_116 = arith.constant 3 : index
    %get3A_117 = vector.load %arg4[%get3A_116] : memref<8xf32, #tpu.memory_space<vmem>>, vector<1xf32>
    %get3A_118 = vector.extract %get3A_117[0] : f32 from vector<1xf32>
    %add3A_119 = vector.broadcast %get3A_118 : f32 to vector<10000xf32>
    %add3A_120 = arith.addf %mul3A_115, %add3A_119 : vector<10000xf32>
    %max3A_121 = arith.constant 0.000000e+00 : f32
    %max3A_122 = vector.broadcast %max3A_121 : f32 to vector<10000xf32>
    %max3A_123 = arith.maximumf %add3A_120, %max3A_122 : vector<10000xf32>
    %reduce_sum3A_124 = vector.shape_cast %max3A_123 : vector<10000xf32> to vector<1x10000xf32>
    %reduce_sum3A_125 = arith.constant dense<0.000000e+00> : vector<1xf32>
    %reduce_sum3A_126 = vector.multi_reduction <add>, %reduce_sum3A_124, %reduce_sum3A_125 [1] : vector<1x10000xf32> to vector<1xf32>
    %reduce_sum3A_127 = vector.shape_cast %reduce_sum3A_126 : vector<1xf32> to vector<1x1xf32>
    %reduce_sum3A_128 = vector.extract %reduce_sum3A_127[0, 0] : f32 from vector<1x1xf32>
    %div3A_129 = arith.constant 1.000000e+04 : f32
    %div3A_130 = arith.divf %reduce_sum3A_128, %div3A_129 : f32
    %get3A_131 = arith.constant 3 : index
    %get3A_132 = arith.constant 0 : index
    %get3A_133 = vector.load %arg5[%get3A_131, %get3A_132] : memref<8x8xf32, #tpu.memory_space<vmem>>, vector<1x8xf32>
    %mul3A_134 = vector.broadcast %div3A_130 : f32 to vector<1x8xf32>
    %mul3A_135 = arith.mulf %mul3A_134, %get3A_133 : vector<1x8xf32>
    %add3A_136 = arith.addf %add3A_109, %mul3A_135 : vector<1x8xf32>
    %get3A_137 = arith.constant 0 : index
    %get3A_138 = arith.constant 4 : index
    %get3A_139 = vector.load %arg3[%get3A_137, %get3A_138] : memref<1x8xf32, #tpu.memory_space<vmem>>, vector<1x1xf32>
    %get3A_140 = vector.extract %get3A_139[0, 0] : f32 from vector<1x1xf32>
    %mul3A_141 = vector.broadcast %get3A_140 : f32 to vector<10000xf32>
    %mul3A_142 = arith.mulf %sub3A, %mul3A_141 : vector<10000xf32>
    %get3A_143 = arith.constant 4 : index
    %get3A_144 = vector.load %arg4[%get3A_143] : memref<8xf32, #tpu.memory_space<vmem>>, vector<1xf32>
    %get3A_145 = vector.extract %get3A_144[0] : f32 from vector<1xf32>
    %add3A_146 = vector.broadcast %get3A_145 : f32 to vector<10000xf32>
    %add3A_147 = arith.addf %mul3A_142, %add3A_146 : vector<10000xf32>
    %max3A_148 = arith.constant 0.000000e+00 : f32
    %max3A_149 = vector.broadcast %max3A_148 : f32 to vector<10000xf32>
    %max3A_150 = arith.maximumf %add3A_147, %max3A_149 : vector<10000xf32>
    %reduce_sum3A_151 = vector.shape_cast %max3A_150 : vector<10000xf32> to vector<1x10000xf32>
    %reduce_sum3A_152 = arith.constant dense<0.000000e+00> : vector<1xf32>
    %reduce_sum3A_153 = vector.multi_reduction <add>, %reduce_sum3A_151, %reduce_sum3A_152 [1] : vector<1x10000xf32> to vector<1xf32>
    %reduce_sum3A_154 = vector.shape_cast %reduce_sum3A_153 : vector<1xf32> to vector<1x1xf32>
    %reduce_sum3A_155 = vector.extract %reduce_sum3A_154[0, 0] : f32 from vector<1x1xf32>
    %div3A_156 = arith.constant 1.000000e+04 : f32
    %div3A_157 = arith.divf %reduce_sum3A_155, %div3A_156 : f32
    %get3A_158 = arith.constant 4 : index
    %get3A_159 = arith.constant 0 : index
    %get3A_160 = vector.load %arg5[%get3A_158, %get3A_159] : memref<8x8xf32, #tpu.memory_space<vmem>>, vector<1x8xf32>
    %mul3A_161 = vector.broadcast %div3A_157 : f32 to vector<1x8xf32>
    %mul3A_162 = arith.mulf %mul3A_161, %get3A_160 : vector<1x8xf32>
    %add3A_163 = arith.addf %add3A_136, %mul3A_162 : vector<1x8xf32>
    %get3A_164 = arith.constant 0 : index
    %get3A_165 = arith.constant 5 : index
    %get3A_166 = vector.load %arg3[%get3A_164, %get3A_165] : memref<1x8xf32, #tpu.memory_space<vmem>>, vector<1x1xf32>
    %get3A_167 = vector.extract %get3A_166[0, 0] : f32 from vector<1x1xf32>
    %mul3A_168 = vector.broadcast %get3A_167 : f32 to vector<10000xf32>
    %mul3A_169 = arith.mulf %sub3A, %mul3A_168 : vector<10000xf32>
    %get3A_170 = arith.constant 5 : index
    %get3A_171 = vector.load %arg4[%get3A_170] : memref<8xf32, #tpu.memory_space<vmem>>, vector<1xf32>
    %get3A_172 = vector.extract %get3A_171[0] : f32 from vector<1xf32>
    %add3A_173 = vector.broadcast %get3A_172 : f32 to vector<10000xf32>
    %add3A_174 = arith.addf %mul3A_169, %add3A_173 : vector<10000xf32>
    %max3A_175 = arith.constant 0.000000e+00 : f32
    %max3A_176 = vector.broadcast %max3A_175 : f32 to vector<10000xf32>
    %max3A_177 = arith.maximumf %add3A_174, %max3A_176 : vector<10000xf32>
    %reduce_sum3A_178 = vector.shape_cast %max3A_177 : vector<10000xf32> to vector<1x10000xf32>
    %reduce_sum3A_179 = arith.constant dense<0.000000e+00> : vector<1xf32>
    %reduce_sum3A_180 = vector.multi_reduction <add>, %reduce_sum3A_178, %reduce_sum3A_179 [1] : vector<1x10000xf32> to vector<1xf32>
    %reduce_sum3A_181 = vector.shape_cast %reduce_sum3A_180 : vector<1xf32> to vector<1x1xf32>
    %reduce_sum3A_182 = vector.extract %reduce_sum3A_181[0, 0] : f32 from vector<1x1xf32>
    %div3A_183 = arith.constant 1.000000e+04 : f32
    %div3A_184 = arith.divf %reduce_sum3A_182, %div3A_183 : f32
    %get3A_185 = arith.constant 5 : index
    %get3A_186 = arith.constant 0 : index
    %get3A_187 = vector.load %arg5[%get3A_185, %get3A_186] : memref<8x8xf32, #tpu.memory_space<vmem>>, vector<1x8xf32>
    %mul3A_188 = vector.broadcast %div3A_184 : f32 to vector<1x8xf32>
    %mul3A_189 = arith.mulf %mul3A_188, %get3A_187 : vector<1x8xf32>
    %add3A_190 = arith.addf %add3A_163, %mul3A_189 : vector<1x8xf32>
    %get3A_191 = arith.constant 0 : index
    %get3A_192 = arith.constant 6 : index
    %get3A_193 = vector.load %arg3[%get3A_191, %get3A_192] : memref<1x8xf32, #tpu.memory_space<vmem>>, vector<1x1xf32>
    %get3A_194 = vector.extract %get3A_193[0, 0] : f32 from vector<1x1xf32>
    %mul3A_195 = vector.broadcast %get3A_194 : f32 to vector<10000xf32>
    %mul3A_196 = arith.mulf %sub3A, %mul3A_195 : vector<10000xf32>
    %get3A_197 = arith.constant 6 : index
    %get3A_198 = vector.load %arg4[%get3A_197] : memref<8xf32, #tpu.memory_space<vmem>>, vector<1xf32>
    %get3A_199 = vector.extract %get3A_198[0] : f32 from vector<1xf32>
    %add3A_200 = vector.broadcast %get3A_199 : f32 to vector<10000xf32>
    %add3A_201 = arith.addf %mul3A_196, %add3A_200 : vector<10000xf32>
    %max3A_202 = arith.constant 0.000000e+00 : f32
    %max3A_203 = vector.broadcast %max3A_202 : f32 to vector<10000xf32>
    %max3A_204 = arith.maximumf %add3A_201, %max3A_203 : vector<10000xf32>
    %reduce_sum3A_205 = vector.shape_cast %max3A_204 : vector<10000xf32> to vector<1x10000xf32>
    %reduce_sum3A_206 = arith.constant dense<0.000000e+00> : vector<1xf32>
    %reduce_sum3A_207 = vector.multi_reduction <add>, %reduce_sum3A_205, %reduce_sum3A_206 [1] : vector<1x10000xf32> to vector<1xf32>
    %reduce_sum3A_208 = vector.shape_cast %reduce_sum3A_207 : vector<1xf32> to vector<1x1xf32>
    %reduce_sum3A_209 = vector.extract %reduce_sum3A_208[0, 0] : f32 from vector<1x1xf32>
    %div3A_210 = arith.constant 1.000000e+04 : f32
    %div3A_211 = arith.divf %reduce_sum3A_209, %div3A_210 : f32
    %get3A_212 = arith.constant 6 : index
    %get3A_213 = arith.constant 0 : index
    %get3A_214 = vector.load %arg5[%get3A_212, %get3A_213] : memref<8x8xf32, #tpu.memory_space<vmem>>, vector<1x8xf32>
    %mul3A_215 = vector.broadcast %div3A_211 : f32 to vector<1x8xf32>
    %mul3A_216 = arith.mulf %mul3A_215, %get3A_214 : vector<1x8xf32>
    %add3A_217 = arith.addf %add3A_190, %mul3A_216 : vector<1x8xf32>
    %get3A_218 = arith.constant 0 : index
    %get3A_219 = arith.constant 7 : index
    %get3A_220 = vector.load %arg3[%get3A_218, %get3A_219] : memref<1x8xf32, #tpu.memory_space<vmem>>, vector<1x1xf32>
    %get3A_221 = vector.extract %get3A_220[0, 0] : f32 from vector<1x1xf32>
    %mul3A_222 = vector.broadcast %get3A_221 : f32 to vector<10000xf32>
    %mul3A_223 = arith.mulf %sub3A, %mul3A_222 : vector<10000xf32>
    %get3A_224 = arith.constant 7 : index
    %get3A_225 = vector.load %arg4[%get3A_224] : memref<8xf32, #tpu.memory_space<vmem>>, vector<1xf32>
    %get3A_226 = vector.extract %get3A_225[0] : f32 from vector<1xf32>
    %add3A_227 = vector.broadcast %get3A_226 : f32 to vector<10000xf32>
    %add3A_228 = arith.addf %mul3A_223, %add3A_227 : vector<10000xf32>
    %max3A_229 = arith.constant 0.000000e+00 : f32
    %max3A_230 = vector.broadcast %max3A_229 : f32 to vector<10000xf32>
    %max3A_231 = arith.maximumf %add3A_228, %max3A_230 : vector<10000xf32>
    %reduce_sum3A_232 = vector.shape_cast %max3A_231 : vector<10000xf32> to vector<1x10000xf32>
    %reduce_sum3A_233 = arith.constant dense<0.000000e+00> : vector<1xf32>
    %reduce_sum3A_234 = vector.multi_reduction <add>, %reduce_sum3A_232, %reduce_sum3A_233 [1] : vector<1x10000xf32> to vector<1xf32>
    %reduce_sum3A_235 = vector.shape_cast %reduce_sum3A_234 : vector<1xf32> to vector<1x1xf32>
    %reduce_sum3A_236 = vector.extract %reduce_sum3A_235[0, 0] : f32 from vector<1x1xf32>
    %div3A_237 = arith.constant 1.000000e+04 : f32
    %div3A_238 = arith.divf %reduce_sum3A_236, %div3A_237 : f32
    %get3A_239 = arith.constant 7 : index
    %get3A_240 = arith.constant 0 : index
    %get3A_241 = vector.load %arg5[%get3A_239, %get3A_240] : memref<8x8xf32, #tpu.memory_space<vmem>>, vector<1x8xf32>
    %mul3A_242 = vector.broadcast %div3A_238 : f32 to vector<1x8xf32>
    %mul3A_243 = arith.mulf %mul3A_242, %get3A_241 : vector<1x8xf32>
    %add3A_244 = arith.addf %add3A_217, %mul3A_243 : vector<1x8xf32>
    %swap3A_245 = arith.constant 0 : index
    %swap3A_246 = arith.constant 0 : index
    %swap3A_247 = vector.load %arg9[%swap3A_245, %swap3A_246] : memref<1x8xf32, #tpu.memory_space<vmem>>, vector<1x8xf32>
    tpu.vector_store %arg9[%swap3A_245, %swap3A_246], %add3A_244 {strides = array<i32>} : memref<1x8xf32, #tpu.memory_space<vmem>>, vector<1x8xf32>,
    return
  }
}

module attributes {stable_mosaic.version = 14 : i64} {
  func.func @_mid_body(%arg0: memref<2x10000x64xf32, #tpu.memory_space<vmem>>, %arg1: memref<10000x64xf32, #tpu.memory_space<vmem>>, %arg2: memref<10000xf32, #tpu.memory_space<vmem>>, %arg3: memref<64xf32, #tpu.memory_space<vmem>>, %arg4: memref<64x64xf32, #tpu.memory_space<vmem>>, %arg5: memref<10000x64xf32, #tpu.memory_space<vmem>>) attributes {dimension_semantics = [], scalar_prefetch = 0 : i64, scratch_operands = 0 : i64, tpu.core_type = #tpu.core_type<tc>} {
    %get3A = arith.constant 0 : index
    %get3A_0 = vector.load %arg2[%get3A] : memref<10000xf32, #tpu.memory_space<vmem>>, vector<10000xf32>
    %get3A_1 = arith.constant 0 : index
    %get3A_2 = arith.constant 0 : index
    %get3A_3 = arith.constant 0 : index
    %get3A_4 = vector.load %arg0[%get3A_1, %get3A_2, %get3A_3] : memref<2x10000x64xf32, #tpu.memory_space<vmem>>, vector<1x10000x64xf32>
    %get3A_5 = vector.shape_cast %get3A_4 : vector<1x10000x64xf32> to vector<10000x64xf32>
    %get3A_6 = arith.constant 1 : index
    %get3A_7 = arith.constant 0 : index
    %get3A_8 = arith.constant 0 : index
    %get3A_9 = vector.load %arg0[%get3A_6, %get3A_7, %get3A_8] : memref<2x10000x64xf32, #tpu.memory_space<vmem>>, vector<1x10000x64xf32>
    %get3A_10 = vector.shape_cast %get3A_9 : vector<1x10000x64xf32> to vector<10000x64xf32>
    %add3A = arith.addf %get3A_5, %get3A_10 : vector<10000x64xf32>
    %get3A_11 = arith.constant 0 : index
    %get3A_12 = arith.constant 0 : index
    %get3A_13 = vector.load %arg1[%get3A_11, %get3A_12] : memref<10000x64xf32, #tpu.memory_space<vmem>>, vector<10000x64xf32>
    %add3A_14 = arith.addf %add3A, %get3A_13 : vector<10000x64xf32>
    %broadcast_in_dim3A = vector.shape_cast %get3A_0 : vector<10000xf32> to vector<10000x1xf32>
    %mul3A = vector.broadcast %broadcast_in_dim3A : vector<10000x1xf32> to vector<10000x64xf32>
    %mul3A_15 = arith.mulf %add3A_14, %mul3A : vector<10000x64xf32>
    %get3A_16 = arith.constant 0 : index
    %get3A_17 = vector.load %arg3[%get3A_16] : memref<64xf32, #tpu.memory_space<vmem>>, vector<64xf32>
    %broadcast_in_dim3A_18 = vector.shape_cast %get3A_17 : vector<64xf32> to vector<1x64xf32>
    %add3A_19 = vector.broadcast %broadcast_in_dim3A_18 : vector<1x64xf32> to vector<10000x64xf32>
    %add3A_20 = arith.addf %mul3A_15, %add3A_19 : vector<10000x64xf32>
    %max3A = arith.constant 0.000000e+00 : f32
    %max3A_21 = vector.broadcast %max3A : f32 to vector<10000x64xf32>
    %max3A_22 = arith.maximumf %add3A_20, %max3A_21 : vector<10000x64xf32>
    %get3A_23 = arith.constant 0 : index
    %get3A_24 = arith.constant 0 : index
    %get3A_25 = vector.load %arg4[%get3A_23, %get3A_24] : memref<64x64xf32, #tpu.memory_space<vmem>>, vector<64x64xf32>
    %dot_general3A = arith.constant dense<0.000000e+00> : vector<10000x64xf32>
    %dot_general3A_26 = tpu.matmul %max3A_22, %get3A_25, %dot_general3A {dimension_numbers = #tpu.dot_dimension_numbers<[1], [0], [0], [1], [0, 0, 1, 1], [], []>, transpose_lhs_hint = false} : vector<10000x64xf32>, vector<64x64xf32>, vector<10000x64xf32> -> vector<10000x64xf32>
    %broadcast_in_dim3A_27 = vector.shape_cast %get3A_0 : vector<10000xf32> to vector<10000x1xf32>
    %mul3A_28 = vector.broadcast %broadcast_in_dim3A_27 : vector<10000x1xf32> to vector<10000x64xf32>
    %mul3A_29 = arith.mulf %dot_general3A_26, %mul3A_28 : vector<10000x64xf32>
    %swap3A = arith.constant 0 : index
    %swap3A_30 = arith.constant 0 : index
    %swap3A_31 = vector.load %arg5[%swap3A, %swap3A_30] : memref<10000x64xf32, #tpu.memory_space<vmem>>, vector<10000x64xf32>
    tpu.vector_store %arg5[%swap3A, %swap3A_30], %mul3A_29 {strides = array<i32>} : memref<10000x64xf32, #tpu.memory_space<vmem>>, vector<10000x64xf32>,
    return
  }
}

module attributes {stable_mosaic.version = 14 : i64} {
  func.func @_fin_body(%arg0: memref<2x10000x64xf32, #tpu.memory_space<vmem>>, %arg1: memref<10000x64xf32, #tpu.memory_space<vmem>>, %arg2: memref<10000xf32, #tpu.memory_space<vmem>>, %arg3: memref<64xf32, #tpu.memory_space<vmem>>, %arg4: memref<192x64xf32, #tpu.memory_space<vmem>>, %arg5: memref<64xf32, #tpu.memory_space<vmem>>, %arg6: memref<1x8xf32, #tpu.memory_space<vmem>>, %arg7: memref<5x16xf32, #tpu.memory_space<vmem>>, %arg8: memref<16xf32, #tpu.memory_space<vmem>>, %arg9: memref<16x16xf32, #tpu.memory_space<vmem>>, %arg10: memref<16xf32, #tpu.memory_space<vmem>>, %arg11: memref<88x64xf32, #tpu.memory_space<vmem>>, %arg12: memref<64xf32, #tpu.memory_space<vmem>>, %arg13: memref<1x5xf32, #tpu.memory_space<vmem>>, %arg14: memref<1x64xf32, #tpu.memory_space<vmem>>) attributes {dimension_semantics = [], scalar_prefetch = 0 : i64, scratch_operands = 0 : i64, tpu.core_type = #tpu.core_type<tc>} {
    %get3A = arith.constant 0 : index
    %get3A_0 = vector.load %arg2[%get3A] : memref<10000xf32, #tpu.memory_space<vmem>>, vector<10000xf32>
    %get3A_1 = arith.constant 0 : index
    %get3A_2 = arith.constant 0 : index
    %get3A_3 = arith.constant 0 : index
    %get3A_4 = vector.load %arg0[%get3A_1, %get3A_2, %get3A_3] : memref<2x10000x64xf32, #tpu.memory_space<vmem>>, vector<1x10000x64xf32>
    %get3A_5 = vector.shape_cast %get3A_4 : vector<1x10000x64xf32> to vector<10000x64xf32>
    %get3A_6 = arith.constant 1 : index
    %get3A_7 = arith.constant 0 : index
    %get3A_8 = arith.constant 0 : index
    %get3A_9 = vector.load %arg0[%get3A_6, %get3A_7, %get3A_8] : memref<2x10000x64xf32, #tpu.memory_space<vmem>>, vector<1x10000x64xf32>
    %get3A_10 = vector.shape_cast %get3A_9 : vector<1x10000x64xf32> to vector<10000x64xf32>
    %add3A = arith.addf %get3A_5, %get3A_10 : vector<10000x64xf32>
    %get3A_11 = arith.constant 0 : index
    %get3A_12 = arith.constant 0 : index
    %get3A_13 = vector.load %arg1[%get3A_11, %get3A_12] : memref<10000x64xf32, #tpu.memory_space<vmem>>, vector<10000x64xf32>
    %add3A_14 = arith.addf %add3A, %get3A_13 : vector<10000x64xf32>
    %broadcast_in_dim3A = vector.shape_cast %get3A_0 : vector<10000xf32> to vector<10000x1xf32>
    %mul3A = vector.broadcast %broadcast_in_dim3A : vector<10000x1xf32> to vector<10000x64xf32>
    %mul3A_15 = arith.mulf %add3A_14, %mul3A : vector<10000x64xf32>
    %get3A_16 = arith.constant 0 : index
    %get3A_17 = vector.load %arg3[%get3A_16] : memref<64xf32, #tpu.memory_space<vmem>>, vector<64xf32>
    %broadcast_in_dim3A_18 = vector.shape_cast %get3A_17 : vector<64xf32> to vector<1x64xf32>
    %add3A_19 = vector.broadcast %broadcast_in_dim3A_18 : vector<1x64xf32> to vector<10000x64xf32>
    %add3A_20 = arith.addf %mul3A_15, %add3A_19 : vector<10000x64xf32>
    %max3A = arith.constant 0.000000e+00 : f32
    %max3A_21 = vector.broadcast %max3A : f32 to vector<10000x64xf32>
    %max3A_22 = arith.maximumf %add3A_20, %max3A_21 : vector<10000x64xf32>
    %reduce_sum3A = arith.constant dense<0.000000e+00> : vector<64xf32>
    %reduce_sum3A_23 = vector.multi_reduction <add>, %max3A_22, %reduce_sum3A [0] : vector<10000x64xf32> to vector<64xf32>
    %broadcast_in_dim3A_24 = vector.shape_cast %reduce_sum3A_23 : vector<64xf32> to vector<1x64xf32>
    %div3A = arith.constant 1.000000e+04 : f32
    %div3A_25 = vector.broadcast %div3A : f32 to vector<1x64xf32>
    %div3A_26 = arith.divf %broadcast_in_dim3A_24, %div3A_25 : vector<1x64xf32>
    %reduce_max3A = arith.constant dense<0xFF800000> : vector<64xf32>
    %reduce_max3A_27 = vector.multi_reduction <maximumf>, %max3A_22, %reduce_max3A [0] : vector<10000x64xf32> to vector<64xf32>
    %broadcast_in_dim3A_28 = vector.shape_cast %reduce_max3A_27 : vector<64xf32> to vector<1x64xf32>
    %get3A_29 = arith.constant 0 : index
    %get3A_30 = arith.constant 0 : index
    %get3A_31 = vector.load %arg4[%get3A_29, %get3A_30] : memref<192x64xf32, #tpu.memory_space<vmem>>, vector<192x64xf32>
    %slice3A = vector.extract_strided_slice %get3A_31 {offsets = [0, 0], sizes = [64, 64], strides = [1, 1]} : vector<192x64xf32> to vector<64x64xf32>
    %dot_general3A = arith.constant dense<0.000000e+00> : vector<1x64xf32>
    %dot_general3A_32 = tpu.matmul %div3A_26, %slice3A, %dot_general3A {dimension_numbers = #tpu.dot_dimension_numbers<[1], [0], [0], [1], [0, 0, 1, 1], [], []>, transpose_lhs_hint = false} : vector<1x64xf32>, vector<64x64xf32>, vector<1x64xf32> -> vector<1x64xf32>
    %slice3A_33 = vector.extract_strided_slice %get3A_31 {offsets = [64, 0], sizes = [64, 64], strides = [1, 1]} : vector<192x64xf32> to vector<64x64xf32>
    %dot_general3A_34 = arith.constant dense<0.000000e+00> : vector<1x64xf32>
    %dot_general3A_35 = tpu.matmul %broadcast_in_dim3A_24, %slice3A_33, %dot_general3A_34 {dimension_numbers = #tpu.dot_dimension_numbers<[1], [0], [0], [1], [0, 0, 1, 1], [], []>, transpose_lhs_hint = false} : vector<1x64xf32>, vector<64x64xf32>, vector<1x64xf32> -> vector<1x64xf32>
    %add3A_36 = arith.addf %dot_general3A_32, %dot_general3A_35 : vector<1x64xf32>
    %slice3A_37 = vector.extract_strided_slice %get3A_31 {offsets = [128, 0], sizes = [64, 64], strides = [1, 1]} : vector<192x64xf32> to vector<64x64xf32>
    %dot_general3A_38 = arith.constant dense<0.000000e+00> : vector<1x64xf32>
    %dot_general3A_39 = tpu.matmul %broadcast_in_dim3A_28, %slice3A_37, %dot_general3A_38 {dimension_numbers = #tpu.dot_dimension_numbers<[1], [0], [0], [1], [0, 0, 1, 1], [], []>, transpose_lhs_hint = false} : vector<1x64xf32>, vector<64x64xf32>, vector<1x64xf32> -> vector<1x64xf32>
    %add3A_40 = arith.addf %add3A_36, %dot_general3A_39 : vector<1x64xf32>
    %get3A_41 = arith.constant 0 : index
    %get3A_42 = vector.load %arg5[%get3A_41] : memref<64xf32, #tpu.memory_space<vmem>>, vector<64xf32>
    %broadcast_in_dim3A_43 = vector.shape_cast %get3A_42 : vector<64xf32> to vector<1x64xf32>
    %add3A_44 = arith.addf %add3A_40, %broadcast_in_dim3A_43 : vector<1x64xf32>
    %max3A_45 = arith.constant 0.000000e+00 : f32
    %max3A_46 = vector.broadcast %max3A_45 : f32 to vector<1x64xf32>
    %max3A_47 = arith.maximumf %add3A_44, %max3A_46 : vector<1x64xf32>
    %get3A_48 = arith.constant 0 : index
    %get3A_49 = arith.constant 0 : index
    %get3A_50 = vector.load %arg13[%get3A_48, %get3A_49] : memref<1x5xf32, #tpu.memory_space<vmem>>, vector<1x5xf32>
    %get3A_51 = arith.constant 0 : index
    %get3A_52 = arith.constant 0 : index
    %get3A_53 = vector.load %arg7[%get3A_51, %get3A_52] : memref<5x16xf32, #tpu.memory_space<vmem>>, vector<5x16xf32>
    %dot_general3A_54 = arith.constant dense<0.000000e+00> : vector<1x16xf32>
    %dot_general3A_55 = tpu.matmul %get3A_50, %get3A_53, %dot_general3A_54 {dimension_numbers = #tpu.dot_dimension_numbers<[1], [0], [0], [1], [0, 0, 1, 1], [], []>, transpose_lhs_hint = false} : vector<1x5xf32>, vector<5x16xf32>, vector<1x16xf32> -> vector<1x16xf32>
    %get3A_56 = arith.constant 0 : index
    %get3A_57 = vector.load %arg8[%get3A_56] : memref<16xf32, #tpu.memory_space<vmem>>, vector<16xf32>
    %broadcast_in_dim3A_58 = vector.shape_cast %get3A_57 : vector<16xf32> to vector<1x16xf32>
    %add3A_59 = arith.addf %dot_general3A_55, %broadcast_in_dim3A_58 : vector<1x16xf32>
    %max3A_60 = arith.constant 0.000000e+00 : f32
    %max3A_61 = vector.broadcast %max3A_60 : f32 to vector<1x16xf32>
    %max3A_62 = arith.maximumf %add3A_59, %max3A_61 : vector<1x16xf32>
    %get3A_63 = arith.constant 0 : index
    %get3A_64 = arith.constant 0 : index
    %get3A_65 = vector.load %arg9[%get3A_63, %get3A_64] : memref<16x16xf32, #tpu.memory_space<vmem>>, vector<16x16xf32>
    %dot_general3A_66 = arith.constant dense<0.000000e+00> : vector<1x16xf32>
    %dot_general3A_67 = tpu.matmul %max3A_62, %get3A_65, %dot_general3A_66 {dimension_numbers = #tpu.dot_dimension_numbers<[1], [0], [0], [1], [0, 0, 1, 1], [], []>, transpose_lhs_hint = false} : vector<1x16xf32>, vector<16x16xf32>, vector<1x16xf32> -> vector<1x16xf32>
    %get3A_68 = arith.constant 0 : index
    %get3A_69 = vector.load %arg10[%get3A_68] : memref<16xf32, #tpu.memory_space<vmem>>, vector<16xf32>
    %broadcast_in_dim3A_70 = vector.shape_cast %get3A_69 : vector<16xf32> to vector<1x16xf32>
    %add3A_71 = arith.addf %dot_general3A_67, %broadcast_in_dim3A_70 : vector<1x16xf32>
    %get3A_72 = arith.constant 0 : index
    %get3A_73 = arith.constant 0 : index
    %get3A_74 = vector.load %arg11[%get3A_72, %get3A_73] : memref<88x64xf32, #tpu.memory_space<vmem>>, vector<88x64xf32>
    %slice3A_75 = vector.extract_strided_slice %get3A_74 {offsets = [0, 0], sizes = [64, 64], strides = [1, 1]} : vector<88x64xf32> to vector<64x64xf32>
    %dot_general3A_76 = arith.constant dense<0.000000e+00> : vector<1x64xf32>
    %dot_general3A_77 = tpu.matmul %max3A_47, %slice3A_75, %dot_general3A_76 {dimension_numbers = #tpu.dot_dimension_numbers<[1], [0], [0], [1], [0, 0, 1, 1], [], []>, transpose_lhs_hint = false} : vector<1x64xf32>, vector<64x64xf32>, vector<1x64xf32> -> vector<1x64xf32>
    %get3A_78 = arith.constant 0 : index
    %get3A_79 = arith.constant 0 : index
    %get3A_80 = vector.load %arg6[%get3A_78, %get3A_79] : memref<1x8xf32, #tpu.memory_space<vmem>>, vector<1x8xf32>
    %slice3A_81 = vector.extract_strided_slice %get3A_74 {offsets = [64, 0], sizes = [8, 64], strides = [1, 1]} : vector<88x64xf32> to vector<8x64xf32>
    %dot_general3A_82 = arith.constant dense<0.000000e+00> : vector<1x64xf32>
    %dot_general3A_83 = tpu.matmul %get3A_80, %slice3A_81, %dot_general3A_82 {dimension_numbers = #tpu.dot_dimension_numbers<[1], [0], [0], [1], [0, 0, 1, 1], [], []>, transpose_lhs_hint = false} : vector<1x8xf32>, vector<8x64xf32>, vector<1x64xf32> -> vector<1x64xf32>
    %add3A_84 = arith.addf %dot_general3A_77, %dot_general3A_83 : vector<1x64xf32>
    %slice3A_85 = vector.extract_strided_slice %get3A_74 {offsets = [72, 0], sizes = [16, 64], strides = [1, 1]} : vector<88x64xf32> to vector<16x64xf32>
    %dot_general3A_86 = arith.constant dense<0.000000e+00> : vector<1x64xf32>
    %dot_general3A_87 = tpu.matmul %add3A_71, %slice3A_85, %dot_general3A_86 {dimension_numbers = #tpu.dot_dimension_numbers<[1], [0], [0], [1], [0, 0, 1, 1], [], []>, transpose_lhs_hint = false} : vector<1x16xf32>, vector<16x64xf32>, vector<1x64xf32> -> vector<1x64xf32>
    %add3A_88 = arith.addf %add3A_84, %dot_general3A_87 : vector<1x64xf32>
    %get3A_89 = arith.constant 0 : index
    %get3A_90 = vector.load %arg12[%get3A_89] : memref<64xf32, #tpu.memory_space<vmem>>, vector<64xf32>
    %broadcast_in_dim3A_91 = vector.shape_cast %get3A_90 : vector<64xf32> to vector<1x64xf32>
    %add3A_92 = arith.addf %add3A_88, %broadcast_in_dim3A_91 : vector<1x64xf32>
    %swap3A = arith.constant 0 : index
    %swap3A_93 = arith.constant 0 : index
    %swap3A_94 = vector.load %arg14[%swap3A, %swap3A_93] : memref<1x64xf32, #tpu.memory_space<vmem>>, vector<1x64xf32>
    tpu.vector_store %arg14[%swap3A, %swap3A_93], %add3A_92 {strides = array<i32>} : memref<1x64xf32, #tpu.memory_space<vmem>>, vector<1x64xf32>,
    return
  }
}

</mosaic_0001>

<sc_bundles>
// kernel: kernel.12.cloned.1.call-start
scs
__scs_entry_jumppad:
0x0: {  	(pc) =	sbr.rel $0x88, $3  }
0x1: {  	(tag) =	ssettag $0x0;
	lr =	simm.s32 $0x1  }
0x2: {  	[smem:$0x3F8F] =	sst lr;
	_ =	strace $0xD0000000  }
0x3: {  	_ = 	snop  }
0x4: {  	_ = 	snop  }
0x5: {  	_ = 	snop  }
0x6: {  	_ = 	snop  }
0x7: {  	_ = 	snop  }
__scs_overlays_trampoline_lowered:
0x8: {  	[smem:$0x3F9E] =	sst s0  }
0x9: {  	[smem:$0x3F9F] =	sst s1  }
0xa: {  	[smem:$0x3FA0] =	sst s2  }
0xb: {  	[smem:$0x3FA1] =	sst s3  }
0xc: {  	[smem:$0x3FA2] =	sst s4  }
0xd: {  	[smem:$0x3FA3] =	sst s5  }
0xe: {  	[smem:$0x3FA4] =	sst s6  }
0xf: {  	[smem:$0x3FA5] =	sst s7  }
0x10: {  	[smem:$0x3FA6] =	sst s8  }
0x11: {  	[smem:$0x3FA7] =	sst s9;
	s0 =	simm.s32 @!p0 $0x0  }
0x12: {  	s1 =	sld [smem:$0x3F8D];
	s0 =	simm.s32 @p0 $0x1  }
0x13: {  	[smem:$0x3FA8] =	sst s0;
	s0 =	simm.s32 @!p1 $0x0  }
0x14: {  	s2 =	sld [smem:$0x3F8C];
	s0 =	simm.s32 @p1 $0x1  }
0x15: {  	[smem:$0x3FA9] =	sst s0;
	s0 =	simm.s32 @!p2 $0x0  }
0x16: {  	s3 =	sld [smem:$0x3FDB];
	s0 =	simm.s32 @p2 $0x1  }
0x17: {  	s4 =	simm.s32 $0x1BF5;
	[smem:$0x3FAB] =	sst s0  }
0x18: {  	s0 =	sld [smem:$0x3F8E];
	_ =	swait.ge [sflag:s4], $0x0  }
0x19: {  	s7 =	sld [smem:$0x3F8F]  }
0x1a: {  	s8 =	sadd.s32 $0xFFFFE003, lr  }
0x1b: {  	s9 =	sadd.s32 $0xFFFFFEF7, lr;
	s5 =	simm.s32 $0xFFFFFFFF;
	p2 =	slt.u32 s8, $0xFFFFF086  }
0x1c: {  	p1 =	slt.u32 s9, $0xF7A;
	s5 =	simm.s32 @!p2 $0x0  }
0x1d: {  	s5 =	simm.s32 @p1 $0x1;
	p0 =	seq.s32 s7, s2  }
0x1e: {  	s7 =	smul.u32 @!p0 $0xF7A, s2;
	p2 =	seq.s32 @!p0 s5, $0x0  }
0x1f: {  	s9 =	smul.u32 $0xF7A, s1;
	s8 =	simm.s32 @!p0 $0x1BF5;
	p2 =	por !p2, p0  }
0x20: {  	[sflag:s8] =	ssyncset.s32 @!p0 $0xFFFFF086;
	s6 =	sadd.s32 @!p0 s3, s7;
	s7 =	simm.s32 @!p0 $0x108  }
0x21: {  	s3 =	sadd.s32 s3, s9;
	s6 =	sadd.s32 @!p0 $0x88, s6;
	s7 =	simm.s32 @p2 $0x1082  }
0x22: {  	[simem:s7], [sflag:s8] =	dma.local @!p0 [hbm:s6], $0xF7A  }
0x23: {  	s9 =	sor.u32 $0xD0000000, s2;
	s6 =	simm.s32 $0x108;
	_ =	swait.ge @!p0 [sflag:s8], $0x0  }
0x24: {  	s3 =	sadd.s32 $0x88, s3;
	s6 =	simm.s32 @!p1 $0x1082;
	[sflag:s4] =	ssyncset.s32 $0xFFFFF086  }
0x25: {  	[simem:s6], [sflag:s4] =	dma.local [hbm:s3], $0xF7A  }
0x26: {  	[smem:$0x3F8F] =	sst s1;
	(tag) =	ssettag s2;
	_ =	strace s9  }
0x27: {  	s1 =	sld [smem:$0x3F9F]  }
0x28: {  	s2 =	sld [smem:$0x3FA0]  }
0x29: {  	s4 =	sld [smem:$0x3FA2]  }
0x2a: {  	p0 =	seq.s32 s5, $0x0;
	s5 =	sld [smem:$0x3FA3]  }
0x2b: {  	s6 =	sld [smem:$0x3FA4]  }
0x2c: {  	s7 =	sld [smem:$0x3FA5]  }
0x2d: {  	s3 =	simm.s32 $0x108;
	s8 =	sld [smem:$0x3FA6]  }
0x2e: {  	s3 =	simm.s32 @!p0 $0x1082;
	s9 =	sld [smem:$0x3FA7]  }
0x2f: {  	lr =	sadd.s32 s0, s3;
	s0 =	sld [smem:$0x3F9E]  }
0x30: {  	s3 =	sld [smem:$0x3FA1]  }
0x31: {  	[smem:$0x3FAA] =	sst s10  }
0x32: {  	s10 =	sld [smem:$0x3FA8];
	_ =	sdelay $0x3  }
0x33: {  	p0 =	seq.s32 s10, $0x1;
	s10 =	sld [smem:$0x3FAA];
	_ =	sdelay $0x3  }
0x34: {  	[smem:$0x3FAA] =	sst s10  }
0x35: {  	s10 =	sld [smem:$0x3FA9];
	_ =	sdelay $0x3  }
0x36: {  	p1 =	seq.s32 s10, $0x1;
	s10 =	sld [smem:$0x3FAA];
	_ =	sdelay $0x3  }
0x37: {  	[smem:$0x3FAA] =	sst s10  }
0x38: {  	s10 =	sld [smem:$0x3FAB]  }
0x39: {  	_ = 	snop;
	(pc) =	sbr.ind lr, $3  }
0x3a: {  	_ = 	snop  }
0x3b: {  	_ = 	snop  }
0x3c: {  	p2 =	seq.s32 s10, $0x1;
	s10 =	sld [smem:$0x3FAA]  }
0x3d: {  	_ =	shalt  }
0x3e: {  	_ =	shalt  }
0x3f: {  	_ =	shalt  }
0x40: {  	_ =	shalt  }
0x41: {  	_ =	shalt  }
0x42: {  	_ =	shalt  }
0x43: {  	_ =	shalt  }
0x44: {  	_ =	shalt  }
0x45: {  	_ =	shalt  }
0x46: {  	_ =	shalt  }
0x47: {  	_ =	shalt  }
0x48: {  	_ =	shalt  }
0x49: {  	_ =	shalt  }
0x4a: {  	_ =	shalt  }
0x4b: {  	_ =	shalt  }
0x4c: {  	_ =	shalt  }
0x4d: {  	_ =	shalt  }
0x4e: {  	_ =	shalt  }
0x4f: {  	_ =	shalt  }
0x50: {  	_ =	shalt  }
0x51: {  	_ =	shalt  }
0x52: {  	_ =	shalt  }
0x53: {  	_ =	shalt  }
0x54: {  	_ =	shalt  }
0x55: {  	_ =	shalt  }
0x56: {  	_ =	shalt  }
0x57: {  	_ =	shalt  }
0x58: {  	_ =	shalt  }
0x59: {  	_ =	shalt  }
0x5a: {  	_ =	shalt  }
0x5b: {  	_ =	shalt  }
0x5c: {  	_ =	shalt  }
0x5d: {  	_ =	shalt  }
0x5e: {  	_ =	shalt  }
0x5f: {  	_ =	shalt  }
0x60: {  	_ =	shalt  }
0x61: {  	_ =	shalt  }
0x62: {  	_ =	shalt  }
0x63: {  	_ =	shalt  }
0x64: {  	_ =	shalt  }
0x65: {  	_ =	shalt  }
0x66: {  	_ =	shalt  }
0x67: {  	_ =	shalt  }
0x68: {  	_ =	shalt  }
0x69: {  	_ =	shalt  }
0x6a: {  	_ =	shalt  }
0x6b: {  	_ =	shalt  }
0x6c: {  	_ =	shalt  }
0x6d: {  	_ =	shalt  }
0x6e: {  	_ =	shalt  }
0x6f: {  	_ =	shalt  }
0x70: {  	_ =	shalt  }
0x71: {  	_ =	shalt  }
0x72: {  	_ =	shalt  }
0x73: {  	_ =	shalt  }
0x74: {  	_ =	shalt  }
0x75: {  	_ =	shalt  }
0x76: {  	_ =	shalt  }
0x77: {  	_ =	shalt  }
0x78: {  	_ =	shalt  }
0x79: {  	_ =	shalt  }
0x7a: {  	_ =	shalt  }
0x7b: {  	_ =	shalt  }
0x7c: {  	_ =	shalt  }
0x7d: {  	_ =	shalt  }
0x7e: {  	_ =	shalt  }
0x7f: {  	_ =	shalt  }
0x80: {  	_ =	shalt  }
0x81: {  	_ =	shalt  }
0x82: {  	_ =	shalt  }
0x83: {  	_ =	shalt  }
0x84: {  	_ =	shalt  }
0x85: {  	_ =	shalt  }
0x86: {  	_ =	shalt  }
0x87: {  	_ =	shalt  }
.Lfunc_end0:
.L_simem_size_0:
called_computation.1_lowered:
.L_overlay_start_0:
0x88: {  	s2 =	sld [smem:$0x3FD9]  }
0x89: {  	s3 =	sld [smem:$0x3FFE];
	_ =	sdelay $0x1  }
0x8a: {  	s1 =	srdreg.scid  }
0x8b: {  	s0 =	sand.u32 $0x1, s1  }
0x8c: {  	s16 =	sshll.u32 s0, $0xA;
	s2 =	sadd.s32 s3, s2  }
0x8d: {  	s2 =	sadd.s32 s2, s16  }
0x8e: {  	[smem:$0x3FB6] =	sst s2  }
0x8f: {  	_ = 	snop  }
0x90: {  	(tm) =	ssettm $0x1  }
0x91: {  	s17 =	sld [smem:$0x3FFB];
	_ =	sdelay $0x3  }
0x92: {  	_ =	strace s17  }
0x93: {  	s2 =	sld [smem:$0x3FFC];
	_ =	sdelay $0x3  }
0x94: {  	_ =	strace s2  }
0x95: {  	s2 =	sld [smem:$0x3FFD];
	_ =	sdelay $0x3  }
0x96: {  	_ =	strace s2  }
0x97: {  	_ =	strace $0x8FFFFFFF  }
0x98: {  	s18 =	sld [smem:$0x3FDB];
	_ =	sdelay $0x1  }
0x99: {  	s19 =	simm.s32 $_scs_section_size  }
0x9a: {  	s4 =	simm.s32 $_size__tile_overlayer_lowered;
	s5 =	simm.s32 $_tile_overlayer_lowered  }
0x9b: {  	s22 =	simm.s32 $0x1BFF;
	s21 =	sshll.u32 s5, $0x1;
	s2 =	sadd.s32 s19, s18  }
0x9c: {  	s6 =	simm.s32 $0x0;
	s20 =	sshll.u32 s4, $0x1;
	s4 =	sadd.s32 s21, s2  }
0x9d: {  	[timem:s6], [sflag:s22] =	dma.local [hbm:s4], s20  }
0x9e: {  	_ =	swait.ge [sflag:s22], s20  }
0x9f: {  	s3 =	ssub.s32 $0x0, s20;
	[sflag:s22] =	ssyncset.done $0x0  }
0xa0: {  	[sflag:s22] =	ssyncadd.s32 s3;
	_ =	sdelay $0x1  }
0xa1: {  	s23 =	simm.s32 $0x1B8B  }
0xa2: {  	_ =	swait.ge [sflag:s23], $0x1  }
0xa3: {  	[sflag:s23] =	ssyncset.done $0x0  }
0xa4: {  	s25 =	simm.s32 $0x1B8E;
	s24 =	sld [smem:$0x3FFE];
	[sflag:s23] =	ssyncadd.s32 $0xFFFFFFFF  }
0xa5: {  	s26 =	simm.s32 $execute0_lowered;
	[smem:$0x3FD2] =	sst s25  }
0xa6: {  	s4 =	sshll.u32 s26, $0x1;
	_ =	strace $0x80000049;
	[dreg:$0x1] =	wrdreg $0xFFFFFFFF  }
0xa7: {  	s28 =	simm.s32 $_size_execute0_lowered;
	s2 =	sadd.s32 s2, s4;
	[dreg:$0x0] =	wrdreg $0x0  }
0xa8: {  	s4 =	sshll.u32 s28, $0x1;
	[dreg:$0x2] =	wrdreg s2  }
0xa9: {  	[dreg:$0x3] =	wrdreg s4  }
0xaa: {  	[dreg:$0x4] =	wrdreg $0xC0  }
0xab: {  	_ =	task [dreg:s6], $0x5FFFF  }
0xac: {  	[dreg:$0x1] =	wrdreg $0xFFFFFFFF  }
0xad: {  	[dreg:$0x0] =	wrdreg $0x60  }
0xae: {  	[dreg:$0x2] =	wrdreg s24  }
0xaf: {  	[dreg:$0x3] =	wrdreg $0x150000  }
0xb0: {  	[dreg:$0x4] =	wrdreg $0x9  }
0xb1: {  	_ =	task.clear_ibuf [dreg:s6], $0x5FFFF;
	_ =	strace $0x90000049  }
0xb2: {  	s29 =	simm.s32 $0x9;
	_ =	strace $0x8000004B  }
0xb3: {  	_ =	swait.ge [sflag:s29], $0x1  }
0xb4: {  	[sflag:s29] =	ssyncadd.s32 $0xFFFFFFFF  }
0xb5: {  	_ =	strace $0x9000004B  }
0xb6: {  	_ =	sfence  }
0xb7: {  	s30 =	sld [smem:$0x0];
	_ =	sdelay $0x2  }
0xb8: {  	s31 =	sshll.u32 s1, $0xD;
	s1 =	sshrl.u32 s1, $0x2  }
0xb9: {  	s3 =	sand.u32 $0x4000, s31;
	s1 =	sadd.s32 s1, s30  }
0xba: {  	s0 =	sor.u32 s3, s0;
	s1 =	sshll.u32 s1, $0x11  }
0xbb: {  	s0 =	sor.u32 s1, s0  }
0xbc: {  	s0 =	sadd.s32 $0x8F2B, s0  }
0xbd: {  	[sflag:s0] =	ssyncadd.remote.s32 $0x1  }
0xbe: {  	_ =	sfence.sel $0xFFFF  }
0xbf: {  	[dreg:$0x0] =	wrdreg $0xFFFFFFFF;
	(pc) =	sbr.abs _section_cstart, $3  }
0xc0: {  	[dreg:$0x1] =	wrdreg $0xFFFFFFFF  }
0xc1: {  	_ =	task.clear_ibuf [dreg:s6], $0x2FFFF;
	_ =	strace $0x9FFFFFFF  }
0xc2: {  	(tm) =	ssettm $0x7FFFFFFF  }
0xc3: {  	_ =	shalt  }
tec
execute0_lowered:
.L_overlay_start_1:
0x0: {  	(tag) =	ssettag $0x1  }
0x1: {  	s0 =	srdreg.scid;
	s7 =	rddreg [dreg:$0x0]  }
0x2: {  	s1 =	rddreg [dreg:$0x1];
	s12 =	stileid.u32  }
0x3: {  	s2 =	simm.s32 $0x0;
	s15 =	simm.s32 $0x100;
	s16 =	simm.s32 $0x5000  }
0x4: {  	s17 =	simm.s32 $0x9000;
	s18 =	simm.s32 $0x1;
	s20 =	simm.s32 $0xD000  }
0x5: {  	s21 =	simm.s32 $0x2;
	s24 =	simm.s32 $0x11000;
	s25 =	simm.s32 $0x3  }
0x6: {  	s28 =	simm.s32 $0x5;
	s30 =	simm.s32 $0x4;
	s22 =	simm.s32 $0x7  }
0x7: {  	s23 =	simm.s32 $0x8;
	s0 =	sand.u32 $0x1, s0;
	[smem:$0x7FF] =	sst s2  }
0x8: {  	s6 =	smul.u32 $0x9C40, s12;
	s14 =	sadd.s32 $0x9C400, s1;
	p0 =	sne.s32 s12, $0x0  }
0x9: {  	s31 =	sshll.u32 s12, $0x6;
	s3 =	sshll.u32 s0, $0x4;
	_ =	strace $0x8000004A  }
0xa: {  	s5 =	smul.u32 $0x13880, s0;
	s0 =	ssub.s32 $0x2, s0;
	s14 =	sshrl.u32 @!p0 s14, $0x3  }
0xb: {  	s3 =	sor.u32 s12, s3;
	s26 =	sshrl.u32 s6, $0x3;
	s9 =	sshrl.u32 s0, $0x1  }
0xc: {  	s13 =	sadd.s32 s6, s1;
	s12 =	sor.u32 $0x1C09, s31;
	s4 =	smul.u32 $0x4E2, s3  }
0xd: {  	s3 =	sadd.s32 $0x17000, s7;
	s10 =	sadd.s32 s26, s7;
	s11 =	sadd.s32 s5, s7  }
.Ltmp0:
0xe: {  	s0 =	ssub.s32 s0, s9;
	s13 =	sshrl.u32 s13, $0x3;
	(pc) =	sbr.rel .LBB2_1-.Ltmp0, $4  }
0xf: {  	s26 =	simm.s32 $0x0;
	s6 =	sadd.s32 $0x2AA00, s10;
	s9 =	smax.u32 s0, $0x1  }
0x10: {  	s10 =	simm.s32 $0x9;
	s0 =	simm.s32 $0x6;
	s8 =	sadd.s32 s4, s7  }
0x11: {  	s7 =	sadd.s32 $0x3E280, s7;
	s29 =	sadd.s32 $0xD200, s8;
	s5 =	sadd.s32 $0x3400, s8  }
0x12: {  	v0 =	vimm.s32 $0x0;
	v1 =	vimm.s32 $0x2710;
	s8 =	sadd.s32 $0x3E400, s11;
	s11 =	simm.s32 $0x2800;
	[dreg:$0x3] =	wrdreg s29  }
.LBB2_4:
0x13: {  	_ =	swait.ge [sflag:s30], $0x4000  }
0x14: {  	[sflag:s30] =	ssyncset.done $0x0  }
0x15: {  	[sflag:s30] =	ssyncadd.s32 $0xFFFFC000  }
0x16: {  	[spmem:s1] =	stream.indirect.scatter.add.f32 [tilespmem:s24], [sflag:$0x8], $0x40, s19, s15, $0xb8;
	[tilespmem:$0x1EC60] =	vst v63  }
0x17: {  	_ =	swait.ge [sflag:s28], $0x4000  }
0x18: {  	[sflag:s28] =	ssyncset.done $0x0  }
0x19: {  	[sflag:s28] =	ssyncadd.s32 $0xFFFFC000  }
0x1a: {  	_ =	swait.ge [sflag:s0], $0x4000  }
0x1b: {  	[sflag:s0] =	ssyncset.done $0x0  }
0x1c: {  	[sflag:s0] =	ssyncadd.s32 $0xFFFFC000  }
0x1d: {  	_ =	swait.ge [sflag:s22], $0x4000  }
0x1e: {  	[sflag:s22] =	ssyncset.done $0x0  }
0x1f: {  	[sflag:s22] =	ssyncadd.s32 $0xFFFFC000  }
0x20: {  	_ =	swait.ge [sflag:s23], $0x4000  }
0x21: {  	[sflag:s23] =	ssyncset.done $0x0  }
0x22: {  	s26 =	sadd.s32 $0x1, s26;
	[sflag:s23] =	ssyncadd.s32 $0xFFFFC000  }
0x23: {  	s4 =	sshrl.u32 @!p0 s1, $0x3;
	p1 =	sne.s32 s26, s9;
	[bflag:$0x0] =	sbarrier.arrive $0xFFFF  }
0x24: {  	[hbm:s8], [sflag:s12] =	dma.local @!p0 [spmem:s4], $0x13880  }
.Ltmp1:
0x25: {  	_ = 	snop;
	(pc) =	sbr.rel @!p1 .LBB2_5-.Ltmp1, $4  }
0x26: {  	s4 =	simm.s32 @!p0 $0x9  }
0x27: {  	_ =	swait.ge @!p0 [sflag:s4], $0x13880  }
0x28: {  	[sflag:s4] =	ssyncset.done @!p0 $0x0  }
0x29: {  	[sflag:s4] =	ssyncadd.s32 @!p0 $0xFFFEC780  }
.LBB2_1:
0x2a: {  	s4 =	rddreg [dreg:$0x3]  }
0x2b: {  	[tilespmem:s2], [sflag:$0x9] =	stream.linear.gather [hbm4b:s4+s2], $0x2710, $0x38;
	[tilespmem:$0x1EC60] =	vst v63  }
0x2c: {  	_ =	swait.ge [sflag:s10], $0x2710  }
0x2d: {  	[sflag:s10] =	ssyncset.done $0x0  }
0x2e: {  	[sflag:s10] =	ssyncadd.s32 $0xFFFFD8F0  }
0x2f: {  	[tilespmem:s11], [sflag:$0x9] =	stream.linear.gather [hbm4b:s5+s2], $0x2710, $0x38;
	[tilespmem:$0x1EC60] =	vst v63  }
0x30: {  	_ =	swait.ge [sflag:s10], $0x2710  }
0x31: {  	[sflag:s10] =	ssyncset.done $0x0  }
0x32: {  	[sflag:s10] =	ssyncadd.s32 $0xFFFFD8F0  }
0x33: {  	[tilespmem:$0x2710] =	vst v0  }
0x34: {  	[tilespmem:$0x4F10] =	vst v1  }
0x35: {  	[tilespmem:$0x2720] =	vst v0  }
0x36: {  	[tilespmem:$0x4F20] =	vst v1  }
0x37: {  	[tilespmem:$0x2730] =	vst v0  }
0x38: {  	[tilespmem:$0x4F30] =	vst v1  }
0x39: {  	[tilespmem:$0x2740] =	vst v0  }
0x3a: {  	[tilespmem:$0x4F40] =	vst v1  }
0x3b: {  	[tilespmem:$0x2750] =	vst v0  }
0x3c: {  	[tilespmem:$0x4F50] =	vst v1  }
0x3d: {  	[tilespmem:$0x2760] =	vst v0  }
0x3e: {  	[tilespmem:$0x4F60] =	vst v1  }
0x3f: {  	[tilespmem:$0x2770] =	vst v0  }
0x40: {  	[tilespmem:$0x4F70] =	vst v1  }
0x41: {  	[tilespmem:$0x2780] =	vst v0  }
0x42: {  	[tilespmem:$0x4F80] =	vst v1  }
0x43: {  	[tilespmem:$0x2790] =	vst v0  }
0x44: {  	[tilespmem:$0x4F90] =	vst v1  }
0x45: {  	[tilespmem:$0x27A0] =	vst v0  }
0x46: {  	[tilespmem:$0x4FA0] =	vst v1  }
0x47: {  	[tilespmem:$0x27B0] =	vst v0  }
0x48: {  	[tilespmem:$0x4FB0] =	vst v1  }
0x49: {  	[tilespmem:$0x27C0] =	vst v0  }
0x4a: {  	[tilespmem:$0x4FC0] =	vst v1  }
0x4b: {  	[tilespmem:$0x27D0] =	vst v0  }
0x4c: {  	[tilespmem:$0x4FD0] =	vst v1  }
0x4d: {  	[tilespmem:$0x27E0] =	vst v0  }
0x4e: {  	[tilespmem:$0x4FE0] =	vst v1  }
0x4f: {  	[tilespmem:$0x27F0] =	vst v0  }
0x50: {  	[tilespmem:$0x4FF0] =	vst v1  }
0x51: {  	[spmem:s13], [sflag:s12] =	dma.local [hbm:s6], $0x1388  }
0x52: {  	_ =	swait.ge [sflag:s10], $0x1388  }
0x53: {  	[sflag:s10] =	ssyncset.done $0x0  }
0x54: {  	s19 =	simm.s32 @!p0 $0x9;
	[sflag:s10] =	ssyncadd.s32 $0xFFFFEC78  }
0x55: {  	[spmem:s14], [sflag:s12] =	dma.local @!p0 [hbm:s7], $0x40  }
0x56: {  	_ =	swait.ge @!p0 [sflag:s19], $0x40  }
0x57: {  	[sflag:s19] =	ssyncset.done @!p0 $0x0  }
0x58: {  	[sflag:s19] =	ssyncadd.s32 @!p0 $0xFFFFFFC0  }
0x59: {  	[bflag:$0x0] =	sbarrier.arrive $0xFFFF  }
0x5a: {  	[tilespmem:s16], [sflag:$0x1] =	stream.indirect.gather [hbm4b:s3+s15], $0x40, s2, s15, $0xb8;
	[tilespmem:$0x1EC60] =	vst v63  }
0x5b: {  	_ = 	snop  }
0x5c: {  	[tilespmem:s17], [sflag:$0x2] =	stream.indirect.gather [hbm4b:s3+s15], $0x40, s15, s15, $0xb8;
	[tilespmem:$0x1EC60] =	vst v63  }
0x5d: {  	_ =	swait.ge [sflag:s18], $0x4000  }
0x5e: {  	[sflag:s18] =	ssyncset.done $0x0  }
0x5f: {  	[sflag:s18] =	ssyncadd.s32 $0xFFFFC000  }
0x60: {  	[spmem:s1] =	stream.indirect.scatter.add.f32 [tilespmem:s16], [sflag:$0x5], $0x40, s11, s15, $0xb8;
	[tilespmem:$0x1EC60] =	vst v63  }
0x61: {  	s31 =	simm.s32 $0x200  }
0x62: {  	[tilespmem:s20], [sflag:$0x3] =	stream.indirect.gather [hbm4b:s3+s15], $0x40, s31, s15, $0xb8;
	[tilespmem:$0x1EC60] =	vst v63  }
0x63: {  	_ =	swait.ge [sflag:s21], $0x4000  }
0x64: {  	[sflag:s21] =	ssyncset.done $0x0  }
0x65: {  	s19 =	simm.s32 $0x2900;
	[sflag:s21] =	ssyncadd.s32 $0xFFFFC000  }
0x66: {  	[spmem:s1] =	stream.indirect.scatter.add.f32 [tilespmem:s17], [sflag:$0x6], $0x40, s19, s15, $0xb8;
	[tilespmem:$0x1EC60] =	vst v63  }
0x67: {  	s31 =	simm.s32 $0x300  }
0x68: {  	[tilespmem:s24], [sflag:$0x4] =	stream.indirect.gather [hbm4b:s3+s15], $0x40, s31, s15, $0xb8;
	[tilespmem:$0x1EC60] =	vst v63  }
0x69: {  	_ =	swait.ge [sflag:s25], $0x4000  }
0x6a: {  	[sflag:s25] =	ssyncset.done $0x0  }
0x6b: {  	s19 =	simm.s32 $0x2A00;
	[sflag:s25] =	ssyncadd.s32 $0xFFFFC000  }
0x6c: {  	[spmem:s1] =	stream.indirect.scatter.add.f32 [tilespmem:s20], [sflag:$0x7], $0x40, s19, s15, $0xb8;
	[tilespmem:$0x1EC60] =	vst v63  }
0x6d: {  	_ =	swait.ge [sflag:s28], $0x4000  }
0x6e: {  	[sflag:s28] =	ssyncset.done $0x0  }
0x6f: {  	s31 =	simm.s32 $0x400;
	[sflag:s28] =	ssyncadd.s32 $0xFFFFC000  }
0x70: {  	[tilespmem:s16], [sflag:$0x1] =	stream.indirect.gather [hbm4b:s3+s15], $0x40, s31, s15, $0xb8;
	[tilespmem:$0x1EC60] =	vst v63  }
0x71: {  	_ =	swait.ge [sflag:s30], $0x4000  }
0x72: {  	[sflag:s30] =	ssyncset.done $0x0  }
0x73: {  	s19 =	simm.s32 $0x2B00;
	[sflag:s30] =	ssyncadd.s32 $0xFFFFC000  }
0x74: {  	[spmem:s1] =	stream.indirect.scatter.add.f32 [tilespmem:s24], [sflag:$0x8], $0x40, s19, s15, $0xb8;
	[tilespmem:$0x1EC60] =	vst v63  }
0x75: {  	_ =	swait.ge [sflag:s0], $0x4000  }
0x76: {  	[sflag:s0] =	ssyncset.done $0x0  }
0x77: {  	s29 =	simm.s32 $0x0;
	s31 =	simm.s32 $0x500;
	[sflag:s0] =	ssyncadd.s32 $0xFFFFC000  }
0x78: {  	[tilespmem:s17], [sflag:$0x2] =	stream.indirect.gather [hbm4b:s3+s15], $0x40, s31, s15, $0xb8;
	[tilespmem:$0x1EC60] =	vst v63  }
.LBB2_2:
0x79: {  	_ =	swait.ge [sflag:s18], $0x4000  }
0x7a: {  	s31 =	sshra.s32 s29, $0x2;
	[sflag:s18] =	ssyncset.done $0x0  }
0x7b: {  	s19 =	sadd.s32 $0x2C00, s31;
	[sflag:s18] =	ssyncadd.s32 $0xFFFFC000  }
0x7c: {  	[spmem:s1] =	stream.indirect.scatter.add.f32 [tilespmem:s16], [sflag:$0x5], $0x40, s19, s15, $0xb8;
	[tilespmem:$0x1EC60] =	vst v63  }
0x7d: {  	_ =	swait.ge [sflag:s22], $0x4000  }
0x7e: {  	[sflag:s22] =	ssyncset.done $0x0  }
0x7f: {  	s4 =	sadd.s32 $0x600, s31;
	[sflag:s22] =	ssyncadd.s32 $0xFFFFC000  }
0x80: {  	[tilespmem:s20], [sflag:$0x3] =	stream.indirect.gather [hbm4b:s3+s15], $0x40, s4, s15, $0xb8;
	[tilespmem:$0x1EC60] =	vst v63  }
0x81: {  	_ =	swait.ge [sflag:s21], $0x4000  }
0x82: {  	[sflag:s21] =	ssyncset.done $0x0  }
0x83: {  	s4 =	sadd.s32 $0x2D00, s31;
	[sflag:s21] =	ssyncadd.s32 $0xFFFFC000  }
0x84: {  	[spmem:s1] =	stream.indirect.scatter.add.f32 [tilespmem:s17], [sflag:$0x6], $0x40, s4, s15, $0xb8;
	[tilespmem:$0x1EC60] =	vst v63  }
0x85: {  	_ =	swait.ge [sflag:s23], $0x4000  }
0x86: {  	[sflag:s23] =	ssyncset.done $0x0  }
0x87: {  	p1 =	seq.s32 s29, $0x8000;
	s4 =	sadd.s32 $0x700, s31;
	[sflag:s23] =	ssyncadd.s32 $0xFFFFC000  }
0x88: {  	[tilespmem:s24], [sflag:$0x4] =	stream.indirect.gather [hbm4b:s3+s15], $0x40, s4, s15, $0xb8;
	[tilespmem:$0x1EC60] =	vst v63  }
.Ltmp2:
0x89: {  	_ = 	snop;
	(pc) =	sbr.rel @p1 .LBB2_4-.Ltmp2, $4  }
0x8a: {  	_ =	swait.ge [sflag:s25], $0x4000  }
0x8b: {  	[sflag:s25] =	ssyncset.done $0x0  }
0x8c: {  	s19 =	sadd.s32 $0x2F00, s31;
	s4 =	sadd.s32 $0x2E00, s31;
	[sflag:s25] =	ssyncadd.s32 $0xFFFFC000  }
0x8d: {  	[spmem:s1] =	stream.indirect.scatter.add.f32 [tilespmem:s20], [sflag:$0x7], $0x40, s4, s15, $0xb8;
	[tilespmem:$0x1EC60] =	vst v63  }
0x8e: {  	_ =	swait.ge [sflag:s28], $0x4000  }
0x8f: {  	[sflag:s28] =	ssyncset.done $0x0  }
0x90: {  	s4 =	sadd.s32 $0x800, s31;
	[sflag:s28] =	ssyncadd.s32 $0xFFFFC000  }
0x91: {  	[tilespmem:s16], [sflag:$0x1] =	stream.indirect.gather [hbm4b:s3+s15], $0x40, s4, s15, $0xb8;
	[tilespmem:$0x1EC60] =	vst v63  }
0x92: {  	_ =	swait.ge [sflag:s30], $0x4000  }
0x93: {  	[sflag:s30] =	ssyncset.done $0x0  }
0x94: {  	[sflag:s30] =	ssyncadd.s32 $0xFFFFC000  }
0x95: {  	[spmem:s1] =	stream.indirect.scatter.add.f32 [tilespmem:s24], [sflag:$0x8], $0x40, s19, s15, $0xb8;
	[tilespmem:$0x1EC60] =	vst v63  }
.Ltmp3:
0x96: {  	_ = 	snop;
	(pc) =	sbr.rel .LBB2_2-.Ltmp3, $4  }
0x97: {  	_ =	swait.ge [sflag:s0], $0x4000  }
0x98: {  	[sflag:s0] =	ssyncset.done $0x0  }
0x99: {  	s31 =	sadd.s32 $0x900, s31;
	s29 =	sadd.s32 $0x1000, s29;
	[sflag:s0] =	ssyncadd.s32 $0xFFFFC000  }
0x9a: {  	[tilespmem:s17], [sflag:$0x2] =	stream.indirect.gather [hbm4b:s3+s15], $0x40, s31, s15, $0xb8;
	[tilespmem:$0x1EC60] =	vst v63  }
.LBB2_5:
0x9b: {  	_ =	sfence.sel $0x180000  }
0x9c: {  	[bflag:$0x0] =	sbarrier.arrive $0xFFFF  }
0x9d: {  	_ =	strace $0x9000004A  }
0x9e: {  	[bflag:$0x2] =	sbarrier.arrive $0xFFFF  }
0x9f: {  	s0 =	rddreg [dreg:$0x2]  }
0xa0: {  	s0 =	sadd.s32 @!p0 $0x100000, s0  }
0xa1: {  	[sflag:s0] =	ssyncadd.tile.s32 @!p0 $0x1;
	_ =	shalt  }
.Lfunc_end2:
_tile_overlayer_lowered:
.L_overlay_start_2:
0xa2: {  	(tag) =	ssettag $0x2  }
0xa3: {  	s0 =	rddreg [dreg:$0x0];
	s2 =	stileid.u32  }
0xa4: {  	s1 =	rddreg [dreg:$0x1];
	p0 =	sne.s32 s2, $0x0  }
0xa5: {  	s3 =	rddreg [dreg:$0x2];
	[bflag:$0x3] =	sbarrier.arrive $0xFFFF;
	s2 =	simm.s32 @!p0 $0x1C09  }
0xa6: {  	[timem:s3], [sflag:s2] =	dma.local @!p0 [hbm:s0], s1  }
0xa7: {  	s0 =	simm.s32 @!p0 $0x9  }
0xa8: {  	_ =	swait.ge @!p0 [sflag:s0], s1  }
0xa9: {  	s1 =	ssub.s32 @!p0 $0x0, s1;
	[sflag:s0] =	ssyncset.done @!p0 $0x0  }
0xaa: {  	[sflag:s0] =	ssyncadd.s32 @!p0 s1  }
0xab: {  	[bflag:$0x3] =	sbarrier.arrive $0xFFFF  }
0xac: {  	_ =	shalt  }

// kernel: kernel.15.cloned.1.call-start
scs
__scs_entry_jumppad:
0x0: {  	(pc) =	sbr.rel $0x88, $3  }
0x1: {  	(tag) =	ssettag $0x0;
	lr =	simm.s32 $0x1  }
0x2: {  	[smem:$0x3F8F] =	sst lr;
	_ =	strace $0xD0000000  }
0x3: {  	_ = 	snop  }
0x4: {  	_ = 	snop  }
0x5: {  	_ = 	snop  }
0x6: {  	_ = 	snop  }
0x7: {  	_ = 	snop  }
__scs_overlays_trampoline_lowered:
0x8: {  	[smem:$0x3F9E] =	sst s0  }
0x9: {  	[smem:$0x3F9F] =	sst s1  }
0xa: {  	[smem:$0x3FA0] =	sst s2  }
0xb: {  	[smem:$0x3FA1] =	sst s3  }
0xc: {  	[smem:$0x3FA2] =	sst s4  }
0xd: {  	[smem:$0x3FA3] =	sst s5  }
0xe: {  	[smem:$0x3FA4] =	sst s6  }
0xf: {  	[smem:$0x3FA5] =	sst s7  }
0x10: {  	[smem:$0x3FA6] =	sst s8  }
0x11: {  	[smem:$0x3FA7] =	sst s9;
	s0 =	simm.s32 @!p0 $0x0  }
0x12: {  	s1 =	sld [smem:$0x3F8D];
	s0 =	simm.s32 @p0 $0x1  }
0x13: {  	[smem:$0x3FA8] =	sst s0;
	s0 =	simm.s32 @!p1 $0x0  }
0x14: {  	s2 =	sld [smem:$0x3F8C];
	s0 =	simm.s32 @p1 $0x1  }
0x15: {  	[smem:$0x3FA9] =	sst s0;
	s0 =	simm.s32 @!p2 $0x0  }
0x16: {  	s3 =	sld [smem:$0x3FDB];
	s0 =	simm.s32 @p2 $0x1  }
0x17: {  	s4 =	simm.s32 $0x1BF5;
	[smem:$0x3FAB] =	sst s0  }
0x18: {  	s0 =	sld [smem:$0x3F8E];
	_ =	swait.ge [sflag:s4], $0x0  }
0x19: {  	s7 =	sld [smem:$0x3F8F]  }
0x1a: {  	s8 =	sadd.s32 $0xFFFFE003, lr  }
0x1b: {  	s9 =	sadd.s32 $0xFFFFFEF7, lr;
	s5 =	simm.s32 $0xFFFFFFFF;
	p2 =	slt.u32 s8, $0xFFFFF086  }
0x1c: {  	p1 =	slt.u32 s9, $0xF7A;
	s5 =	simm.s32 @!p2 $0x0  }
0x1d: {  	s5 =	simm.s32 @p1 $0x1;
	p0 =	seq.s32 s7, s2  }
0x1e: {  	s7 =	smul.u32 @!p0 $0xF7A, s2;
	p2 =	seq.s32 @!p0 s5, $0x0  }
0x1f: {  	s9 =	smul.u32 $0xF7A, s1;
	s8 =	simm.s32 @!p0 $0x1BF5;
	p2 =	por !p2, p0  }
0x20: {  	[sflag:s8] =	ssyncset.s32 @!p0 $0xFFFFF086;
	s6 =	sadd.s32 @!p0 s3, s7;
	s7 =	simm.s32 @!p0 $0x108  }
0x21: {  	s3 =	sadd.s32 s3, s9;
	s6 =	sadd.s32 @!p0 $0x88, s6;
	s7 =	simm.s32 @p2 $0x1082  }
0x22: {  	[simem:s7], [sflag:s8] =	dma.local @!p0 [hbm:s6], $0xF7A  }
0x23: {  	s9 =	sor.u32 $0xD0000000, s2;
	s6 =	simm.s32 $0x108;
	_ =	swait.ge @!p0 [sflag:s8], $0x0  }
0x24: {  	s3 =	sadd.s32 $0x88, s3;
	s6 =	simm.s32 @!p1 $0x1082;
	[sflag:s4] =	ssyncset.s32 $0xFFFFF086  }
0x25: {  	[simem:s6], [sflag:s4] =	dma.local [hbm:s3], $0xF7A  }
0x26: {  	[smem:$0x3F8F] =	sst s1;
	(tag) =	ssettag s2;
	_ =	strace s9  }
0x27: {  	s1 =	sld [smem:$0x3F9F]  }
0x28: {  	s2 =	sld [smem:$0x3FA0]  }
0x29: {  	s4 =	sld [smem:$0x3FA2]  }
0x2a: {  	p0 =	seq.s32 s5, $0x0;
	s5 =	sld [smem:$0x3FA3]  }
0x2b: {  	s6 =	sld [smem:$0x3FA4]  }
0x2c: {  	s7 =	sld [smem:$0x3FA5]  }
0x2d: {  	s3 =	simm.s32 $0x108;
	s8 =	sld [smem:$0x3FA6]  }
0x2e: {  	s3 =	simm.s32 @!p0 $0x1082;
	s9 =	sld [smem:$0x3FA7]  }
0x2f: {  	lr =	sadd.s32 s0, s3;
	s0 =	sld [smem:$0x3F9E]  }
0x30: {  	s3 =	sld [smem:$0x3FA1]  }
0x31: {  	[smem:$0x3FAA] =	sst s10  }
0x32: {  	s10 =	sld [smem:$0x3FA8];
	_ =	sdelay $0x3  }
0x33: {  	p0 =	seq.s32 s10, $0x1;
	s10 =	sld [smem:$0x3FAA];
	_ =	sdelay $0x3  }
0x34: {  	[smem:$0x3FAA] =	sst s10  }
0x35: {  	s10 =	sld [smem:$0x3FA9];
	_ =	sdelay $0x3  }
0x36: {  	p1 =	seq.s32 s10, $0x1;
	s10 =	sld [smem:$0x3FAA];
	_ =	sdelay $0x3  }
0x37: {  	[smem:$0x3FAA] =	sst s10  }
0x38: {  	s10 =	sld [smem:$0x3FAB]  }
0x39: {  	_ = 	snop;
	(pc) =	sbr.ind lr, $3  }
0x3a: {  	_ = 	snop  }
0x3b: {  	_ = 	snop  }
0x3c: {  	p2 =	seq.s32 s10, $0x1;
	s10 =	sld [smem:$0x3FAA]  }
0x3d: {  	_ =	shalt  }
0x3e: {  	_ =	shalt  }
0x3f: {  	_ =	shalt  }
0x40: {  	_ =	shalt  }
0x41: {  	_ =	shalt  }
0x42: {  	_ =	shalt  }
0x43: {  	_ =	shalt  }
0x44: {  	_ =	shalt  }
0x45: {  	_ =	shalt  }
0x46: {  	_ =	shalt  }
0x47: {  	_ =	shalt  }
0x48: {  	_ =	shalt  }
0x49: {  	_ =	shalt  }
0x4a: {  	_ =	shalt  }
0x4b: {  	_ =	shalt  }
0x4c: {  	_ =	shalt  }
0x4d: {  	_ =	shalt  }
0x4e: {  	_ =	shalt  }
0x4f: {  	_ =	shalt  }
0x50: {  	_ =	shalt  }
0x51: {  	_ =	shalt  }
0x52: {  	_ =	shalt  }
0x53: {  	_ =	shalt  }
0x54: {  	_ =	shalt  }
0x55: {  	_ =	shalt  }
0x56: {  	_ =	shalt  }
0x57: {  	_ =	shalt  }
0x58: {  	_ =	shalt  }
0x59: {  	_ =	shalt  }
0x5a: {  	_ =	shalt  }
0x5b: {  	_ =	shalt  }
0x5c: {  	_ =	shalt  }
0x5d: {  	_ =	shalt  }
0x5e: {  	_ =	shalt  }
0x5f: {  	_ =	shalt  }
0x60: {  	_ =	shalt  }
0x61: {  	_ =	shalt  }
0x62: {  	_ =	shalt  }
0x63: {  	_ =	shalt  }
0x64: {  	_ =	shalt  }
0x65: {  	_ =	shalt  }
0x66: {  	_ =	shalt  }
0x67: {  	_ =	shalt  }
0x68: {  	_ =	shalt  }
0x69: {  	_ =	shalt  }
0x6a: {  	_ =	shalt  }
0x6b: {  	_ =	shalt  }
0x6c: {  	_ =	shalt  }
0x6d: {  	_ =	shalt  }
0x6e: {  	_ =	shalt  }
0x6f: {  	_ =	shalt  }
0x70: {  	_ =	shalt  }
0x71: {  	_ =	shalt  }
0x72: {  	_ =	shalt  }
0x73: {  	_ =	shalt  }
0x74: {  	_ =	shalt  }
0x75: {  	_ =	shalt  }
0x76: {  	_ =	shalt  }
0x77: {  	_ =	shalt  }
0x78: {  	_ =	shalt  }
0x79: {  	_ =	shalt  }
0x7a: {  	_ =	shalt  }
0x7b: {  	_ =	shalt  }
0x7c: {  	_ =	shalt  }
0x7d: {  	_ =	shalt  }
0x7e: {  	_ =	shalt  }
0x7f: {  	_ =	shalt  }
0x80: {  	_ =	shalt  }
0x81: {  	_ =	shalt  }
0x82: {  	_ =	shalt  }
0x83: {  	_ =	shalt  }
0x84: {  	_ =	shalt  }
0x85: {  	_ =	shalt  }
0x86: {  	_ =	shalt  }
0x87: {  	_ =	shalt  }
.Lfunc_end0:
.L_simem_size_0:
called_computation.2_lowered:
.L_overlay_start_0:
0x88: {  	s2 =	sld [smem:$0x3FD9]  }
0x89: {  	s3 =	sld [smem:$0x3FFE];
	_ =	sdelay $0x1  }
0x8a: {  	s1 =	srdreg.scid  }
0x8b: {  	s0 =	sand.u32 $0x1, s1  }
0x8c: {  	s16 =	sshll.u32 s0, $0xA;
	s2 =	sadd.s32 s3, s2  }
0x8d: {  	s2 =	sadd.s32 s2, s16  }
0x8e: {  	[smem:$0x3FB6] =	sst s2  }
0x8f: {  	_ = 	snop  }
0x90: {  	(tm) =	ssettm $0x1  }
0x91: {  	s17 =	sld [smem:$0x3FFB];
	_ =	sdelay $0x3  }
0x92: {  	_ =	strace s17  }
0x93: {  	s2 =	sld [smem:$0x3FFC];
	_ =	sdelay $0x3  }
0x94: {  	_ =	strace s2  }
0x95: {  	s2 =	sld [smem:$0x3FFD];
	_ =	sdelay $0x3  }
0x96: {  	_ =	strace s2  }
0x97: {  	_ =	strace $0x8FFFFFFF  }
0x98: {  	s18 =	sld [smem:$0x3FDB];
	_ =	sdelay $0x1  }
0x99: {  	s19 =	simm.s32 $_scs_section_size  }
0x9a: {  	s4 =	simm.s32 $_size__tile_overlayer_lowered;
	s5 =	simm.s32 $_tile_overlayer_lowered  }
0x9b: {  	s22 =	simm.s32 $0x1BFF;
	s21 =	sshll.u32 s5, $0x1;
	s2 =	sadd.s32 s19, s18  }
0x9c: {  	s6 =	simm.s32 $0x0;
	s20 =	sshll.u32 s4, $0x1;
	s4 =	sadd.s32 s21, s2  }
0x9d: {  	[timem:s6], [sflag:s22] =	dma.local [hbm:s4], s20  }
0x9e: {  	_ =	swait.ge [sflag:s22], s20  }
0x9f: {  	s3 =	ssub.s32 $0x0, s20;
	[sflag:s22] =	ssyncset.done $0x0  }
0xa0: {  	[sflag:s22] =	ssyncadd.s32 s3;
	_ =	sdelay $0x1  }
0xa1: {  	s23 =	simm.s32 $0x1B8B  }
0xa2: {  	_ =	swait.ge [sflag:s23], $0x1  }
0xa3: {  	[sflag:s23] =	ssyncset.done $0x0  }
0xa4: {  	s25 =	simm.s32 $0x1B8E;
	s24 =	sld [smem:$0x3FFE];
	[sflag:s23] =	ssyncadd.s32 $0xFFFFFFFF  }
0xa5: {  	s26 =	simm.s32 $execute0_lowered;
	[smem:$0x3FD2] =	sst s25  }
0xa6: {  	s4 =	sshll.u32 s26, $0x1;
	_ =	strace $0x8000004C;
	[dreg:$0x1] =	wrdreg $0xFFFFFFFF  }
0xa7: {  	s28 =	simm.s32 $_size_execute0_lowered;
	s2 =	sadd.s32 s2, s4;
	[dreg:$0x0] =	wrdreg $0x0  }
0xa8: {  	s4 =	sshll.u32 s28, $0x1;
	[dreg:$0x2] =	wrdreg s2  }
0xa9: {  	[dreg:$0x3] =	wrdreg s4  }
0xaa: {  	[dreg:$0x4] =	wrdreg $0xC0  }
0xab: {  	_ =	task [dreg:s6], $0x5FFFF  }
0xac: {  	[dreg:$0x1] =	wrdreg $0xFFFFFFFF  }
0xad: {  	[dreg:$0x0] =	wrdreg $0x60  }
0xae: {  	[dreg:$0x2] =	wrdreg s24  }
0xaf: {  	[dreg:$0x3] =	wrdreg $0x150000  }
0xb0: {  	[dreg:$0x4] =	wrdreg $0x9  }
0xb1: {  	_ =	task.clear_ibuf [dreg:s6], $0x5FFFF;
	_ =	strace $0x9000004C  }
0xb2: {  	s29 =	simm.s32 $0x9;
	_ =	strace $0x8000004E  }
0xb3: {  	_ =	swait.ge [sflag:s29], $0x1  }
0xb4: {  	[sflag:s29] =	ssyncadd.s32 $0xFFFFFFFF  }
0xb5: {  	_ =	strace $0x9000004E  }
0xb6: {  	_ =	sfence  }
0xb7: {  	s30 =	sld [smem:$0x0];
	_ =	sdelay $0x2  }
0xb8: {  	s31 =	sshll.u32 s1, $0xD;
	s1 =	sshrl.u32 s1, $0x2  }
0xb9: {  	s3 =	sand.u32 $0x4000, s31;
	s1 =	sadd.s32 s1, s30  }
0xba: {  	s0 =	sor.u32 s3, s0;
	s1 =	sshll.u32 s1, $0x11  }
0xbb: {  	s0 =	sor.u32 s1, s0  }
0xbc: {  	s0 =	sadd.s32 $0x8F2B, s0  }
0xbd: {  	[sflag:s0] =	ssyncadd.remote.s32 $0x1  }
0xbe: {  	_ =	sfence.sel $0xFFFF  }
0xbf: {  	[dreg:$0x0] =	wrdreg $0xFFFFFFFF;
	(pc) =	sbr.abs _section_cstart, $3  }
0xc0: {  	[dreg:$0x1] =	wrdreg $0xFFFFFFFF  }
0xc1: {  	_ =	task.clear_ibuf [dreg:s6], $0x2FFFF;
	_ =	strace $0x9FFFFFFF  }
0xc2: {  	(tm) =	ssettm $0x7FFFFFFF  }
0xc3: {  	_ =	shalt  }
tec
execute0_lowered:
.L_overlay_start_1:
0x0: {  	(tag) =	ssettag $0x1  }
0x1: {  	s0 =	srdreg.scid;
	s7 =	rddreg [dreg:$0x0]  }
0x2: {  	s1 =	rddreg [dreg:$0x1];
	s12 =	stileid.u32  }
0x3: {  	s2 =	simm.s32 $0x0;
	s15 =	simm.s32 $0x100;
	s16 =	simm.s32 $0x5000  }
0x4: {  	s17 =	simm.s32 $0x9000;
	s18 =	simm.s32 $0x1;
	s20 =	simm.s32 $0xD000  }
0x5: {  	s21 =	simm.s32 $0x2;
	s24 =	simm.s32 $0x11000;
	s25 =	simm.s32 $0x3  }
0x6: {  	s28 =	simm.s32 $0x5;
	s30 =	simm.s32 $0x4;
	s22 =	simm.s32 $0x7  }
0x7: {  	s23 =	simm.s32 $0x8;
	s0 =	sand.u32 $0x1, s0;
	[smem:$0x7FF] =	sst s2  }
0x8: {  	s6 =	smul.u32 $0x9C40, s12;
	s14 =	sadd.s32 $0x9C400, s1;
	p0 =	sne.s32 s12, $0x0  }
0x9: {  	s31 =	sshll.u32 s12, $0x6;
	s3 =	sshll.u32 s0, $0x4;
	_ =	strace $0x8000004D  }
0xa: {  	s5 =	smul.u32 $0x13880, s0;
	s0 =	ssub.s32 $0x2, s0;
	s14 =	sshrl.u32 @!p0 s14, $0x3  }
0xb: {  	s3 =	sor.u32 s12, s3;
	s26 =	sshrl.u32 s6, $0x3;
	s9 =	sshrl.u32 s0, $0x1  }
0xc: {  	s13 =	sadd.s32 s6, s1;
	s12 =	sor.u32 $0x1C09, s31;
	s4 =	smul.u32 $0x4E2, s3  }
0xd: {  	s3 =	sadd.s32 $0x17000, s7;
	s10 =	sadd.s32 s26, s7;
	s11 =	sadd.s32 s5, s7  }
.Ltmp0:
0xe: {  	s0 =	ssub.s32 s0, s9;
	s13 =	sshrl.u32 s13, $0x3;
	(pc) =	sbr.rel .LBB2_1-.Ltmp0, $4  }
0xf: {  	s26 =	simm.s32 $0x0;
	s6 =	sadd.s32 $0x2AA00, s10;
	s9 =	smax.u32 s0, $0x1  }
0x10: {  	s10 =	simm.s32 $0x9;
	s0 =	simm.s32 $0x6;
	s8 =	sadd.s32 s4, s7  }
0x11: {  	s7 =	sadd.s32 $0x3E280, s7;
	s29 =	sadd.s32 $0xD200, s8;
	s5 =	sadd.s32 $0x3400, s8  }
0x12: {  	v0 =	vimm.s32 $0x0;
	v1 =	vimm.s32 $0x2710;
	s8 =	sadd.s32 $0x3E400, s11;
	s11 =	simm.s32 $0x2800;
	[dreg:$0x3] =	wrdreg s29  }
.LBB2_4:
0x13: {  	_ =	swait.ge [sflag:s30], $0x4000  }
0x14: {  	[sflag:s30] =	ssyncset.done $0x0  }
0x15: {  	[sflag:s30] =	ssyncadd.s32 $0xFFFFC000  }
0x16: {  	[spmem:s1] =	stream.indirect.scatter.add.f32 [tilespmem:s24], [sflag:$0x8], $0x40, s19, s15, $0xb8;
	[tilespmem:$0x1EC60] =	vst v63  }
0x17: {  	_ =	swait.ge [sflag:s28], $0x4000  }
0x18: {  	[sflag:s28] =	ssyncset.done $0x0  }
0x19: {  	[sflag:s28] =	ssyncadd.s32 $0xFFFFC000  }
0x1a: {  	_ =	swait.ge [sflag:s0], $0x4000  }
0x1b: {  	[sflag:s0] =	ssyncset.done $0x0  }
0x1c: {  	[sflag:s0] =	ssyncadd.s32 $0xFFFFC000  }
0x1d: {  	_ =	swait.ge [sflag:s22], $0x4000  }
0x1e: {  	[sflag:s22] =	ssyncset.done $0x0  }
0x1f: {  	[sflag:s22] =	ssyncadd.s32 $0xFFFFC000  }
0x20: {  	_ =	swait.ge [sflag:s23], $0x4000  }
0x21: {  	[sflag:s23] =	ssyncset.done $0x0  }
0x22: {  	s26 =	sadd.s32 $0x1, s26;
	[sflag:s23] =	ssyncadd.s32 $0xFFFFC000  }
0x23: {  	s4 =	sshrl.u32 @!p0 s1, $0x3;
	p1 =	sne.s32 s26, s9;
	[bflag:$0x0] =	sbarrier.arrive $0xFFFF  }
0x24: {  	[hbm:s8], [sflag:s12] =	dma.local @!p0 [spmem:s4], $0x13880  }
.Ltmp1:
0x25: {  	_ = 	snop;
	(pc) =	sbr.rel @!p1 .LBB2_5-.Ltmp1, $4  }
0x26: {  	s4 =	simm.s32 @!p0 $0x9  }
0x27: {  	_ =	swait.ge @!p0 [sflag:s4], $0x13880  }
0x28: {  	[sflag:s4] =	ssyncset.done @!p0 $0x0  }
0x29: {  	[sflag:s4] =	ssyncadd.s32 @!p0 $0xFFFEC780  }
.LBB2_1:
0x2a: {  	s4 =	rddreg [dreg:$0x3]  }
0x2b: {  	[tilespmem:s2], [sflag:$0x9] =	stream.linear.gather [hbm4b:s4+s2], $0x2710, $0x38;
	[tilespmem:$0x1EC60] =	vst v63  }
0x2c: {  	_ =	swait.ge [sflag:s10], $0x2710  }
0x2d: {  	[sflag:s10] =	ssyncset.done $0x0  }
0x2e: {  	[sflag:s10] =	ssyncadd.s32 $0xFFFFD8F0  }
0x2f: {  	[tilespmem:s11], [sflag:$0x9] =	stream.linear.gather [hbm4b:s5+s2], $0x2710, $0x38;
	[tilespmem:$0x1EC60] =	vst v63  }
0x30: {  	_ =	swait.ge [sflag:s10], $0x2710  }
0x31: {  	[sflag:s10] =	ssyncset.done $0x0  }
0x32: {  	[sflag:s10] =	ssyncadd.s32 $0xFFFFD8F0  }
0x33: {  	[tilespmem:$0x2710] =	vst v0  }
0x34: {  	[tilespmem:$0x4F10] =	vst v1  }
0x35: {  	[tilespmem:$0x2720] =	vst v0  }
0x36: {  	[tilespmem:$0x4F20] =	vst v1  }
0x37: {  	[tilespmem:$0x2730] =	vst v0  }
0x38: {  	[tilespmem:$0x4F30] =	vst v1  }
0x39: {  	[tilespmem:$0x2740] =	vst v0  }
0x3a: {  	[tilespmem:$0x4F40] =	vst v1  }
0x3b: {  	[tilespmem:$0x2750] =	vst v0  }
0x3c: {  	[tilespmem:$0x4F50] =	vst v1  }
0x3d: {  	[tilespmem:$0x2760] =	vst v0  }
0x3e: {  	[tilespmem:$0x4F60] =	vst v1  }
0x3f: {  	[tilespmem:$0x2770] =	vst v0  }
0x40: {  	[tilespmem:$0x4F70] =	vst v1  }
0x41: {  	[tilespmem:$0x2780] =	vst v0  }
0x42: {  	[tilespmem:$0x4F80] =	vst v1  }
0x43: {  	[tilespmem:$0x2790] =	vst v0  }
0x44: {  	[tilespmem:$0x4F90] =	vst v1  }
0x45: {  	[tilespmem:$0x27A0] =	vst v0  }
0x46: {  	[tilespmem:$0x4FA0] =	vst v1  }
0x47: {  	[tilespmem:$0x27B0] =	vst v0  }
0x48: {  	[tilespmem:$0x4FB0] =	vst v1  }
0x49: {  	[tilespmem:$0x27C0] =	vst v0  }
0x4a: {  	[tilespmem:$0x4FC0] =	vst v1  }
0x4b: {  	[tilespmem:$0x27D0] =	vst v0  }
0x4c: {  	[tilespmem:$0x4FD0] =	vst v1  }
0x4d: {  	[tilespmem:$0x27E0] =	vst v0  }
0x4e: {  	[tilespmem:$0x4FE0] =	vst v1  }
0x4f: {  	[tilespmem:$0x27F0] =	vst v0  }
0x50: {  	[tilespmem:$0x4FF0] =	vst v1  }
0x51: {  	[spmem:s13], [sflag:s12] =	dma.local [hbm:s6], $0x1388  }
0x52: {  	_ =	swait.ge [sflag:s10], $0x1388  }
0x53: {  	[sflag:s10] =	ssyncset.done $0x0  }
0x54: {  	s19 =	simm.s32 @!p0 $0x9;
	[sflag:s10] =	ssyncadd.s32 $0xFFFFEC78  }
0x55: {  	[spmem:s14], [sflag:s12] =	dma.local @!p0 [hbm:s7], $0x40  }
0x56: {  	_ =	swait.ge @!p0 [sflag:s19], $0x40  }
0x57: {  	[sflag:s19] =	ssyncset.done @!p0 $0x0  }
0x58: {  	[sflag:s19] =	ssyncadd.s32 @!p0 $0xFFFFFFC0  }
0x59: {  	[bflag:$0x0] =	sbarrier.arrive $0xFFFF  }
0x5a: {  	[tilespmem:s16], [sflag:$0x1] =	stream.indirect.gather [hbm4b:s3+s15], $0x40, s2, s15, $0xb8;
	[tilespmem:$0x1EC60] =	vst v63  }
0x5b: {  	_ = 	snop  }
0x5c: {  	[tilespmem:s17], [sflag:$0x2] =	stream.indirect.gather [hbm4b:s3+s15], $0x40, s15, s15, $0xb8;
	[tilespmem:$0x1EC60] =	vst v63  }
0x5d: {  	_ =	swait.ge [sflag:s18], $0x4000  }
0x5e: {  	[sflag:s18] =	ssyncset.done $0x0  }
0x5f: {  	[sflag:s18] =	ssyncadd.s32 $0xFFFFC000  }
0x60: {  	[spmem:s1] =	stream.indirect.scatter.add.f32 [tilespmem:s16], [sflag:$0x5], $0x40, s11, s15, $0xb8;
	[tilespmem:$0x1EC60] =	vst v63  }
0x61: {  	s31 =	simm.s32 $0x200  }
0x62: {  	[tilespmem:s20], [sflag:$0x3] =	stream.indirect.gather [hbm4b:s3+s15], $0x40, s31, s15, $0xb8;
	[tilespmem:$0x1EC60] =	vst v63  }
0x63: {  	_ =	swait.ge [sflag:s21], $0x4000  }
0x64: {  	[sflag:s21] =	ssyncset.done $0x0  }
0x65: {  	s19 =	simm.s32 $0x2900;
	[sflag:s21] =	ssyncadd.s32 $0xFFFFC000  }
0x66: {  	[spmem:s1] =	stream.indirect.scatter.add.f32 [tilespmem:s17], [sflag:$0x6], $0x40, s19, s15, $0xb8;
	[tilespmem:$0x1EC60] =	vst v63  }
0x67: {  	s31 =	simm.s32 $0x300  }
0x68: {  	[tilespmem:s24], [sflag:$0x4] =	stream.indirect.gather [hbm4b:s3+s15], $0x40, s31, s15, $0xb8;
	[tilespmem:$0x1EC60] =	vst v63  }
0x69: {  	_ =	swait.ge [sflag:s25], $0x4000  }
0x6a: {  	[sflag:s25] =	ssyncset.done $0x0  }
0x6b: {  	s19 =	simm.s32 $0x2A00;
	[sflag:s25] =	ssyncadd.s32 $0xFFFFC000  }
0x6c: {  	[spmem:s1] =	stream.indirect.scatter.add.f32 [tilespmem:s20], [sflag:$0x7], $0x40, s19, s15, $0xb8;
	[tilespmem:$0x1EC60] =	vst v63  }
0x6d: {  	_ =	swait.ge [sflag:s28], $0x4000  }
0x6e: {  	[sflag:s28] =	ssyncset.done $0x0  }
0x6f: {  	s31 =	simm.s32 $0x400;
	[sflag:s28] =	ssyncadd.s32 $0xFFFFC000  }
0x70: {  	[tilespmem:s16], [sflag:$0x1] =	stream.indirect.gather [hbm4b:s3+s15], $0x40, s31, s15, $0xb8;
	[tilespmem:$0x1EC60] =	vst v63  }
0x71: {  	_ =	swait.ge [sflag:s30], $0x4000  }
0x72: {  	[sflag:s30] =	ssyncset.done $0x0  }
0x73: {  	s19 =	simm.s32 $0x2B00;
	[sflag:s30] =	ssyncadd.s32 $0xFFFFC000  }
0x74: {  	[spmem:s1] =	stream.indirect.scatter.add.f32 [tilespmem:s24], [sflag:$0x8], $0x40, s19, s15, $0xb8;
	[tilespmem:$0x1EC60] =	vst v63  }
0x75: {  	_ =	swait.ge [sflag:s0], $0x4000  }
0x76: {  	[sflag:s0] =	ssyncset.done $0x0  }
0x77: {  	s29 =	simm.s32 $0x0;
	s31 =	simm.s32 $0x500;
	[sflag:s0] =	ssyncadd.s32 $0xFFFFC000  }
0x78: {  	[tilespmem:s17], [sflag:$0x2] =	stream.indirect.gather [hbm4b:s3+s15], $0x40, s31, s15, $0xb8;
	[tilespmem:$0x1EC60] =	vst v63  }
.LBB2_2:
0x79: {  	_ =	swait.ge [sflag:s18], $0x4000  }
0x7a: {  	s31 =	sshra.s32 s29, $0x2;
	[sflag:s18] =	ssyncset.done $0x0  }
0x7b: {  	s19 =	sadd.s32 $0x2C00, s31;
	[sflag:s18] =	ssyncadd.s32 $0xFFFFC000  }
0x7c: {  	[spmem:s1] =	stream.indirect.scatter.add.f32 [tilespmem:s16], [sflag:$0x5], $0x40, s19, s15, $0xb8;
	[tilespmem:$0x1EC60] =	vst v63  }
0x7d: {  	_ =	swait.ge [sflag:s22], $0x4000  }
0x7e: {  	[sflag:s22] =	ssyncset.done $0x0  }
0x7f: {  	s4 =	sadd.s32 $0x600, s31;
	[sflag:s22] =	ssyncadd.s32 $0xFFFFC000  }
0x80: {  	[tilespmem:s20], [sflag:$0x3] =	stream.indirect.gather [hbm4b:s3+s15], $0x40, s4, s15, $0xb8;
	[tilespmem:$0x1EC60] =	vst v63  }
0x81: {  	_ =	swait.ge [sflag:s21], $0x4000  }
0x82: {  	[sflag:s21] =	ssyncset.done $0x0  }
0x83: {  	s4 =	sadd.s32 $0x2D00, s31;
	[sflag:s21] =	ssyncadd.s32 $0xFFFFC000  }
0x84: {  	[spmem:s1] =	stream.indirect.scatter.add.f32 [tilespmem:s17], [sflag:$0x6], $0x40, s4, s15, $0xb8;
	[tilespmem:$0x1EC60] =	vst v63  }
0x85: {  	_ =	swait.ge [sflag:s23], $0x4000  }
0x86: {  	[sflag:s23] =	ssyncset.done $0x0  }
0x87: {  	p1 =	seq.s32 s29, $0x8000;
	s4 =	sadd.s32 $0x700, s31;
	[sflag:s23] =	ssyncadd.s32 $0xFFFFC000  }
0x88: {  	[tilespmem:s24], [sflag:$0x4] =	stream.indirect.gather [hbm4b:s3+s15], $0x40, s4, s15, $0xb8;
	[tilespmem:$0x1EC60] =	vst v63  }
.Ltmp2:
0x89: {  	_ = 	snop;
	(pc) =	sbr.rel @p1 .LBB2_4-.Ltmp2, $4  }
0x8a: {  	_ =	swait.ge [sflag:s25], $0x4000  }
0x8b: {  	[sflag:s25] =	ssyncset.done $0x0  }
0x8c: {  	s19 =	sadd.s32 $0x2F00, s31;
	s4 =	sadd.s32 $0x2E00, s31;
	[sflag:s25] =	ssyncadd.s32 $0xFFFFC000  }
0x8d: {  	[spmem:s1] =	stream.indirect.scatter.add.f32 [tilespmem:s20], [sflag:$0x7], $0x40, s4, s15, $0xb8;
	[tilespmem:$0x1EC60] =	vst v63  }
0x8e: {  	_ =	swait.ge [sflag:s28], $0x4000  }
0x8f: {  	[sflag:s28] =	ssyncset.done $0x0  }
0x90: {  	s4 =	sadd.s32 $0x800, s31;
	[sflag:s28] =	ssyncadd.s32 $0xFFFFC000  }
0x91: {  	[tilespmem:s16], [sflag:$0x1] =	stream.indirect.gather [hbm4b:s3+s15], $0x40, s4, s15, $0xb8;
	[tilespmem:$0x1EC60] =	vst v63  }
0x92: {  	_ =	swait.ge [sflag:s30], $0x4000  }
0x93: {  	[sflag:s30] =	ssyncset.done $0x0  }
0x94: {  	[sflag:s30] =	ssyncadd.s32 $0xFFFFC000  }
0x95: {  	[spmem:s1] =	stream.indirect.scatter.add.f32 [tilespmem:s24], [sflag:$0x8], $0x40, s19, s15, $0xb8;
	[tilespmem:$0x1EC60] =	vst v63  }
.Ltmp3:
0x96: {  	_ = 	snop;
	(pc) =	sbr.rel .LBB2_2-.Ltmp3, $4  }
0x97: {  	_ =	swait.ge [sflag:s0], $0x4000  }
0x98: {  	[sflag:s0] =	ssyncset.done $0x0  }
0x99: {  	s31 =	sadd.s32 $0x900, s31;
	s29 =	sadd.s32 $0x1000, s29;
	[sflag:s0] =	ssyncadd.s32 $0xFFFFC000  }
0x9a: {  	[tilespmem:s17], [sflag:$0x2] =	stream.indirect.gather [hbm4b:s3+s15], $0x40, s31, s15, $0xb8;
	[tilespmem:$0x1EC60] =	vst v63  }
.LBB2_5:
0x9b: {  	_ =	sfence.sel $0x180000  }
0x9c: {  	[bflag:$0x0] =	sbarrier.arrive $0xFFFF  }
0x9d: {  	_ =	strace $0x9000004D  }
0x9e: {  	[bflag:$0x2] =	sbarrier.arrive $0xFFFF  }
0x9f: {  	s0 =	rddreg [dreg:$0x2]  }
0xa0: {  	s0 =	sadd.s32 @!p0 $0x100000, s0  }
0xa1: {  	[sflag:s0] =	ssyncadd.tile.s32 @!p0 $0x1;
	_ =	shalt  }
.Lfunc_end2:
_tile_overlayer_lowered:
.L_overlay_start_2:
0xa2: {  	(tag) =	ssettag $0x2  }
0xa3: {  	s0 =	rddreg [dreg:$0x0];
	s2 =	stileid.u32  }
0xa4: {  	s1 =	rddreg [dreg:$0x1];
	p0 =	sne.s32 s2, $0x0  }
0xa5: {  	s3 =	rddreg [dreg:$0x2];
	[bflag:$0x3] =	sbarrier.arrive $0xFFFF;
	s2 =	simm.s32 @!p0 $0x1C09  }
0xa6: {  	[timem:s3], [sflag:s2] =	dma.local @!p0 [hbm:s0], s1  }
0xa7: {  	s0 =	simm.s32 @!p0 $0x9  }
0xa8: {  	_ =	swait.ge @!p0 [sflag:s0], s1  }
0xa9: {  	s1 =	ssub.s32 @!p0 $0x0, s1;
	[sflag:s0] =	ssyncset.done @!p0 $0x0  }
0xaa: {  	[sflag:s0] =	ssyncadd.s32 @!p0 s1  }
0xab: {  	[bflag:$0x3] =	sbarrier.arrive $0xFFFF  }
0xac: {  	_ =	shalt  }

// kernel: kernel.9.cloned.1.call-start
scs
__scs_entry_jumppad:
0x0: {  	(pc) =	sbr.rel $0x88, $3  }
0x1: {  	(tag) =	ssettag $0x0;
	lr =	simm.s32 $0x1  }
0x2: {  	[smem:$0x3F8F] =	sst lr;
	_ =	strace $0xD0000000  }
0x3: {  	_ = 	snop  }
0x4: {  	_ = 	snop  }
0x5: {  	_ = 	snop  }
0x6: {  	_ = 	snop  }
0x7: {  	_ = 	snop  }
__scs_overlays_trampoline_lowered:
0x8: {  	[smem:$0x3F9E] =	sst s0  }
0x9: {  	[smem:$0x3F9F] =	sst s1  }
0xa: {  	[smem:$0x3FA0] =	sst s2  }
0xb: {  	[smem:$0x3FA1] =	sst s3  }
0xc: {  	[smem:$0x3FA2] =	sst s4  }
0xd: {  	[smem:$0x3FA3] =	sst s5  }
0xe: {  	[smem:$0x3FA4] =	sst s6  }
0xf: {  	[smem:$0x3FA5] =	sst s7  }
0x10: {  	[smem:$0x3FA6] =	sst s8  }
0x11: {  	[smem:$0x3FA7] =	sst s9;
	s0 =	simm.s32 @!p0 $0x0  }
0x12: {  	s1 =	sld [smem:$0x3F8D];
	s0 =	simm.s32 @p0 $0x1  }
0x13: {  	[smem:$0x3FA8] =	sst s0;
	s0 =	simm.s32 @!p1 $0x0  }
0x14: {  	s2 =	sld [smem:$0x3F8C];
	s0 =	simm.s32 @p1 $0x1  }
0x15: {  	[smem:$0x3FA9] =	sst s0;
	s0 =	simm.s32 @!p2 $0x0  }
0x16: {  	s3 =	sld [smem:$0x3FDB];
	s0 =	simm.s32 @p2 $0x1  }
0x17: {  	s4 =	simm.s32 $0x1BF5;
	[smem:$0x3FAB] =	sst s0  }
0x18: {  	s0 =	sld [smem:$0x3F8E];
	_ =	swait.ge [sflag:s4], $0x0  }
0x19: {  	s7 =	sld [smem:$0x3F8F]  }
0x1a: {  	s8 =	sadd.s32 $0xFFFFE003, lr  }
0x1b: {  	s9 =	sadd.s32 $0xFFFFFEF7, lr;
	s5 =	simm.s32 $0xFFFFFFFF;
	p2 =	slt.u32 s8, $0xFFFFF086  }
0x1c: {  	p1 =	slt.u32 s9, $0xF7A;
	s5 =	simm.s32 @!p2 $0x0  }
0x1d: {  	s5 =	simm.s32 @p1 $0x1;
	p0 =	seq.s32 s7, s2  }
0x1e: {  	s7 =	smul.u32 @!p0 $0xF7A, s2;
	p2 =	seq.s32 @!p0 s5, $0x0  }
0x1f: {  	s9 =	smul.u32 $0xF7A, s1;
	s8 =	simm.s32 @!p0 $0x1BF5;
	p2 =	por !p2, p0  }
0x20: {  	[sflag:s8] =	ssyncset.s32 @!p0 $0xFFFFF086;
	s6 =	sadd.s32 @!p0 s3, s7;
	s7 =	simm.s32 @!p0 $0x108  }
0x21: {  	s3 =	sadd.s32 s3, s9;
	s6 =	sadd.s32 @!p0 $0x88, s6;
	s7 =	simm.s32 @p2 $0x1082  }
0x22: {  	[simem:s7], [sflag:s8] =	dma.local @!p0 [hbm:s6], $0xF7A  }
0x23: {  	s9 =	sor.u32 $0xD0000000, s2;
	s6 =	simm.s32 $0x108;
	_ =	swait.ge @!p0 [sflag:s8], $0x0  }
0x24: {  	s3 =	sadd.s32 $0x88, s3;
	s6 =	simm.s32 @!p1 $0x1082;
	[sflag:s4] =	ssyncset.s32 $0xFFFFF086  }
0x25: {  	[simem:s6], [sflag:s4] =	dma.local [hbm:s3], $0xF7A  }
0x26: {  	[smem:$0x3F8F] =	sst s1;
	(tag) =	ssettag s2;
	_ =	strace s9  }
0x27: {  	s1 =	sld [smem:$0x3F9F]  }
0x28: {  	s2 =	sld [smem:$0x3FA0]  }
0x29: {  	s4 =	sld [smem:$0x3FA2]  }
0x2a: {  	p0 =	seq.s32 s5, $0x0;
	s5 =	sld [smem:$0x3FA3]  }
0x2b: {  	s6 =	sld [smem:$0x3FA4]  }
0x2c: {  	s7 =	sld [smem:$0x3FA5]  }
0x2d: {  	s3 =	simm.s32 $0x108;
	s8 =	sld [smem:$0x3FA6]  }
0x2e: {  	s3 =	simm.s32 @!p0 $0x1082;
	s9 =	sld [smem:$0x3FA7]  }
0x2f: {  	lr =	sadd.s32 s0, s3;
	s0 =	sld [smem:$0x3F9E]  }
0x30: {  	s3 =	sld [smem:$0x3FA1]  }
0x31: {  	[smem:$0x3FAA] =	sst s10  }
0x32: {  	s10 =	sld [smem:$0x3FA8];
	_ =	sdelay $0x3  }
0x33: {  	p0 =	seq.s32 s10, $0x1;
	s10 =	sld [smem:$0x3FAA];
	_ =	sdelay $0x3  }
0x34: {  	[smem:$0x3FAA] =	sst s10  }
0x35: {  	s10 =	sld [smem:$0x3FA9];
	_ =	sdelay $0x3  }
0x36: {  	p1 =	seq.s32 s10, $0x1;
	s10 =	sld [smem:$0x3FAA];
	_ =	sdelay $0x3  }
0x37: {  	[smem:$0x3FAA] =	sst s10  }
0x38: {  	s10 =	sld [smem:$0x3FAB]  }
0x39: {  	_ = 	snop;
	(pc) =	sbr.ind lr, $3  }
0x3a: {  	_ = 	snop  }
0x3b: {  	_ = 	snop  }
0x3c: {  	p2 =	seq.s32 s10, $0x1;
	s10 =	sld [smem:$0x3FAA]  }
0x3d: {  	_ =	shalt  }
0x3e: {  	_ =	shalt  }
0x3f: {  	_ =	shalt  }
0x40: {  	_ =	shalt  }
0x41: {  	_ =	shalt  }
0x42: {  	_ =	shalt  }
0x43: {  	_ =	shalt  }
0x44: {  	_ =	shalt  }
0x45: {  	_ =	shalt  }
0x46: {  	_ =	shalt  }
0x47: {  	_ =	shalt  }
0x48: {  	_ =	shalt  }
0x49: {  	_ =	shalt  }
0x4a: {  	_ =	shalt  }
0x4b: {  	_ =	shalt  }
0x4c: {  	_ =	shalt  }
0x4d: {  	_ =	shalt  }
0x4e: {  	_ =	shalt  }
0x4f: {  	_ =	shalt  }
0x50: {  	_ =	shalt  }
0x51: {  	_ =	shalt  }
0x52: {  	_ =	shalt  }
0x53: {  	_ =	shalt  }
0x54: {  	_ =	shalt  }
0x55: {  	_ =	shalt  }
0x56: {  	_ =	shalt  }
0x57: {  	_ =	shalt  }
0x58: {  	_ =	shalt  }
0x59: {  	_ =	shalt  }
0x5a: {  	_ =	shalt  }
0x5b: {  	_ =	shalt  }
0x5c: {  	_ =	shalt  }
0x5d: {  	_ =	shalt  }
0x5e: {  	_ =	shalt  }
0x5f: {  	_ =	shalt  }
0x60: {  	_ =	shalt  }
0x61: {  	_ =	shalt  }
0x62: {  	_ =	shalt  }
0x63: {  	_ =	shalt  }
0x64: {  	_ =	shalt  }
0x65: {  	_ =	shalt  }
0x66: {  	_ =	shalt  }
0x67: {  	_ =	shalt  }
0x68: {  	_ =	shalt  }
0x69: {  	_ =	shalt  }
0x6a: {  	_ =	shalt  }
0x6b: {  	_ =	shalt  }
0x6c: {  	_ =	shalt  }
0x6d: {  	_ =	shalt  }
0x6e: {  	_ =	shalt  }
0x6f: {  	_ =	shalt  }
0x70: {  	_ =	shalt  }
0x71: {  	_ =	shalt  }
0x72: {  	_ =	shalt  }
0x73: {  	_ =	shalt  }
0x74: {  	_ =	shalt  }
0x75: {  	_ =	shalt  }
0x76: {  	_ =	shalt  }
0x77: {  	_ =	shalt  }
0x78: {  	_ =	shalt  }
0x79: {  	_ =	shalt  }
0x7a: {  	_ =	shalt  }
0x7b: {  	_ =	shalt  }
0x7c: {  	_ =	shalt  }
0x7d: {  	_ =	shalt  }
0x7e: {  	_ =	shalt  }
0x7f: {  	_ =	shalt  }
0x80: {  	_ =	shalt  }
0x81: {  	_ =	shalt  }
0x82: {  	_ =	shalt  }
0x83: {  	_ =	shalt  }
0x84: {  	_ =	shalt  }
0x85: {  	_ =	shalt  }
0x86: {  	_ =	shalt  }
0x87: {  	_ =	shalt  }
.Lfunc_end0:
.L_simem_size_0:
called_computation_lowered:
.L_overlay_start_0:
0x88: {  	s2 =	sld [smem:$0x3FD9]  }
0x89: {  	s3 =	sld [smem:$0x3FFE];
	_ =	sdelay $0x1  }
0x8a: {  	s1 =	srdreg.scid  }
0x8b: {  	s0 =	sand.u32 $0x1, s1  }
0x8c: {  	s16 =	sshll.u32 s0, $0xA;
	s2 =	sadd.s32 s3, s2  }
0x8d: {  	s2 =	sadd.s32 s2, s16  }
0x8e: {  	[smem:$0x3FB6] =	sst s2  }
0x8f: {  	_ = 	snop  }
0x90: {  	(tm) =	ssettm $0x1  }
0x91: {  	s17 =	sld [smem:$0x3FFB];
	_ =	sdelay $0x3  }
0x92: {  	_ =	strace s17  }
0x93: {  	s2 =	sld [smem:$0x3FFC];
	_ =	sdelay $0x3  }
0x94: {  	_ =	strace s2  }
0x95: {  	s2 =	sld [smem:$0x3FFD];
	_ =	sdelay $0x3  }
0x96: {  	_ =	strace s2  }
0x97: {  	_ =	strace $0x8FFFFFFF  }
0x98: {  	s18 =	sld [smem:$0x3FDB];
	_ =	sdelay $0x1  }
0x99: {  	s19 =	simm.s32 $_scs_section_size  }
0x9a: {  	s4 =	simm.s32 $_size__tile_overlayer_lowered;
	s5 =	simm.s32 $_tile_overlayer_lowered  }
0x9b: {  	s22 =	simm.s32 $0x1BFF;
	s21 =	sshll.u32 s5, $0x1;
	s2 =	sadd.s32 s19, s18  }
0x9c: {  	s6 =	simm.s32 $0x0;
	s20 =	sshll.u32 s4, $0x1;
	s4 =	sadd.s32 s21, s2  }
0x9d: {  	[timem:s6], [sflag:s22] =	dma.local [hbm:s4], s20  }
0x9e: {  	_ =	swait.ge [sflag:s22], s20  }
0x9f: {  	s3 =	ssub.s32 $0x0, s20;
	[sflag:s22] =	ssyncset.done $0x0  }
0xa0: {  	[sflag:s22] =	ssyncadd.s32 s3;
	_ =	sdelay $0x1  }
0xa1: {  	s23 =	simm.s32 $0x1B8B  }
0xa2: {  	_ =	swait.ge [sflag:s23], $0x1  }
0xa3: {  	[sflag:s23] =	ssyncset.done $0x0  }
0xa4: {  	s25 =	simm.s32 $0x1B8E;
	s24 =	sld [smem:$0x3FFE];
	[sflag:s23] =	ssyncadd.s32 $0xFFFFFFFF  }
0xa5: {  	s26 =	simm.s32 $execute0_lowered;
	[smem:$0x3FD2] =	sst s25  }
0xa6: {  	s4 =	sshll.u32 s26, $0x1;
	_ =	strace $0x80000046;
	[dreg:$0x1] =	wrdreg $0xFFFFFFFF  }
0xa7: {  	s28 =	simm.s32 $_size_execute0_lowered;
	s2 =	sadd.s32 s2, s4;
	[dreg:$0x0] =	wrdreg $0x0  }
0xa8: {  	s4 =	sshll.u32 s28, $0x1;
	[dreg:$0x2] =	wrdreg s2  }
0xa9: {  	[dreg:$0x3] =	wrdreg s4  }
0xaa: {  	[dreg:$0x4] =	wrdreg $0xC0  }
0xab: {  	_ =	task [dreg:s6], $0x5FFFF  }
0xac: {  	[dreg:$0x1] =	wrdreg $0xFFFFFFFF  }
0xad: {  	[dreg:$0x0] =	wrdreg $0x60  }
0xae: {  	[dreg:$0x2] =	wrdreg s24  }
0xaf: {  	[dreg:$0x3] =	wrdreg $0x51000  }
0xb0: {  	[dreg:$0x4] =	wrdreg $0x53780  }
0xb1: {  	[dreg:$0x5] =	wrdreg $0x9  }
0xb2: {  	_ =	task.clear_ibuf [dreg:s6], $0x6FFFF;
	_ =	strace $0x90000046  }
0xb3: {  	s29 =	simm.s32 $0x9;
	_ =	strace $0x80000048  }
0xb4: {  	_ =	swait.ge [sflag:s29], $0x1  }
0xb5: {  	[sflag:s29] =	ssyncadd.s32 $0xFFFFFFFF  }
0xb6: {  	_ =	strace $0x90000048  }
0xb7: {  	_ =	sfence  }
0xb8: {  	s30 =	sld [smem:$0x0];
	_ =	sdelay $0x2  }
0xb9: {  	s31 =	sshll.u32 s1, $0xD;
	s1 =	sshrl.u32 s1, $0x2  }
0xba: {  	s3 =	sand.u32 $0x4000, s31;
	s1 =	sadd.s32 s1, s30  }
0xbb: {  	s0 =	sor.u32 s3, s0;
	s1 =	sshll.u32 s1, $0x11  }
0xbc: {  	s0 =	sor.u32 s1, s0  }
0xbd: {  	s0 =	sadd.s32 $0x8F2B, s0  }
0xbe: {  	[sflag:s0] =	ssyncadd.remote.s32 $0x1  }
0xbf: {  	_ =	sfence.sel $0xFFFF  }
0xc0: {  	[dreg:$0x0] =	wrdreg $0xFFFFFFFF;
	(pc) =	sbr.abs _section_cstart, $3  }
0xc1: {  	[dreg:$0x1] =	wrdreg $0xFFFFFFFF  }
0xc2: {  	_ =	task.clear_ibuf [dreg:s6], $0x2FFFF;
	_ =	strace $0x9FFFFFFF  }
0xc3: {  	(tm) =	ssettm $0x7FFFFFFF  }
tec
execute0_lowered:
.L_overlay_start_1:
0x0: {  	(tag) =	ssettag $0x1  }
0x1: {  	s5 =	rddreg [dreg:$0x0]  }
0x2: {  	s0 =	srdreg.scid;
	s1 =	rddreg [dreg:$0x1]  }
0x3: {  	s10 =	stileid.u32;
	s2 =	rddreg [dreg:$0x2]  }
0x4: {  	s3 =	simm.s32 $0x0;
	s14 =	simm.s32 $0x100;
	s15 =	simm.s32 $0x5000  }
0x5: {  	s16 =	simm.s32 $0x1;
	s17 =	simm.s32 $0x2;
	s18 =	simm.s32 $0x0  }
0x6: {  	s4 =	sand.u32 $0x1, s0;
	[smem:$0x7FF] =	sst s3;
	p0 =	sne.s32 s10, $0x0  }
0x7: {  	s0 =	sshll.u32 s4, $0x4;
	s7 =	smul.u32 $0x4E2, s4;
	s8 =	ssub.s32 $0x2, s4  }
0x8: {  	s4 =	sadd.s32 $0x17000, s5;
	s12 =	sshrl.u32 @!p0 s1, $0x3;
	s13 =	sshrl.u32 @!p0 s2, $0x3  }
0x9: {  	s6 =	sor.u32 s10, s0;
	s0 =	rddreg [dreg:$0x3];
	_ =	strace $0x80000047  }
0xa: {  	s9 =	sshrl.u32 s8, $0x1;
	s6 =	smul.u32 $0x4E2, s6;
	s11 =	sadd.s32 s7, s5  }
0xb: {  	s10 =	simm.s32 $0x3;
	s9 =	ssub.s32 s8, s9;
	s7 =	sadd.s32 $0x18000, s11  }
0xc: {  	s8 =	sadd.s32 $0x17600, s11;
	s9 =	smax.u32 s9, $0x1;
	s6 =	sadd.s32 s6, s5  }
0xd: {  	v0 =	vimm.f32 $1.000000000e+00;
	v1 =	vimm.s32 $0x0;
	v2 =	vimm.s32 $0x2710;
	s11 =	simm.s32 $0x2800;
	s5 =	sadd.s32 $0xD200, s6;
	s6 =	sadd.s32 $0x3400, s6  }
.LBB2_1:
0xe: {  	[tilespmem:$0x5000] =	vst v0  }
0xf: {  	[tilespmem:$0x5010] =	vst v0  }
0x10: {  	[tilespmem:$0x5020] =	vst v0  }
0x11: {  	[tilespmem:$0x5030] =	vst v0  }
0x12: {  	[tilespmem:$0x5040] =	vst v0  }
0x13: {  	[tilespmem:$0x5050] =	vst v0  }
0x14: {  	[tilespmem:$0x5060] =	vst v0  }
0x15: {  	[tilespmem:$0x5070] =	vst v0  }
0x16: {  	[tilespmem:$0x5080] =	vst v0  }
0x17: {  	[tilespmem:$0x5090] =	vst v0  }
0x18: {  	[tilespmem:$0x50A0] =	vst v0  }
0x19: {  	[tilespmem:$0x50B0] =	vst v0  }
0x1a: {  	[tilespmem:$0x50C0] =	vst v0  }
0x1b: {  	[tilespmem:$0x50D0] =	vst v0  }
0x1c: {  	[tilespmem:$0x50E0] =	vst v0  }
0x1d: {  	[tilespmem:$0x50F0] =	vst v0  }
0x1e: {  	[tilespmem:s3], [sflag:$0x3] =	stream.linear.gather [hbm4b:s5+s3], $0x2710, $0x38;
	[tilespmem:$0x55F0] =	vst v63  }
0x1f: {  	_ =	swait.ge [sflag:s10], $0x2710  }
0x20: {  	[sflag:s10] =	ssyncset.done $0x0  }
0x21: {  	[sflag:s10] =	ssyncadd.s32 $0xFFFFD8F0  }
0x22: {  	[tilespmem:s11], [sflag:$0x3] =	stream.linear.gather [hbm4b:s6+s3], $0x2710, $0x38;
	[tilespmem:$0x55F0] =	vst v63  }
0x23: {  	_ =	swait.ge [sflag:s10], $0x2710  }
0x24: {  	[sflag:s10] =	ssyncset.done $0x0  }
0x25: {  	[sflag:s10] =	ssyncadd.s32 $0xFFFFD8F0  }
0x26: {  	[tilespmem:$0x2710] =	vst v1  }
0x27: {  	[tilespmem:$0x4F10] =	vst v2  }
0x28: {  	[tilespmem:$0x2720] =	vst v1  }
0x29: {  	[tilespmem:$0x4F20] =	vst v2  }
0x2a: {  	[tilespmem:$0x2730] =	vst v1  }
0x2b: {  	[tilespmem:$0x4F30] =	vst v2  }
0x2c: {  	[tilespmem:$0x2740] =	vst v1  }
0x2d: {  	[tilespmem:$0x4F40] =	vst v2  }
0x2e: {  	[tilespmem:$0x2750] =	vst v1  }
0x2f: {  	[tilespmem:$0x4F50] =	vst v2  }
0x30: {  	[tilespmem:$0x2760] =	vst v1  }
0x31: {  	[tilespmem:$0x4F60] =	vst v2  }
0x32: {  	[tilespmem:$0x2770] =	vst v1  }
0x33: {  	[tilespmem:$0x4F70] =	vst v2  }
0x34: {  	[tilespmem:$0x2780] =	vst v1  }
0x35: {  	[tilespmem:$0x4F80] =	vst v2  }
0x36: {  	[tilespmem:$0x2790] =	vst v1  }
0x37: {  	[tilespmem:$0x4F90] =	vst v2  }
0x38: {  	[tilespmem:$0x27A0] =	vst v1  }
0x39: {  	[tilespmem:$0x4FA0] =	vst v2  }
0x3a: {  	[tilespmem:$0x27B0] =	vst v1  }
0x3b: {  	[tilespmem:$0x4FB0] =	vst v2  }
0x3c: {  	[tilespmem:$0x27C0] =	vst v1  }
0x3d: {  	[tilespmem:$0x4FC0] =	vst v2  }
0x3e: {  	[tilespmem:$0x27D0] =	vst v1  }
0x3f: {  	[tilespmem:$0x4FD0] =	vst v2  }
0x40: {  	[tilespmem:$0x27E0] =	vst v1  }
0x41: {  	[tilespmem:$0x4FE0] =	vst v2  }
0x42: {  	[tilespmem:$0x27F0] =	vst v1  }
0x43: {  	s19 =	simm.s32 @!p0 $0x1C03;
	s20 =	simm.s32 @!p0 $0x3;
	[tilespmem:$0x4FF0] =	vst v2  }
0x44: {  	[spmem:s12], [sflag:s19] =	dma.local @!p0 [hbm:s4], $0x4E3  }
0x45: {  	_ =	swait.ge @!p0 [sflag:s20], $0x4E3  }
0x46: {  	[sflag:s20] =	ssyncset.done @!p0 $0x0  }
0x47: {  	[sflag:s20] =	ssyncadd.s32 @!p0 $0xFFFFFB1D  }
0x48: {  	[spmem:s13], [sflag:s19] =	dma.local @!p0 [hbm:s4], $0x4E3  }
0x49: {  	_ =	swait.ge @!p0 [sflag:s20], $0x4E3  }
0x4a: {  	[sflag:s20] =	ssyncset.done @!p0 $0x0  }
0x4b: {  	s31 =	simm.s32 $0x2800;
	[sflag:s20] =	ssyncadd.s32 @!p0 $0xFFFFFB1D  }
0x4c: {  	s19 =	simm.s32 $0x400;
	s20 =	simm.s32 $0x0;
	[bflag:$0x0] =	sbarrier.arrive $0xFFFF  }
0x4d: {  	[spmem:s1] =	stream.indirect.scatter.add.f32 [tilespmem:s15], [sflag:$0x1], $0x1, s31, s14, $0xb8;
	[tilespmem:$0x55F0] =	vst v63  }
.LBB2_2:
0x4e: {  	[spmem:s2] =	stream.indirect.scatter.add.f32 [tilespmem:s15], [sflag:$0x2], $0x1, s20, s14, $0xb8;
	[tilespmem:$0x55F0] =	vst v63  }
0x4f: {  	p1 =	sne.s32 s19, $0x9C00  }
.Ltmp0:
0x50: {  	s20 =	smov.u32 s19;
	(pc) =	sbr.rel @p1 .LBB2_2-.Ltmp0, $4  }
0x51: {  	s19 =	sadd.s32 $0x400, s19  }
0x52: {  	s20 =	sshra.s32 s20, $0x2  }
0x53: {  	s21 =	sadd.s32 $0x2800, s20  }
0x54: {  	[spmem:s1] =	stream.indirect.scatter.add.f32 [tilespmem:s15], [sflag:$0x1], $0x1, s21, s14, $0xb8;
	[tilespmem:$0x55F0] =	vst v63  }
0x55: {  	[spmem:s2] =	stream.indirect.scatter.add.f32 [tilespmem:s15], [sflag:$0x2], $0x1, s20, s14, $0xb8;
	[tilespmem:$0x55F0] =	vst v63  }
0x56: {  	_ =	swait.ge [sflag:s16], $0x100  }
0x57: {  	[sflag:s16] =	ssyncset.done $0x0  }
0x58: {  	[sflag:s16] =	ssyncadd.s32 $0xFFFFFF00  }
0x59: {  	_ =	swait.ge [sflag:s17], $0x100  }
0x5a: {  	s19 =	simm.s32 $0x27;
	[sflag:s17] =	ssyncset.done $0x0  }
.LBB2_4:
0x5b: {  	p1 =	sne.s32 s19, $0x1;
	s19 =	sadd.s32 $0xFFFFFFFF, s19;
	[sflag:s17] =	ssyncadd.s32 $0xFFFFFF00  }
.Ltmp1:
0x5c: {  	_ =	swait.ge [sflag:s16], $0x100;
	(pc) =	sbr.rel @p1 .LBB2_4-.Ltmp1, $4  }
0x5d: {  	[sflag:s16] =	ssyncset.done $0x0  }
0x5e: {  	[sflag:s16] =	ssyncadd.s32 $0xFFFFFF00  }
0x5f: {  	_ =	swait.ge [sflag:s17], $0x100  }
0x60: {  	[sflag:s17] =	ssyncset.done $0x0  }
0x61: {  	[sflag:s17] =	ssyncadd.s32 $0xFFFFFF00  }
0x62: {  	s19 =	simm.s32 @!p0 $0x1C03;
	s20 =	simm.s32 @!p0 $0x3;
	[bflag:$0x0] =	sbarrier.arrive $0xFFFF  }
0x63: {  	[hbm:s7], [sflag:s19] =	dma.local @!p0 [spmem:s12], $0x4E2  }
0x64: {  	s18 =	sadd.s32 $0x1, s18;
	_ =	swait.ge @!p0 [sflag:s20], $0x4E2  }
0x65: {  	p1 =	sne.s32 s18, s9;
	[sflag:s20] =	ssyncset.done @!p0 $0x0  }
.Ltmp2:
0x66: {  	[sflag:s20] =	ssyncadd.s32 @!p0 $0xFFFFFB1E;
	(pc) =	sbr.rel @p1 .LBB2_1-.Ltmp2, $4  }
0x67: {  	[hbm:s8], [sflag:s19] =	dma.local @!p0 [spmem:s13], $0x4E2  }
0x68: {  	_ =	swait.ge @!p0 [sflag:s20], $0x4E2  }
0x69: {  	[sflag:s20] =	ssyncset.done @!p0 $0x0  }
0x6a: {  	[sflag:s20] =	ssyncadd.s32 @!p0 $0xFFFFFB1E  }
0x6b: {  	_ =	sfence.sel $0x180000  }
0x6c: {  	[bflag:$0x0] =	sbarrier.arrive $0xFFFF  }
0x6d: {  	_ =	strace $0x90000047  }
0x6e: {  	s0 =	sadd.s32 @!p0 $0x100000, s0;
	[bflag:$0x2] =	sbarrier.arrive $0xFFFF  }
0x6f: {  	[sflag:s0] =	ssyncadd.tile.s32 @!p0 $0x1;
	_ =	shalt  }
.Lfunc_end2:
_tile_overlayer_lowered:
.L_overlay_start_2:
0x70: {  	(tag) =	ssettag $0x2  }
0x71: {  	s0 =	rddreg [dreg:$0x0];
	s2 =	stileid.u32  }
0x72: {  	s1 =	rddreg [dreg:$0x1];
	p0 =	sne.s32 s2, $0x0  }
0x73: {  	s3 =	rddreg [dreg:$0x2];
	[bflag:$0x3] =	sbarrier.arrive $0xFFFF;
	s2 =	simm.s32 @!p0 $0x1C03  }
0x74: {  	[timem:s3], [sflag:s2] =	dma.local @!p0 [hbm:s0], s1  }
0x75: {  	s0 =	simm.s32 @!p0 $0x3  }
0x76: {  	_ =	swait.ge @!p0 [sflag:s0], s1  }
0x77: {  	s1 =	ssub.s32 @!p0 $0x0, s1;
	[sflag:s0] =	ssyncset.done @!p0 $0x0  }
0x78: {  	[sflag:s0] =	ssyncadd.s32 @!p0 s1  }
0x79: {  	[bflag:$0x3] =	sbarrier.arrive $0xFFFF  }
0x7a: {  	_ =	shalt  }

</sc_bundles>
